<compile_context>
chip_gen: v7x
topology: tpu7x:2x2x1
jax: 0.10.2.dev20260603
libtpu: 0.0.44.dev20260713+nightly
codegen_flags: <defaults>
</compile_context>

<pallas_src>
import jax
import jax.numpy as jnp
from jax import lax
from jax.experimental import pallas as pl
from jax.experimental.pallas import tpu as pltpu
from jax.experimental.pallas import tpu_sc as plsc

N = 10000
E = 320000
D = 128

NC = 2
NS = 16
NW = NC * NS
C = 128
E_PER_W = E // NW
NCHUNK = 80
NHALF = NCHUNK // 2
E_PAD_W = NCHUNK * C
ACC_ROWS = 10240
ROWS_PER_TILE = ACC_ROWS // NS

_mesh = plsc.VectorSubcoreMesh(core_axis_name="c", subcore_axis_name="s")


def _agg_body(h_hbm, srcp_hbm, dstp_hbm, out_hbm,
              acc, src2d, dst2d, rows0, rows1, sem0, sem1):
    c = lax.axis_index("c")
    s = lax.axis_index("s")
    wid = s * NC + c

    zv = jnp.zeros((16,), jnp.float32)

    def _zero_row(r, _):
        for k in range(D // 16):
            rows0[r, pl.ds(k * 16, 16)] = zv
        return 0

    lax.fori_loop(0, C, _zero_row, 0)
    base = s * ROWS_PER_TILE
    for k in range(ROWS_PER_TILE // C):
        pltpu.sync_copy(rows0, acc.at[pl.ds(base + k * C, C)])

    plsc.subcore_barrier()

    for half in range(NCHUNK // NHALF):
        pltpu.sync_copy(srcp_hbm.at[wid, pl.ds(half * NHALF, NHALF)], src2d)
        pltpu.sync_copy(dstp_hbm.at[wid, pl.ds(half * NHALF, NHALF)], dst2d)
        pltpu.async_copy(h_hbm.at[src2d.at[0]], rows0, sem0)

        def _chunk(i, _):
            j0 = 2 * i
            pltpu.async_copy(h_hbm.at[src2d.at[j0 + 1]], rows1, sem1)
            pltpu.make_async_copy(h_hbm.at[pl.ds(0, C)], rows0, sem0).wait()
            pltpu.sync_copy(rows0, acc.at[dst2d.at[j0]], add=True)

            @pl.when(i < NHALF // 2 - 1)
            def _():
                pltpu.async_copy(h_hbm.at[src2d.at[j0 + 2]], rows0, sem0)

            pltpu.make_async_copy(h_hbm.at[pl.ds(0, C)], rows1, sem1).wait()
            pltpu.sync_copy(rows1, acc.at[dst2d.at[j0 + 1]], add=True)
            return 0

        lax.fori_loop(0, NHALF // 2, _chunk, 0)

    plsc.subcore_barrier()

    r0 = s * ROWS_PER_TILE
    pltpu.sync_copy(acc.at[pl.ds(r0, ROWS_PER_TILE)],
                    out_hbm.at[c, pl.ds(r0, ROWS_PER_TILE)])


_agg = pl.kernel(
    _agg_body,
    out_type=jax.ShapeDtypeStruct((NC, ACC_ROWS, D), jnp.float32),
    mesh=_mesh,
    scratch_types=[
        pltpu.VMEM_SHARED((ACC_ROWS, D), jnp.float32),
        pltpu.VMEM((NHALF, C), jnp.int32),
        pltpu.VMEM((NHALF, C), jnp.int32),
        pltpu.VMEM((C, D), jnp.float32),
        pltpu.VMEM((C, D), jnp.float32),
        pltpu.SemaphoreType.DMA,
        pltpu.SemaphoreType.DMA,
    ],
)



_RB = 1000


def _mm_body(x_ref, w_ref, o_ref):
    o_ref[...] = jnp.dot(x_ref[...], w_ref[...],
                         preferred_element_type=jnp.float32)


def _mm(x, w):
    return pl.pallas_call(
        _mm_body,
        grid=(N // _RB,),
        in_specs=[
            pl.BlockSpec((_RB, D), lambda i: (i, 0)),
            pl.BlockSpec((D, D), lambda i: (0, 0)),
        ],
        out_specs=pl.BlockSpec((_RB, D), lambda i: (i, 0)),
        out_shape=jax.ShapeDtypeStruct((N, D), jnp.float32),
    )(x, w)


def _combine_mm_body(p_ref, b_ref, w_ref, o_ref):
    h = p_ref[0] + p_ref[1] + b_ref[...]
    h = jnp.maximum(h, 0.0)
    o_ref[...] = jnp.dot(h, w_ref[...], preferred_element_type=jnp.float32)


def _combine_mm(p, b, w):
    return pl.pallas_call(
        _combine_mm_body,
        grid=(N // _RB,),
        in_specs=[
            pl.BlockSpec((NC, _RB, D), lambda i: (0, i, 0)),
            pl.BlockSpec((1, D), lambda i: (0, 0)),
            pl.BlockSpec((D, D), lambda i: (0, 0)),
        ],
        out_specs=pl.BlockSpec((_RB, D), lambda i: (i, 0)),
        out_shape=jax.ShapeDtypeStruct((N, D), jnp.float32),
    )(p, b.reshape(1, D), w)


def _final_body(p_ref, b_ref, o_ref):
    h = p_ref[0] + p_ref[1] + b_ref[...]
    m = jnp.max(h, axis=-1, keepdims=True)
    sh = h - m
    o_ref[...] = sh - jnp.log(jnp.sum(jnp.exp(sh), axis=-1, keepdims=True))


def _final(p, b):
    return pl.pallas_call(
        _final_body,
        grid=(N // _RB,),
        in_specs=[
            pl.BlockSpec((NC, _RB, D), lambda i: (0, i, 0)),
            pl.BlockSpec((1, D), lambda i: (0, 0)),
        ],
        out_specs=pl.BlockSpec((_RB, D), lambda i: (i, 0)),
        out_shape=jax.ShapeDtypeStruct((N, D), jnp.float32),
    )(p, b.reshape(1, D))


def kernel(x, edge_index, W1, b1, W2, b2, W3, b3):
    src = edge_index[0].reshape(NW, E_PER_W)
    dst = edge_index[1].reshape(NW, E_PER_W)
    pad = E_PAD_W - E_PER_W
    srcp = jnp.concatenate(
        [src, jnp.zeros((NW, pad), jnp.int32)], axis=1).reshape(NW, NCHUNK, C)
    dstp = jnp.concatenate(
        [dst, jnp.full((NW, pad), N, jnp.int32)], axis=1).reshape(NW, NCHUNK, C)

    h = _mm(x, W1)
    p = _agg(h, srcp, dstp)
    h = _combine_mm(p, b1, W2)
    p = _agg(h, srcp, dstp)
    h = _combine_mm(p, b2, W3)
    p = _agg(h, srcp, dstp)
    return _final(p, b3)

# --- scband reference (transcript-rebuilt; emitter-appended) ---
"""Pipeline reference for scband-gcn-8246337208543 (READ-ONLY COPY).

The authoritative reference and input builder live on the scoring server;
editing this copy changes nothing except your own understanding.
"""

import jax, jax.numpy as jnp
import numpy as np

N_NODES = 10000
N_EDGES = 320000
D_IN = 128
D_HID = 128
D_OUT = 128


def setup_inputs(seed: int = 0) -> dict:
    key = jax.random.key(seed)
    ks = jax.random.split(key, 9)
    x = jax.random.normal(ks[0], (N_NODES, D_IN), dtype=jnp.float32)
    edge_index = jax.random.randint(ks[1], (2, N_EDGES), 0, N_NODES, dtype=jnp.int64 if jax.config.jax_enable_x64 else jnp.int32).astype(jnp.int32)
    s_in = 1.0 / np.sqrt(D_IN)
    s_hid = 1.0 / np.sqrt(D_HID)
    W1 = jax.random.uniform(ks[2], (D_IN, D_HID), dtype=jnp.float32, minval=-s_in, maxval=s_in)
    b1 = jnp.zeros((D_HID,), dtype=jnp.float32)
    W2 = jax.random.uniform(ks[3], (D_HID, D_HID), dtype=jnp.float32, minval=-s_hid, maxval=s_hid)
    b2 = jnp.zeros((D_HID,), dtype=jnp.float32)
    W3 = jax.random.uniform(ks[4], (D_HID, D_OUT), dtype=jnp.float32, minval=-s_hid, maxval=s_hid)
    b3 = jnp.zeros((D_OUT,), dtype=jnp.float32)
    return {"x": x, "edge_index": edge_index, "W1": W1, "b1": b1, "W2": W2, "b2": b2, "W3": W3, "b3": b3}


def _gcn_conv(x, src, dst, W, b, num_nodes):
    # GCNConv(normalize=False), no edge_weight: out = A @ (x W) + b
    h = x @ W
    msgs = jnp.take(h, src, axis=0)           # gather source-node features
    agg = jax.ops.segment_sum(msgs, dst, num_segments=num_nodes)  # scatter-add to dst
    return agg + b


def reference(x, edge_index, W1, b1, W2, b2, W3, b3):
    src = edge_index[0]
    dst = edge_index[1]
    n = x.shape[0]
    h = _gcn_conv(x, src, dst, W1, b1, n)
    h = jax.nn.relu(h)  # dropout p=0.0 -> identity
    h = _gcn_conv(h, src, dst, W2, b2, n)
    h = jax.nn.relu(h)
    h = _gcn_conv(h, src, dst, W3, b3, n)
    return jax.nn.log_softmax(h, axis=-1)

if __name__ == "__main__":
    import jax
    _d = setup_inputs()
    print(jax.jit(kernel)(*tuple(_d.values())))

</pallas_src>

<mosaic_0001>
#map = affine_map<(d0, d1) -> (0, 0)>
#map1 = affine_map<(d0, d1) -> (0, 0, 0)>
module attributes {stable_mosaic.version = 14 : i64} {
  func.func @_agg_body(%arg0: i32, %arg1: i32, %arg2: memref<10000x128xf32, #tpu.memory_space<hbm>>, %arg3: memref<32x80x128xi32, #tpu.memory_space<hbm>>, %arg4: memref<32x80x128xi32, #tpu.memory_space<hbm>>, %arg5: memref<2x10240x128xf32, #tpu.memory_space<hbm>>, %arg6: memref<10240x128xf32, #tpu.memory_space<vmem_shared>>, %arg7: memref<40x128xi32, #tpu.memory_space<vmem>>, %arg8: memref<40x128xi32, #tpu.memory_space<vmem>>, %arg9: memref<128x128xf32, #tpu.memory_space<vmem>>, %arg10: memref<128x128xf32, #tpu.memory_space<vmem>>, %arg11: memref<!tpu.dma_semaphore, #tpu.memory_space<semaphore_mem>>, %arg12: memref<!tpu.dma_semaphore, #tpu.memory_space<semaphore_mem>>) attributes {dimension_semantics = [#tpu.dimension_semantics<core_parallel>, #tpu.dimension_semantics<subcore_parallel>], iteration_bounds = array<i64: 2, 16>, scalar_prefetch = 0 : i64, scratch_operands = 7 : i64, tpu.core_type = #tpu.core_type<sc_vector_subcore>, window_params = [{transform_indices = #map}, {transform_indices = #map1}, {transform_indices = #map1}, {transform_indices = #map1}]} {
    %mul3A = arith.constant 2 : i32
    %mul3A_0 = arith.muli %arg1, %mul3A : i32
    %add3A = arith.addi %mul3A_0, %arg0 : i32
    %broadcast_in_dim3A = arith.constant 0.000000e+00 : f32
    %broadcast_in_dim3A_1 = vector.broadcast %broadcast_in_dim3A : f32 to vector<16xf32>
    %scan3A = arith.constant 0 : i32
    %scan3A_2 = arith.constant 0 : i32
    %scan3A_3 = arith.constant 128 : i32
    %scan3A_4 = arith.addi %scan3A_2, %scan3A_3 : i32
    %scan3A_5 = arith.constant 1 : i32
    %scan3A_6 = scf.for %scan3A_50 = %scan3A_2 to %scan3A_4 step %scan3A_5 iter_args(%scan3A_51 = %scan3A) -> (i32)  : i32 {
      %swap3A = arith.index_cast %scan3A_50 : i32 to index
      %swap3A_52 = arith.constant 0 : index
      %swap3A_53 = tpu.vector_load %arg9[%swap3A, %swap3A_52] {strides = array<i32>} : memref<128x128xf32, #tpu.memory_space<vmem>>, vector<1x16xf32>,
      %swap3A_54 = vector.shape_cast %swap3A_53 : vector<1x16xf32> to vector<16xf32>
      %swap3A_55 = vector.shape_cast %broadcast_in_dim3A_1 : vector<16xf32> to vector<1x16xf32>
      tpu.vector_store %arg9[%swap3A, %swap3A_52], %swap3A_55 {strides = array<i32>} : memref<128x128xf32, #tpu.memory_space<vmem>>, vector<1x16xf32>,
      %swap3A_56 = arith.index_cast %scan3A_50 : i32 to index
      %swap3A_57 = arith.constant 16 : index
      %swap3A_58 = tpu.vector_load %arg9[%swap3A_56, %swap3A_57] {strides = array<i32>} : memref<128x128xf32, #tpu.memory_space<vmem>>, vector<1x16xf32>,
      %swap3A_59 = vector.shape_cast %swap3A_58 : vector<1x16xf32> to vector<16xf32>
      %swap3A_60 = vector.shape_cast %broadcast_in_dim3A_1 : vector<16xf32> to vector<1x16xf32>
      tpu.vector_store %arg9[%swap3A_56, %swap3A_57], %swap3A_60 {strides = array<i32>} : memref<128x128xf32, #tpu.memory_space<vmem>>, vector<1x16xf32>,
      %swap3A_61 = arith.index_cast %scan3A_50 : i32 to index
      %swap3A_62 = arith.constant 32 : index
      %swap3A_63 = tpu.vector_load %arg9[%swap3A_61, %swap3A_62] {strides = array<i32>} : memref<128x128xf32, #tpu.memory_space<vmem>>, vector<1x16xf32>,
      %swap3A_64 = vector.shape_cast %swap3A_63 : vector<1x16xf32> to vector<16xf32>
      %swap3A_65 = vector.shape_cast %broadcast_in_dim3A_1 : vector<16xf32> to vector<1x16xf32>
      tpu.vector_store %arg9[%swap3A_61, %swap3A_62], %swap3A_65 {strides = array<i32>} : memref<128x128xf32, #tpu.memory_space<vmem>>, vector<1x16xf32>,
      %swap3A_66 = arith.index_cast %scan3A_50 : i32 to index
      %swap3A_67 = arith.constant 48 : index
      %swap3A_68 = tpu.vector_load %arg9[%swap3A_66, %swap3A_67] {strides = array<i32>} : memref<128x128xf32, #tpu.memory_space<vmem>>, vector<1x16xf32>,
      %swap3A_69 = vector.shape_cast %swap3A_68 : vector<1x16xf32> to vector<16xf32>
      %swap3A_70 = vector.shape_cast %broadcast_in_dim3A_1 : vector<16xf32> to vector<1x16xf32>
      tpu.vector_store %arg9[%swap3A_66, %swap3A_67], %swap3A_70 {strides = array<i32>} : memref<128x128xf32, #tpu.memory_space<vmem>>, vector<1x16xf32>,
      %swap3A_71 = arith.index_cast %scan3A_50 : i32 to index
      %swap3A_72 = arith.constant 64 : index
      %swap3A_73 = tpu.vector_load %arg9[%swap3A_71, %swap3A_72] {strides = array<i32>} : memref<128x128xf32, #tpu.memory_space<vmem>>, vector<1x16xf32>,
      %swap3A_74 = vector.shape_cast %swap3A_73 : vector<1x16xf32> to vector<16xf32>
      %swap3A_75 = vector.shape_cast %broadcast_in_dim3A_1 : vector<16xf32> to vector<1x16xf32>
      tpu.vector_store %arg9[%swap3A_71, %swap3A_72], %swap3A_75 {strides = array<i32>} : memref<128x128xf32, #tpu.memory_space<vmem>>, vector<1x16xf32>,
      %swap3A_76 = arith.index_cast %scan3A_50 : i32 to index
      %swap3A_77 = arith.constant 80 : index
      %swap3A_78 = tpu.vector_load %arg9[%swap3A_76, %swap3A_77] {strides = array<i32>} : memref<128x128xf32, #tpu.memory_space<vmem>>, vector<1x16xf32>,
      %swap3A_79 = vector.shape_cast %swap3A_78 : vector<1x16xf32> to vector<16xf32>
      %swap3A_80 = vector.shape_cast %broadcast_in_dim3A_1 : vector<16xf32> to vector<1x16xf32>
      tpu.vector_store %arg9[%swap3A_76, %swap3A_77], %swap3A_80 {strides = array<i32>} : memref<128x128xf32, #tpu.memory_space<vmem>>, vector<1x16xf32>,
      %swap3A_81 = arith.index_cast %scan3A_50 : i32 to index
      %swap3A_82 = arith.constant 96 : index
      %swap3A_83 = tpu.vector_load %arg9[%swap3A_81, %swap3A_82] {strides = array<i32>} : memref<128x128xf32, #tpu.memory_space<vmem>>, vector<1x16xf32>,
      %swap3A_84 = vector.shape_cast %swap3A_83 : vector<1x16xf32> to vector<16xf32>
      %swap3A_85 = vector.shape_cast %broadcast_in_dim3A_1 : vector<16xf32> to vector<1x16xf32>
      tpu.vector_store %arg9[%swap3A_81, %swap3A_82], %swap3A_85 {strides = array<i32>} : memref<128x128xf32, #tpu.memory_space<vmem>>, vector<1x16xf32>,
      %swap3A_86 = arith.index_cast %scan3A_50 : i32 to index
      %swap3A_87 = arith.constant 112 : index
      %swap3A_88 = tpu.vector_load %arg9[%swap3A_86, %swap3A_87] {strides = array<i32>} : memref<128x128xf32, #tpu.memory_space<vmem>>, vector<1x16xf32>,
      %swap3A_89 = vector.shape_cast %swap3A_88 : vector<1x16xf32> to vector<16xf32>
      %swap3A_90 = vector.shape_cast %broadcast_in_dim3A_1 : vector<16xf32> to vector<1x16xf32>
      tpu.vector_store %arg9[%swap3A_86, %swap3A_87], %swap3A_90 {strides = array<i32>} : memref<128x128xf32, #tpu.memory_space<vmem>>, vector<1x16xf32>,
      %scan3A_91 = arith.constant 0 : i32
      scf.yield %scan3A_91 : i32
    }
    %scan3A_7 = arith.constant 128 : i32
    %mul3A_8 = arith.constant 640 : i32
    %mul3A_9 = arith.muli %arg1, %mul3A_8 : i32
    %add3A_10 = arith.constant 0 : i32
    %add3A_11 = arith.addi %mul3A_9, %add3A_10 : i32
    "tpu.region"() ({
      %run_scoped3A = tpu.sem_alloc : memref<!tpu.dma_semaphore, #tpu.memory_space<semaphore_mem>>
      %dma_start3A_50 = arith.constant 0 : i32
      %dma_start3A_51 = tpu.memref_slice %arg6[%add3A_11, %dma_start3A_50] : memref<10240x128xf32, #tpu.memory_space<vmem_shared>> -> memref<128x128xf32, #tpu.memory_space<vmem_shared>>
      %dma_start3A_52 = arith.constant 0 : i32
      %dma_start3A_53 = tpu.memref_slice %arg6[%add3A_11, %dma_start3A_52] : memref<10240x128xf32, #tpu.memory_space<vmem_shared>> -> memref<128x128xf32, #tpu.memory_space<vmem_shared>>
      tpu.enqueue_dma source(%arg9 : memref<128x128xf32, #tpu.memory_space<vmem>>) target(%dma_start3A_53 : memref<128x128xf32, #tpu.memory_space<vmem_shared>>) target_semaphore(%run_scoped3A : memref<!tpu.dma_semaphore, #tpu.memory_space<semaphore_mem>>)
      %dma_wait3A = arith.constant 0 : i32
      %dma_wait3A_54 = tpu.memref_slice %arg6[%add3A_11, %dma_wait3A] : memref<10240x128xf32, #tpu.memory_space<vmem_shared>> -> memref<128x128xf32, #tpu.memory_space<vmem_shared>>
      %dma_wait3A_55 = arith.constant 0 : i32
      %dma_wait3A_56 = tpu.memref_slice %arg6[%add3A_11, %dma_wait3A_55] : memref<10240x128xf32, #tpu.memory_space<vmem_shared>> -> memref<128x128xf32, #tpu.memory_space<vmem_shared>>
      tpu.wait_dma2 semaphore(%run_scoped3A : memref<!tpu.dma_semaphore, #tpu.memory_space<semaphore_mem>>) src(%arg9 : memref<128x128xf32, #tpu.memory_space<vmem>>) dst(%dma_wait3A_56 : memref<128x128xf32, #tpu.memory_space<vmem_shared>>)
      tpu.yield
    }) : () -> ()
    %add3A_12 = arith.constant 128 : i32
    %add3A_13 = arith.addi %mul3A_9, %add3A_12 : i32
    "tpu.region"() ({
      %run_scoped3A = tpu.sem_alloc : memref<!tpu.dma_semaphore, #tpu.memory_space<semaphore_mem>>
      %dma_start3A_50 = arith.constant 0 : i32
      %dma_start3A_51 = tpu.memref_slice %arg6[%add3A_13, %dma_start3A_50] : memref<10240x128xf32, #tpu.memory_space<vmem_shared>> -> memref<128x128xf32, #tpu.memory_space<vmem_shared>>
      %dma_start3A_52 = arith.constant 0 : i32
      %dma_start3A_53 = tpu.memref_slice %arg6[%add3A_13, %dma_start3A_52] : memref<10240x128xf32, #tpu.memory_space<vmem_shared>> -> memref<128x128xf32, #tpu.memory_space<vmem_shared>>
      tpu.enqueue_dma source(%arg9 : memref<128x128xf32, #tpu.memory_space<vmem>>) target(%dma_start3A_53 : memref<128x128xf32, #tpu.memory_space<vmem_shared>>) target_semaphore(%run_scoped3A : memref<!tpu.dma_semaphore, #tpu.memory_space<semaphore_mem>>)
      %dma_wait3A = arith.constant 0 : i32
      %dma_wait3A_54 = tpu.memref_slice %arg6[%add3A_13, %dma_wait3A] : memref<10240x128xf32, #tpu.memory_space<vmem_shared>> -> memref<128x128xf32, #tpu.memory_space<vmem_shared>>
      %dma_wait3A_55 = arith.constant 0 : i32
      %dma_wait3A_56 = tpu.memref_slice %arg6[%add3A_13, %dma_wait3A_55] : memref<10240x128xf32, #tpu.memory_space<vmem_shared>> -> memref<128x128xf32, #tpu.memory_space<vmem_shared>>
      tpu.wait_dma2 semaphore(%run_scoped3A : memref<!tpu.dma_semaphore, #tpu.memory_space<semaphore_mem>>) src(%arg9 : memref<128x128xf32, #tpu.memory_space<vmem>>) dst(%dma_wait3A_56 : memref<128x128xf32, #tpu.memory_space<vmem_shared>>)
      tpu.yield
    }) : () -> ()
    %add3A_14 = arith.constant 256 : i32
    %add3A_15 = arith.addi %mul3A_9, %add3A_14 : i32
    "tpu.region"() ({
      %run_scoped3A = tpu.sem_alloc : memref<!tpu.dma_semaphore, #tpu.memory_space<semaphore_mem>>
      %dma_start3A_50 = arith.constant 0 : i32
      %dma_start3A_51 = tpu.memref_slice %arg6[%add3A_15, %dma_start3A_50] : memref<10240x128xf32, #tpu.memory_space<vmem_shared>> -> memref<128x128xf32, #tpu.memory_space<vmem_shared>>
      %dma_start3A_52 = arith.constant 0 : i32
      %dma_start3A_53 = tpu.memref_slice %arg6[%add3A_15, %dma_start3A_52] : memref<10240x128xf32, #tpu.memory_space<vmem_shared>> -> memref<128x128xf32, #tpu.memory_space<vmem_shared>>
      tpu.enqueue_dma source(%arg9 : memref<128x128xf32, #tpu.memory_space<vmem>>) target(%dma_start3A_53 : memref<128x128xf32, #tpu.memory_space<vmem_shared>>) target_semaphore(%run_scoped3A : memref<!tpu.dma_semaphore, #tpu.memory_space<semaphore_mem>>)
      %dma_wait3A = arith.constant 0 : i32
      %dma_wait3A_54 = tpu.memref_slice %arg6[%add3A_15, %dma_wait3A] : memref<10240x128xf32, #tpu.memory_space<vmem_shared>> -> memref<128x128xf32, #tpu.memory_space<vmem_shared>>
      %dma_wait3A_55 = arith.constant 0 : i32
      %dma_wait3A_56 = tpu.memref_slice %arg6[%add3A_15, %dma_wait3A_55] : memref<10240x128xf32, #tpu.memory_space<vmem_shared>> -> memref<128x128xf32, #tpu.memory_space<vmem_shared>>
      tpu.wait_dma2 semaphore(%run_scoped3A : memref<!tpu.dma_semaphore, #tpu.memory_space<semaphore_mem>>) src(%arg9 : memref<128x128xf32, #tpu.memory_space<vmem>>) dst(%dma_wait3A_56 : memref<128x128xf32, #tpu.memory_space<vmem_shared>>)
      tpu.yield
    }) : () -> ()
    %add3A_16 = arith.constant 384 : i32
    %add3A_17 = arith.addi %mul3A_9, %add3A_16 : i32
    "tpu.region"() ({
      %run_scoped3A = tpu.sem_alloc : memref<!tpu.dma_semaphore, #tpu.memory_space<semaphore_mem>>
      %dma_start3A_50 = arith.constant 0 : i32
      %dma_start3A_51 = tpu.memref_slice %arg6[%add3A_17, %dma_start3A_50] : memref<10240x128xf32, #tpu.memory_space<vmem_shared>> -> memref<128x128xf32, #tpu.memory_space<vmem_shared>>
      %dma_start3A_52 = arith.constant 0 : i32
      %dma_start3A_53 = tpu.memref_slice %arg6[%add3A_17, %dma_start3A_52] : memref<10240x128xf32, #tpu.memory_space<vmem_shared>> -> memref<128x128xf32, #tpu.memory_space<vmem_shared>>
      tpu.enqueue_dma source(%arg9 : memref<128x128xf32, #tpu.memory_space<vmem>>) target(%dma_start3A_53 : memref<128x128xf32, #tpu.memory_space<vmem_shared>>) target_semaphore(%run_scoped3A : memref<!tpu.dma_semaphore, #tpu.memory_space<semaphore_mem>>)
      %dma_wait3A = arith.constant 0 : i32
      %dma_wait3A_54 = tpu.memref_slice %arg6[%add3A_17, %dma_wait3A] : memref<10240x128xf32, #tpu.memory_space<vmem_shared>> -> memref<128x128xf32, #tpu.memory_space<vmem_shared>>
      %dma_wait3A_55 = arith.constant 0 : i32
      %dma_wait3A_56 = tpu.memref_slice %arg6[%add3A_17, %dma_wait3A_55] : memref<10240x128xf32, #tpu.memory_space<vmem_shared>> -> memref<128x128xf32, #tpu.memory_space<vmem_shared>>
      tpu.wait_dma2 semaphore(%run_scoped3A : memref<!tpu.dma_semaphore, #tpu.memory_space<semaphore_mem>>) src(%arg9 : memref<128x128xf32, #tpu.memory_space<vmem>>) dst(%dma_wait3A_56 : memref<128x128xf32, #tpu.memory_space<vmem_shared>>)
      tpu.yield
    }) : () -> ()
    %add3A_18 = arith.constant 512 : i32
    %add3A_19 = arith.addi %mul3A_9, %add3A_18 : i32
    "tpu.region"() ({
      %run_scoped3A = tpu.sem_alloc : memref<!tpu.dma_semaphore, #tpu.memory_space<semaphore_mem>>
      %dma_start3A_50 = arith.constant 0 : i32
      %dma_start3A_51 = tpu.memref_slice %arg6[%add3A_19, %dma_start3A_50] : memref<10240x128xf32, #tpu.memory_space<vmem_shared>> -> memref<128x128xf32, #tpu.memory_space<vmem_shared>>
      %dma_start3A_52 = arith.constant 0 : i32
      %dma_start3A_53 = tpu.memref_slice %arg6[%add3A_19, %dma_start3A_52] : memref<10240x128xf32, #tpu.memory_space<vmem_shared>> -> memref<128x128xf32, #tpu.memory_space<vmem_shared>>
      tpu.enqueue_dma source(%arg9 : memref<128x128xf32, #tpu.memory_space<vmem>>) target(%dma_start3A_53 : memref<128x128xf32, #tpu.memory_space<vmem_shared>>) target_semaphore(%run_scoped3A : memref<!tpu.dma_semaphore, #tpu.memory_space<semaphore_mem>>)
      %dma_wait3A = arith.constant 0 : i32
      %dma_wait3A_54 = tpu.memref_slice %arg6[%add3A_19, %dma_wait3A] : memref<10240x128xf32, #tpu.memory_space<vmem_shared>> -> memref<128x128xf32, #tpu.memory_space<vmem_shared>>
      %dma_wait3A_55 = arith.constant 0 : i32
      %dma_wait3A_56 = tpu.memref_slice %arg6[%add3A_19, %dma_wait3A_55] : memref<10240x128xf32, #tpu.memory_space<vmem_shared>> -> memref<128x128xf32, #tpu.memory_space<vmem_shared>>
      tpu.wait_dma2 semaphore(%run_scoped3A : memref<!tpu.dma_semaphore, #tpu.memory_space<semaphore_mem>>) src(%arg9 : memref<128x128xf32, #tpu.memory_space<vmem>>) dst(%dma_wait3A_56 : memref<128x128xf32, #tpu.memory_space<vmem_shared>>)
      tpu.yield
    }) : () -> ()
    %barrier3A = arith.constant 0 : index
    tpu.barrier barrier_id(%barrier3A)
    "tpu.region"() ({
      %run_scoped3A = tpu.sem_alloc : memref<!tpu.dma_semaphore, #tpu.memory_space<semaphore_mem>>
      %dma_start3A_50 = arith.constant 0 : i32
      %dma_start3A_51 = arith.constant 0 : i32
      %dma_start3A_52 = tpu.memref_slice %arg3[%add3A, %dma_start3A_50, %dma_start3A_51] : memref<32x80x128xi32, #tpu.memory_space<hbm>> -> memref<1x40x128xi32, #tpu.memory_space<hbm>>
      %dma_start3A_53 = tpu.memref_squeeze %dma_start3A_52 : memref<1x40x128xi32, #tpu.memory_space<hbm>> -> memref<40x128xi32, #tpu.memory_space<hbm>>
      %dma_start3A_54 = arith.constant 0 : i32
      %dma_start3A_55 = arith.constant 0 : i32
      %dma_start3A_56 = tpu.memref_slice %arg3[%add3A, %dma_start3A_54, %dma_start3A_55] : memref<32x80x128xi32, #tpu.memory_space<hbm>> -> memref<1x40x128xi32, #tpu.memory_space<hbm>>
      %dma_start3A_57 = tpu.memref_squeeze %dma_start3A_56 : memref<1x40x128xi32, #tpu.memory_space<hbm>> -> memref<40x128xi32, #tpu.memory_space<hbm>>
      tpu.enqueue_dma source(%dma_start3A_57 : memref<40x128xi32, #tpu.memory_space<hbm>>) target(%arg7 : memref<40x128xi32, #tpu.memory_space<vmem>>) target_semaphore(%run_scoped3A : memref<!tpu.dma_semaphore, #tpu.memory_space<semaphore_mem>>)
      %dma_wait3A = arith.constant 0 : i32
      %dma_wait3A_58 = arith.constant 0 : i32
      %dma_wait3A_59 = tpu.memref_slice %arg3[%add3A, %dma_wait3A, %dma_wait3A_58] : memref<32x80x128xi32, #tpu.memory_space<hbm>> -> memref<1x40x128xi32, #tpu.memory_space<hbm>>
      %dma_wait3A_60 = tpu.memref_squeeze %dma_wait3A_59 : memref<1x40x128xi32, #tpu.memory_space<hbm>> -> memref<40x128xi32, #tpu.memory_space<hbm>>
      %dma_wait3A_61 = arith.constant 0 : i32
      %dma_wait3A_62 = arith.constant 0 : i32
      %dma_wait3A_63 = tpu.memref_slice %arg3[%add3A, %dma_wait3A_61, %dma_wait3A_62] : memref<32x80x128xi32, #tpu.memory_space<hbm>> -> memref<1x40x128xi32, #tpu.memory_space<hbm>>
      %dma_wait3A_64 = tpu.memref_squeeze %dma_wait3A_63 : memref<1x40x128xi32, #tpu.memory_space<hbm>> -> memref<40x128xi32, #tpu.memory_space<hbm>>
      tpu.wait_dma2 semaphore(%run_scoped3A : memref<!tpu.dma_semaphore, #tpu.memory_space<semaphore_mem>>) src(%dma_wait3A_64 : memref<40x128xi32, #tpu.memory_space<hbm>>) dst(%arg7 : memref<40x128xi32, #tpu.memory_space<vmem>>)
      tpu.yield
    }) : () -> ()
    "tpu.region"() ({
      %run_scoped3A = tpu.sem_alloc : memref<!tpu.dma_semaphore, #tpu.memory_space<semaphore_mem>>
      %dma_start3A_50 = arith.constant 0 : i32
      %dma_start3A_51 = arith.constant 0 : i32
      %dma_start3A_52 = tpu.memref_slice %arg4[%add3A, %dma_start3A_50, %dma_start3A_51] : memref<32x80x128xi32, #tpu.memory_space<hbm>> -> memref<1x40x128xi32, #tpu.memory_space<hbm>>
      %dma_start3A_53 = tpu.memref_squeeze %dma_start3A_52 : memref<1x40x128xi32, #tpu.memory_space<hbm>> -> memref<40x128xi32, #tpu.memory_space<hbm>>
      %dma_start3A_54 = arith.constant 0 : i32
      %dma_start3A_55 = arith.constant 0 : i32
      %dma_start3A_56 = tpu.memref_slice %arg4[%add3A, %dma_start3A_54, %dma_start3A_55] : memref<32x80x128xi32, #tpu.memory_space<hbm>> -> memref<1x40x128xi32, #tpu.memory_space<hbm>>
      %dma_start3A_57 = tpu.memref_squeeze %dma_start3A_56 : memref<1x40x128xi32, #tpu.memory_space<hbm>> -> memref<40x128xi32, #tpu.memory_space<hbm>>
      tpu.enqueue_dma source(%dma_start3A_57 : memref<40x128xi32, #tpu.memory_space<hbm>>) target(%arg8 : memref<40x128xi32, #tpu.memory_space<vmem>>) target_semaphore(%run_scoped3A : memref<!tpu.dma_semaphore, #tpu.memory_space<semaphore_mem>>)
      %dma_wait3A = arith.constant 0 : i32
      %dma_wait3A_58 = arith.constant 0 : i32
      %dma_wait3A_59 = tpu.memref_slice %arg4[%add3A, %dma_wait3A, %dma_wait3A_58] : memref<32x80x128xi32, #tpu.memory_space<hbm>> -> memref<1x40x128xi32, #tpu.memory_space<hbm>>
      %dma_wait3A_60 = tpu.memref_squeeze %dma_wait3A_59 : memref<1x40x128xi32, #tpu.memory_space<hbm>> -> memref<40x128xi32, #tpu.memory_space<hbm>>
      %dma_wait3A_61 = arith.constant 0 : i32
      %dma_wait3A_62 = arith.constant 0 : i32
      %dma_wait3A_63 = tpu.memref_slice %arg4[%add3A, %dma_wait3A_61, %dma_wait3A_62] : memref<32x80x128xi32, #tpu.memory_space<hbm>> -> memref<1x40x128xi32, #tpu.memory_space<hbm>>
      %dma_wait3A_64 = tpu.memref_squeeze %dma_wait3A_63 : memref<1x40x128xi32, #tpu.memory_space<hbm>> -> memref<40x128xi32, #tpu.memory_space<hbm>>
      tpu.wait_dma2 semaphore(%run_scoped3A : memref<!tpu.dma_semaphore, #tpu.memory_space<semaphore_mem>>) src(%dma_wait3A_64 : memref<40x128xi32, #tpu.memory_space<hbm>>) dst(%arg8 : memref<40x128xi32, #tpu.memory_space<vmem>>)
      tpu.yield
    }) : () -> ()
    %dma_start3A = arith.constant 0 : i32
    %dma_start3A_20 = arith.constant 0 : i32
    %dma_start3A_21 = tpu.memref_slice %arg7[%dma_start3A, %dma_start3A_20] : memref<40x128xi32, #tpu.memory_space<vmem>> -> memref<1x128xi32, #tpu.memory_space<vmem>>
    %dma_start3A_22 = tpu.memref_squeeze %dma_start3A_21 : memref<1x128xi32, #tpu.memory_space<vmem>> -> memref<128xi32, #tpu.memory_space<vmem>>
    %dma_start3A_23 = arith.constant 0 : i32
    %dma_start3A_24 = arith.constant 0 : i32
    %dma_start3A_25 = tpu.memref_slice %arg2[%dma_start3A_23, %dma_start3A_24] : memref<10000x128xf32, #tpu.memory_space<hbm>> -> memref<10000x128xf32, #tpu.memory_space<hbm>>
    tpu.enqueue_indirect_dma source(%dma_start3A_25 : memref<10000x128xf32, #tpu.memory_space<hbm>>) target(%arg9 : memref<128x128xf32, #tpu.memory_space<vmem>>) offsets(%dma_start3A_22 : memref<128xi32, #tpu.memory_space<vmem>>) semaphore(%arg11 : memref<!tpu.dma_semaphore, #tpu.memory_space<semaphore_mem>>)
    %scan3A_26 = arith.constant 0 : i32
    %scan3A_27 = arith.constant 0 : i32
    %scan3A_28 = arith.constant 20 : i32
    %scan3A_29 = arith.addi %scan3A_27, %scan3A_28 : i32
    %scan3A_30 = arith.constant 1 : i32
    %scan3A_31 = scf.for %scan3A_50 = %scan3A_27 to %scan3A_29 step %scan3A_30 iter_args(%scan3A_51 = %scan3A_26) -> (i32)  : i32 {
      %mul3A_52 = arith.constant 2 : i32
      %mul3A_53 = arith.muli %mul3A_52, %scan3A_50 : i32
      %add3A_54 = arith.constant 1 : i32
      %add3A_55 = arith.addi %mul3A_53, %add3A_54 : i32
      %dma_start3A_56 = arith.constant 0 : i32
      %dma_start3A_57 = tpu.memref_slice %arg7[%add3A_55, %dma_start3A_56] : memref<40x128xi32, #tpu.memory_space<vmem>> -> memref<1x128xi32, #tpu.memory_space<vmem>>
      %dma_start3A_58 = tpu.memref_squeeze %dma_start3A_57 : memref<1x128xi32, #tpu.memory_space<vmem>> -> memref<128xi32, #tpu.memory_space<vmem>>
      %dma_start3A_59 = arith.constant 0 : i32
      %dma_start3A_60 = arith.constant 0 : i32
      %dma_start3A_61 = tpu.memref_slice %arg2[%dma_start3A_59, %dma_start3A_60] : memref<10000x128xf32, #tpu.memory_space<hbm>> -> memref<10000x128xf32, #tpu.memory_space<hbm>>
      tpu.enqueue_indirect_dma source(%dma_start3A_61 : memref<10000x128xf32, #tpu.memory_space<hbm>>) target(%arg10 : memref<128x128xf32, #tpu.memory_space<vmem>>) offsets(%dma_start3A_58 : memref<128xi32, #tpu.memory_space<vmem>>) semaphore(%arg12 : memref<!tpu.dma_semaphore, #tpu.memory_space<semaphore_mem>>)
      %dma_wait3A = arith.constant 0 : i32
      %dma_wait3A_62 = arith.constant 0 : i32
      %dma_wait3A_63 = tpu.memref_slice %arg2[%dma_wait3A, %dma_wait3A_62] : memref<10000x128xf32, #tpu.memory_space<hbm>> -> memref<128x128xf32, #tpu.memory_space<hbm>>
      %dma_wait3A_64 = arith.constant 0 : i32
      %dma_wait3A_65 = arith.constant 0 : i32
      %dma_wait3A_66 = tpu.memref_slice %arg2[%dma_wait3A_64, %dma_wait3A_65] : memref<10000x128xf32, #tpu.memory_space<hbm>> -> memref<128x128xf32, #tpu.memory_space<hbm>>
      tpu.wait_dma2 semaphore(%arg11 : memref<!tpu.dma_semaphore, #tpu.memory_space<semaphore_mem>>) src(%dma_wait3A_66 : memref<128x128xf32, #tpu.memory_space<hbm>>) dst(%arg9 : memref<128x128xf32, #tpu.memory_space<vmem>>)
      "tpu.region"() ({
        %run_scoped3A = tpu.sem_alloc : memref<!tpu.dma_semaphore, #tpu.memory_space<semaphore_mem>>
        %dma_start3A_78 = arith.constant 0 : i32
        %dma_start3A_79 = tpu.memref_slice %arg8[%mul3A_53, %dma_start3A_78] : memref<40x128xi32, #tpu.memory_space<vmem>> -> memref<1x128xi32, #tpu.memory_space<vmem>>
        %dma_start3A_80 = tpu.memref_squeeze %dma_start3A_79 : memref<1x128xi32, #tpu.memory_space<vmem>> -> memref<128xi32, #tpu.memory_space<vmem>>
        %dma_start3A_81 = arith.constant 0 : i32
        %dma_start3A_82 = arith.constant 0 : i32
        %dma_start3A_83 = tpu.memref_slice %arg6[%dma_start3A_81, %dma_start3A_82] : memref<10240x128xf32, #tpu.memory_space<vmem_shared>> -> memref<10240x128xf32, #tpu.memory_space<vmem_shared>>
        tpu.enqueue_indirect_dma source(%arg9 : memref<128x128xf32, #tpu.memory_space<vmem>>) target(%dma_start3A_83 : memref<10240x128xf32, #tpu.memory_space<vmem_shared>>) offsets(%dma_start3A_80 : memref<128xi32, #tpu.memory_space<vmem>>) semaphore(%run_scoped3A : memref<!tpu.dma_semaphore, #tpu.memory_space<semaphore_mem>>) {add = true}
        %dma_wait3A_84 = arith.constant 0 : i32
        %dma_wait3A_85 = tpu.memref_slice %arg8[%mul3A_53, %dma_wait3A_84] : memref<40x128xi32, #tpu.memory_space<vmem>> -> memref<1x128xi32, #tpu.memory_space<vmem>>
        %dma_wait3A_86 = tpu.memref_squeeze %dma_wait3A_85 : memref<1x128xi32, #tpu.memory_space<vmem>> -> memref<128xi32, #tpu.memory_space<vmem>>
        %dma_wait3A_87 = arith.constant 0 : i32
        %dma_wait3A_88 = arith.constant 0 : i32
        %dma_wait3A_89 = tpu.memref_slice %arg6[%dma_wait3A_87, %dma_wait3A_88] : memref<10240x128xf32, #tpu.memory_space<vmem_shared>> -> memref<10240x128xf32, #tpu.memory_space<vmem_shared>>
        tpu.wait_indirect_dma semaphore(%run_scoped3A : memref<!tpu.dma_semaphore, #tpu.memory_space<semaphore_mem>>) src(%arg9 : memref<128x128xf32, #tpu.memory_space<vmem>>) dst(%dma_wait3A_89 : memref<10240x128xf32, #tpu.memory_space<vmem_shared>>)
        tpu.yield
      }) : () -> ()
      %lt3A = arith.constant 19 : i32
      %lt3A_67 = arith.cmpi slt, %scan3A_50, %lt3A : i32
      %convert_element_type3A = arith.extui %lt3A_67 : i1 to i32
      %cond3A = arith.constant 0 : i32
      %cond3A_68 = arith.cmpi ne, %convert_element_type3A, %cond3A : i32
      scf.if %cond3A_68 {
        %add3A_78 = arith.constant 2 : i32
        %add3A_79 = arith.addi %mul3A_53, %add3A_78 : i32
        %dma_start3A_80 = arith.constant 0 : i32
        %dma_start3A_81 = tpu.memref_slice %arg7[%add3A_79, %dma_start3A_80] : memref<40x128xi32, #tpu.memory_space<vmem>> -> memref<1x128xi32, #tpu.memory_space<vmem>>
        %dma_start3A_82 = tpu.memref_squeeze %dma_start3A_81 : memref<1x128xi32, #tpu.memory_space<vmem>> -> memref<128xi32, #tpu.memory_space<vmem>>
        %dma_start3A_83 = arith.constant 0 : i32
        %dma_start3A_84 = arith.constant 0 : i32
        %dma_start3A_85 = tpu.memref_slice %arg2[%dma_start3A_83, %dma_start3A_84] : memref<10000x128xf32, #tpu.memory_space<hbm>> -> memref<10000x128xf32, #tpu.memory_space<hbm>>
        tpu.enqueue_indirect_dma source(%dma_start3A_85 : memref<10000x128xf32, #tpu.memory_space<hbm>>) target(%arg9 : memref<128x128xf32, #tpu.memory_space<vmem>>) offsets(%dma_start3A_82 : memref<128xi32, #tpu.memory_space<vmem>>) semaphore(%arg11 : memref<!tpu.dma_semaphore, #tpu.memory_space<semaphore_mem>>)
      } else {
      }
      %dma_wait3A_69 = arith.constant 0 : i32
      %dma_wait3A_70 = arith.constant 0 : i32
      %dma_wait3A_71 = tpu.memref_slice %arg2[%dma_wait3A_69, %dma_wait3A_70] : memref<10000x128xf32, #tpu.memory_space<hbm>> -> memref<128x128xf32, #tpu.memory_space<hbm>>
      %dma_wait3A_72 = arith.constant 0 : i32
      %dma_wait3A_73 = arith.constant 0 : i32
      %dma_wait3A_74 = tpu.memref_slice %arg2[%dma_wait3A_72, %dma_wait3A_73] : memref<10000x128xf32, #tpu.memory_space<hbm>> -> memref<128x128xf32, #tpu.memory_space<hbm>>
      tpu.wait_dma2 semaphore(%arg12 : memref<!tpu.dma_semaphore, #tpu.memory_space<semaphore_mem>>) src(%dma_wait3A_74 : memref<128x128xf32, #tpu.memory_space<hbm>>) dst(%arg10 : memref<128x128xf32, #tpu.memory_space<vmem>>)
      %add3A_75 = arith.constant 1 : i32
      %add3A_76 = arith.addi %mul3A_53, %add3A_75 : i32
      "tpu.region"() ({
        %run_scoped3A = tpu.sem_alloc : memref<!tpu.dma_semaphore, #tpu.memory_space<semaphore_mem>>
        %dma_start3A_78 = arith.constant 0 : i32
        %dma_start3A_79 = tpu.memref_slice %arg8[%add3A_76, %dma_start3A_78] : memref<40x128xi32, #tpu.memory_space<vmem>> -> memref<1x128xi32, #tpu.memory_space<vmem>>
        %dma_start3A_80 = tpu.memref_squeeze %dma_start3A_79 : memref<1x128xi32, #tpu.memory_space<vmem>> -> memref<128xi32, #tpu.memory_space<vmem>>
        %dma_start3A_81 = arith.constant 0 : i32
        %dma_start3A_82 = arith.constant 0 : i32
        %dma_start3A_83 = tpu.memref_slice %arg6[%dma_start3A_81, %dma_start3A_82] : memref<10240x128xf32, #tpu.memory_space<vmem_shared>> -> memref<10240x128xf32, #tpu.memory_space<vmem_shared>>
        tpu.enqueue_indirect_dma source(%arg10 : memref<128x128xf32, #tpu.memory_space<vmem>>) target(%dma_start3A_83 : memref<10240x128xf32, #tpu.memory_space<vmem_shared>>) offsets(%dma_start3A_80 : memref<128xi32, #tpu.memory_space<vmem>>) semaphore(%run_scoped3A : memref<!tpu.dma_semaphore, #tpu.memory_space<semaphore_mem>>) {add = true}
        %dma_wait3A_84 = arith.constant 0 : i32
        %dma_wait3A_85 = tpu.memref_slice %arg8[%add3A_76, %dma_wait3A_84] : memref<40x128xi32, #tpu.memory_space<vmem>> -> memref<1x128xi32, #tpu.memory_space<vmem>>
        %dma_wait3A_86 = tpu.memref_squeeze %dma_wait3A_85 : memref<1x128xi32, #tpu.memory_space<vmem>> -> memref<128xi32, #tpu.memory_space<vmem>>
        %dma_wait3A_87 = arith.constant 0 : i32
        %dma_wait3A_88 = arith.constant 0 : i32
        %dma_wait3A_89 = tpu.memref_slice %arg6[%dma_wait3A_87, %dma_wait3A_88] : memref<10240x128xf32, #tpu.memory_space<vmem_shared>> -> memref<10240x128xf32, #tpu.memory_space<vmem_shared>>
        tpu.wait_indirect_dma semaphore(%run_scoped3A : memref<!tpu.dma_semaphore, #tpu.memory_space<semaphore_mem>>) src(%arg10 : memref<128x128xf32, #tpu.memory_space<vmem>>) dst(%dma_wait3A_89 : memref<10240x128xf32, #tpu.memory_space<vmem_shared>>)
        tpu.yield
      }) : () -> ()
      %scan3A_77 = arith.constant 0 : i32
      scf.yield %scan3A_77 : i32
    }
    %scan3A_32 = arith.constant 20 : i32
    "tpu.region"() ({
      %run_scoped3A = tpu.sem_alloc : memref<!tpu.dma_semaphore, #tpu.memory_space<semaphore_mem>>
      %dma_start3A_50 = arith.constant 40 : i32
      %dma_start3A_51 = arith.constant 0 : i32
      %dma_start3A_52 = tpu.memref_slice %arg3[%add3A, %dma_start3A_50, %dma_start3A_51] : memref<32x80x128xi32, #tpu.memory_space<hbm>> -> memref<1x40x128xi32, #tpu.memory_space<hbm>>
      %dma_start3A_53 = tpu.memref_squeeze %dma_start3A_52 : memref<1x40x128xi32, #tpu.memory_space<hbm>> -> memref<40x128xi32, #tpu.memory_space<hbm>>
      %dma_start3A_54 = arith.constant 40 : i32
      %dma_start3A_55 = arith.constant 0 : i32
      %dma_start3A_56 = tpu.memref_slice %arg3[%add3A, %dma_start3A_54, %dma_start3A_55] : memref<32x80x128xi32, #tpu.memory_space<hbm>> -> memref<1x40x128xi32, #tpu.memory_space<hbm>>
      %dma_start3A_57 = tpu.memref_squeeze %dma_start3A_56 : memref<1x40x128xi32, #tpu.memory_space<hbm>> -> memref<40x128xi32, #tpu.memory_space<hbm>>
      tpu.enqueue_dma source(%dma_start3A_57 : memref<40x128xi32, #tpu.memory_space<hbm>>) target(%arg7 : memref<40x128xi32, #tpu.memory_space<vmem>>) target_semaphore(%run_scoped3A : memref<!tpu.dma_semaphore, #tpu.memory_space<semaphore_mem>>)
      %dma_wait3A = arith.constant 40 : i32
      %dma_wait3A_58 = arith.constant 0 : i32
      %dma_wait3A_59 = tpu.memref_slice %arg3[%add3A, %dma_wait3A, %dma_wait3A_58] : memref<32x80x128xi32, #tpu.memory_space<hbm>> -> memref<1x40x128xi32, #tpu.memory_space<hbm>>
      %dma_wait3A_60 = tpu.memref_squeeze %dma_wait3A_59 : memref<1x40x128xi32, #tpu.memory_space<hbm>> -> memref<40x128xi32, #tpu.memory_space<hbm>>
      %dma_wait3A_61 = arith.constant 40 : i32
      %dma_wait3A_62 = arith.constant 0 : i32
      %dma_wait3A_63 = tpu.memref_slice %arg3[%add3A, %dma_wait3A_61, %dma_wait3A_62] : memref<32x80x128xi32, #tpu.memory_space<hbm>> -> memref<1x40x128xi32, #tpu.memory_space<hbm>>
      %dma_wait3A_64 = tpu.memref_squeeze %dma_wait3A_63 : memref<1x40x128xi32, #tpu.memory_space<hbm>> -> memref<40x128xi32, #tpu.memory_space<hbm>>
      tpu.wait_dma2 semaphore(%run_scoped3A : memref<!tpu.dma_semaphore, #tpu.memory_space<semaphore_mem>>) src(%dma_wait3A_64 : memref<40x128xi32, #tpu.memory_space<hbm>>) dst(%arg7 : memref<40x128xi32, #tpu.memory_space<vmem>>)
      tpu.yield
    }) : () -> ()
    "tpu.region"() ({
      %run_scoped3A = tpu.sem_alloc : memref<!tpu.dma_semaphore, #tpu.memory_space<semaphore_mem>>
      %dma_start3A_50 = arith.constant 40 : i32
      %dma_start3A_51 = arith.constant 0 : i32
      %dma_start3A_52 = tpu.memref_slice %arg4[%add3A, %dma_start3A_50, %dma_start3A_51] : memref<32x80x128xi32, #tpu.memory_space<hbm>> -> memref<1x40x128xi32, #tpu.memory_space<hbm>>
      %dma_start3A_53 = tpu.memref_squeeze %dma_start3A_52 : memref<1x40x128xi32, #tpu.memory_space<hbm>> -> memref<40x128xi32, #tpu.memory_space<hbm>>
      %dma_start3A_54 = arith.constant 40 : i32
      %dma_start3A_55 = arith.constant 0 : i32
      %dma_start3A_56 = tpu.memref_slice %arg4[%add3A, %dma_start3A_54, %dma_start3A_55] : memref<32x80x128xi32, #tpu.memory_space<hbm>> -> memref<1x40x128xi32, #tpu.memory_space<hbm>>
      %dma_start3A_57 = tpu.memref_squeeze %dma_start3A_56 : memref<1x40x128xi32, #tpu.memory_space<hbm>> -> memref<40x128xi32, #tpu.memory_space<hbm>>
      tpu.enqueue_dma source(%dma_start3A_57 : memref<40x128xi32, #tpu.memory_space<hbm>>) target(%arg8 : memref<40x128xi32, #tpu.memory_space<vmem>>) target_semaphore(%run_scoped3A : memref<!tpu.dma_semaphore, #tpu.memory_space<semaphore_mem>>)
      %dma_wait3A = arith.constant 40 : i32
      %dma_wait3A_58 = arith.constant 0 : i32
      %dma_wait3A_59 = tpu.memref_slice %arg4[%add3A, %dma_wait3A, %dma_wait3A_58] : memref<32x80x128xi32, #tpu.memory_space<hbm>> -> memref<1x40x128xi32, #tpu.memory_space<hbm>>
      %dma_wait3A_60 = tpu.memref_squeeze %dma_wait3A_59 : memref<1x40x128xi32, #tpu.memory_space<hbm>> -> memref<40x128xi32, #tpu.memory_space<hbm>>
      %dma_wait3A_61 = arith.constant 40 : i32
      %dma_wait3A_62 = arith.constant 0 : i32
      %dma_wait3A_63 = tpu.memref_slice %arg4[%add3A, %dma_wait3A_61, %dma_wait3A_62] : memref<32x80x128xi32, #tpu.memory_space<hbm>> -> memref<1x40x128xi32, #tpu.memory_space<hbm>>
      %dma_wait3A_64 = tpu.memref_squeeze %dma_wait3A_63 : memref<1x40x128xi32, #tpu.memory_space<hbm>> -> memref<40x128xi32, #tpu.memory_space<hbm>>
      tpu.wait_dma2 semaphore(%run_scoped3A : memref<!tpu.dma_semaphore, #tpu.memory_space<semaphore_mem>>) src(%dma_wait3A_64 : memref<40x128xi32, #tpu.memory_space<hbm>>) dst(%arg8 : memref<40x128xi32, #tpu.memory_space<vmem>>)
      tpu.yield
    }) : () -> ()
    %dma_start3A_33 = arith.constant 0 : i32
    %dma_start3A_34 = arith.constant 0 : i32
    %dma_start3A_35 = tpu.memref_slice %arg7[%dma_start3A_33, %dma_start3A_34] : memref<40x128xi32, #tpu.memory_space<vmem>> -> memref<1x128xi32, #tpu.memory_space<vmem>>
    %dma_start3A_36 = tpu.memref_squeeze %dma_start3A_35 : memref<1x128xi32, #tpu.memory_space<vmem>> -> memref<128xi32, #tpu.memory_space<vmem>>
    %dma_start3A_37 = arith.constant 0 : i32
    %dma_start3A_38 = arith.constant 0 : i32
    %dma_start3A_39 = tpu.memref_slice %arg2[%dma_start3A_37, %dma_start3A_38] : memref<10000x128xf32, #tpu.memory_space<hbm>> -> memref<10000x128xf32, #tpu.memory_space<hbm>>
    tpu.enqueue_indirect_dma source(%dma_start3A_39 : memref<10000x128xf32, #tpu.memory_space<hbm>>) target(%arg9 : memref<128x128xf32, #tpu.memory_space<vmem>>) offsets(%dma_start3A_36 : memref<128xi32, #tpu.memory_space<vmem>>) semaphore(%arg11 : memref<!tpu.dma_semaphore, #tpu.memory_space<semaphore_mem>>)
    %scan3A_40 = arith.constant 0 : i32
    %scan3A_41 = arith.constant 0 : i32
    %scan3A_42 = arith.constant 20 : i32
    %scan3A_43 = arith.addi %scan3A_41, %scan3A_42 : i32
    %scan3A_44 = arith.constant 1 : i32
    %scan3A_45 = scf.for %scan3A_50 = %scan3A_41 to %scan3A_43 step %scan3A_44 iter_args(%scan3A_51 = %scan3A_40) -> (i32)  : i32 {
      %mul3A_52 = arith.constant 2 : i32
      %mul3A_53 = arith.muli %mul3A_52, %scan3A_50 : i32
      %add3A_54 = arith.constant 1 : i32
      %add3A_55 = arith.addi %mul3A_53, %add3A_54 : i32
      %dma_start3A_56 = arith.constant 0 : i32
      %dma_start3A_57 = tpu.memref_slice %arg7[%add3A_55, %dma_start3A_56] : memref<40x128xi32, #tpu.memory_space<vmem>> -> memref<1x128xi32, #tpu.memory_space<vmem>>
      %dma_start3A_58 = tpu.memref_squeeze %dma_start3A_57 : memref<1x128xi32, #tpu.memory_space<vmem>> -> memref<128xi32, #tpu.memory_space<vmem>>
      %dma_start3A_59 = arith.constant 0 : i32
      %dma_start3A_60 = arith.constant 0 : i32
      %dma_start3A_61 = tpu.memref_slice %arg2[%dma_start3A_59, %dma_start3A_60] : memref<10000x128xf32, #tpu.memory_space<hbm>> -> memref<10000x128xf32, #tpu.memory_space<hbm>>
      tpu.enqueue_indirect_dma source(%dma_start3A_61 : memref<10000x128xf32, #tpu.memory_space<hbm>>) target(%arg10 : memref<128x128xf32, #tpu.memory_space<vmem>>) offsets(%dma_start3A_58 : memref<128xi32, #tpu.memory_space<vmem>>) semaphore(%arg12 : memref<!tpu.dma_semaphore, #tpu.memory_space<semaphore_mem>>)
      %dma_wait3A = arith.constant 0 : i32
      %dma_wait3A_62 = arith.constant 0 : i32
      %dma_wait3A_63 = tpu.memref_slice %arg2[%dma_wait3A, %dma_wait3A_62] : memref<10000x128xf32, #tpu.memory_space<hbm>> -> memref<128x128xf32, #tpu.memory_space<hbm>>
      %dma_wait3A_64 = arith.constant 0 : i32
      %dma_wait3A_65 = arith.constant 0 : i32
      %dma_wait3A_66 = tpu.memref_slice %arg2[%dma_wait3A_64, %dma_wait3A_65] : memref<10000x128xf32, #tpu.memory_space<hbm>> -> memref<128x128xf32, #tpu.memory_space<hbm>>
      tpu.wait_dma2 semaphore(%arg11 : memref<!tpu.dma_semaphore, #tpu.memory_space<semaphore_mem>>) src(%dma_wait3A_66 : memref<128x128xf32, #tpu.memory_space<hbm>>) dst(%arg9 : memref<128x128xf32, #tpu.memory_space<vmem>>)
      "tpu.region"() ({
        %run_scoped3A = tpu.sem_alloc : memref<!tpu.dma_semaphore, #tpu.memory_space<semaphore_mem>>
        %dma_start3A_78 = arith.constant 0 : i32
        %dma_start3A_79 = tpu.memref_slice %arg8[%mul3A_53, %dma_start3A_78] : memref<40x128xi32, #tpu.memory_space<vmem>> -> memref<1x128xi32, #tpu.memory_space<vmem>>
        %dma_start3A_80 = tpu.memref_squeeze %dma_start3A_79 : memref<1x128xi32, #tpu.memory_space<vmem>> -> memref<128xi32, #tpu.memory_space<vmem>>
        %dma_start3A_81 = arith.constant 0 : i32
        %dma_start3A_82 = arith.constant 0 : i32
        %dma_start3A_83 = tpu.memref_slice %arg6[%dma_start3A_81, %dma_start3A_82] : memref<10240x128xf32, #tpu.memory_space<vmem_shared>> -> memref<10240x128xf32, #tpu.memory_space<vmem_shared>>
        tpu.enqueue_indirect_dma source(%arg9 : memref<128x128xf32, #tpu.memory_space<vmem>>) target(%dma_start3A_83 : memref<10240x128xf32, #tpu.memory_space<vmem_shared>>) offsets(%dma_start3A_80 : memref<128xi32, #tpu.memory_space<vmem>>) semaphore(%run_scoped3A : memref<!tpu.dma_semaphore, #tpu.memory_space<semaphore_mem>>) {add = true}
        %dma_wait3A_84 = arith.constant 0 : i32
        %dma_wait3A_85 = tpu.memref_slice %arg8[%mul3A_53, %dma_wait3A_84] : memref<40x128xi32, #tpu.memory_space<vmem>> -> memref<1x128xi32, #tpu.memory_space<vmem>>
        %dma_wait3A_86 = tpu.memref_squeeze %dma_wait3A_85 : memref<1x128xi32, #tpu.memory_space<vmem>> -> memref<128xi32, #tpu.memory_space<vmem>>
        %dma_wait3A_87 = arith.constant 0 : i32
        %dma_wait3A_88 = arith.constant 0 : i32
        %dma_wait3A_89 = tpu.memref_slice %arg6[%dma_wait3A_87, %dma_wait3A_88] : memref<10240x128xf32, #tpu.memory_space<vmem_shared>> -> memref<10240x128xf32, #tpu.memory_space<vmem_shared>>
        tpu.wait_indirect_dma semaphore(%run_scoped3A : memref<!tpu.dma_semaphore, #tpu.memory_space<semaphore_mem>>) src(%arg9 : memref<128x128xf32, #tpu.memory_space<vmem>>) dst(%dma_wait3A_89 : memref<10240x128xf32, #tpu.memory_space<vmem_shared>>)
        tpu.yield
      }) : () -> ()
      %lt3A = arith.constant 19 : i32
      %lt3A_67 = arith.cmpi slt, %scan3A_50, %lt3A : i32
      %convert_element_type3A = arith.extui %lt3A_67 : i1 to i32
      %cond3A = arith.constant 0 : i32
      %cond3A_68 = arith.cmpi ne, %convert_element_type3A, %cond3A : i32
      scf.if %cond3A_68 {
        %add3A_78 = arith.constant 2 : i32
        %add3A_79 = arith.addi %mul3A_53, %add3A_78 : i32
        %dma_start3A_80 = arith.constant 0 : i32
        %dma_start3A_81 = tpu.memref_slice %arg7[%add3A_79, %dma_start3A_80] : memref<40x128xi32, #tpu.memory_space<vmem>> -> memref<1x128xi32, #tpu.memory_space<vmem>>
        %dma_start3A_82 = tpu.memref_squeeze %dma_start3A_81 : memref<1x128xi32, #tpu.memory_space<vmem>> -> memref<128xi32, #tpu.memory_space<vmem>>
        %dma_start3A_83 = arith.constant 0 : i32
        %dma_start3A_84 = arith.constant 0 : i32
        %dma_start3A_85 = tpu.memref_slice %arg2[%dma_start3A_83, %dma_start3A_84] : memref<10000x128xf32, #tpu.memory_space<hbm>> -> memref<10000x128xf32, #tpu.memory_space<hbm>>
        tpu.enqueue_indirect_dma source(%dma_start3A_85 : memref<10000x128xf32, #tpu.memory_space<hbm>>) target(%arg9 : memref<128x128xf32, #tpu.memory_space<vmem>>) offsets(%dma_start3A_82 : memref<128xi32, #tpu.memory_space<vmem>>) semaphore(%arg11 : memref<!tpu.dma_semaphore, #tpu.memory_space<semaphore_mem>>)
      } else {
      }
      %dma_wait3A_69 = arith.constant 0 : i32
      %dma_wait3A_70 = arith.constant 0 : i32
      %dma_wait3A_71 = tpu.memref_slice %arg2[%dma_wait3A_69, %dma_wait3A_70] : memref<10000x128xf32, #tpu.memory_space<hbm>> -> memref<128x128xf32, #tpu.memory_space<hbm>>
      %dma_wait3A_72 = arith.constant 0 : i32
      %dma_wait3A_73 = arith.constant 0 : i32
      %dma_wait3A_74 = tpu.memref_slice %arg2[%dma_wait3A_72, %dma_wait3A_73] : memref<10000x128xf32, #tpu.memory_space<hbm>> -> memref<128x128xf32, #tpu.memory_space<hbm>>
      tpu.wait_dma2 semaphore(%arg12 : memref<!tpu.dma_semaphore, #tpu.memory_space<semaphore_mem>>) src(%dma_wait3A_74 : memref<128x128xf32, #tpu.memory_space<hbm>>) dst(%arg10 : memref<128x128xf32, #tpu.memory_space<vmem>>)
      %add3A_75 = arith.constant 1 : i32
      %add3A_76 = arith.addi %mul3A_53, %add3A_75 : i32
      "tpu.region"() ({
        %run_scoped3A = tpu.sem_alloc : memref<!tpu.dma_semaphore, #tpu.memory_space<semaphore_mem>>
        %dma_start3A_78 = arith.constant 0 : i32
        %dma_start3A_79 = tpu.memref_slice %arg8[%add3A_76, %dma_start3A_78] : memref<40x128xi32, #tpu.memory_space<vmem>> -> memref<1x128xi32, #tpu.memory_space<vmem>>
        %dma_start3A_80 = tpu.memref_squeeze %dma_start3A_79 : memref<1x128xi32, #tpu.memory_space<vmem>> -> memref<128xi32, #tpu.memory_space<vmem>>
        %dma_start3A_81 = arith.constant 0 : i32
        %dma_start3A_82 = arith.constant 0 : i32
        %dma_start3A_83 = tpu.memref_slice %arg6[%dma_start3A_81, %dma_start3A_82] : memref<10240x128xf32, #tpu.memory_space<vmem_shared>> -> memref<10240x128xf32, #tpu.memory_space<vmem_shared>>
        tpu.enqueue_indirect_dma source(%arg10 : memref<128x128xf32, #tpu.memory_space<vmem>>) target(%dma_start3A_83 : memref<10240x128xf32, #tpu.memory_space<vmem_shared>>) offsets(%dma_start3A_80 : memref<128xi32, #tpu.memory_space<vmem>>) semaphore(%run_scoped3A : memref<!tpu.dma_semaphore, #tpu.memory_space<semaphore_mem>>) {add = true}
        %dma_wait3A_84 = arith.constant 0 : i32
        %dma_wait3A_85 = tpu.memref_slice %arg8[%add3A_76, %dma_wait3A_84] : memref<40x128xi32, #tpu.memory_space<vmem>> -> memref<1x128xi32, #tpu.memory_space<vmem>>
        %dma_wait3A_86 = tpu.memref_squeeze %dma_wait3A_85 : memref<1x128xi32, #tpu.memory_space<vmem>> -> memref<128xi32, #tpu.memory_space<vmem>>
        %dma_wait3A_87 = arith.constant 0 : i32
        %dma_wait3A_88 = arith.constant 0 : i32
        %dma_wait3A_89 = tpu.memref_slice %arg6[%dma_wait3A_87, %dma_wait3A_88] : memref<10240x128xf32, #tpu.memory_space<vmem_shared>> -> memref<10240x128xf32, #tpu.memory_space<vmem_shared>>
        tpu.wait_indirect_dma semaphore(%run_scoped3A : memref<!tpu.dma_semaphore, #tpu.memory_space<semaphore_mem>>) src(%arg10 : memref<128x128xf32, #tpu.memory_space<vmem>>) dst(%dma_wait3A_89 : memref<10240x128xf32, #tpu.memory_space<vmem_shared>>)
        tpu.yield
      }) : () -> ()
      %scan3A_77 = arith.constant 0 : i32
      scf.yield %scan3A_77 : i32
    }
    %scan3A_46 = arith.constant 20 : i32
    %barrier3A_47 = arith.constant 0 : index
    tpu.barrier barrier_id(%barrier3A_47)
    %mul3A_48 = arith.constant 640 : i32
    %mul3A_49 = arith.muli %arg1, %mul3A_48 : i32
    "tpu.region"() ({
      %run_scoped3A = tpu.sem_alloc : memref<!tpu.dma_semaphore, #tpu.memory_space<semaphore_mem>>
      %dma_start3A_50 = arith.constant 0 : i32
      %dma_start3A_51 = tpu.memref_slice %arg5[%arg0, %mul3A_49, %dma_start3A_50] : memref<2x10240x128xf32, #tpu.memory_space<hbm>> -> memref<1x640x128xf32, #tpu.memory_space<hbm>>
      %dma_start3A_52 = tpu.memref_squeeze %dma_start3A_51 : memref<1x640x128xf32, #tpu.memory_space<hbm>> -> memref<640x128xf32, #tpu.memory_space<hbm>>
      %dma_start3A_53 = arith.constant 0 : i32
      %dma_start3A_54 = tpu.memref_slice %arg6[%mul3A_49, %dma_start3A_53] : memref<10240x128xf32, #tpu.memory_space<vmem_shared>> -> memref<640x128xf32, #tpu.memory_space<vmem_shared>>
      tpu.enqueue_dma source(%dma_start3A_54 : memref<640x128xf32, #tpu.memory_space<vmem_shared>>) target(%dma_start3A_52 : memref<640x128xf32, #tpu.memory_space<hbm>>) target_semaphore(%run_scoped3A : memref<!tpu.dma_semaphore, #tpu.memory_space<semaphore_mem>>)
      %dma_wait3A = arith.constant 0 : i32
      %dma_wait3A_55 = tpu.memref_slice %arg5[%arg0, %mul3A_49, %dma_wait3A] : memref<2x10240x128xf32, #tpu.memory_space<hbm>> -> memref<1x640x128xf32, #tpu.memory_space<hbm>>
      %dma_wait3A_56 = tpu.memref_squeeze %dma_wait3A_55 : memref<1x640x128xf32, #tpu.memory_space<hbm>> -> memref<640x128xf32, #tpu.memory_space<hbm>>
      %dma_wait3A_57 = arith.constant 0 : i32
      %dma_wait3A_58 = tpu.memref_slice %arg6[%mul3A_49, %dma_wait3A_57] : memref<10240x128xf32, #tpu.memory_space<vmem_shared>> -> memref<640x128xf32, #tpu.memory_space<vmem_shared>>
      tpu.wait_dma2 semaphore(%run_scoped3A : memref<!tpu.dma_semaphore, #tpu.memory_space<semaphore_mem>>) src(%dma_wait3A_58 : memref<640x128xf32, #tpu.memory_space<vmem_shared>>) dst(%dma_wait3A_56 : memref<640x128xf32, #tpu.memory_space<hbm>>)
      tpu.yield
    }) : () -> ()
    return
  }
}

#map = affine_map<(d0, d1) -> (0, 0)>
#map1 = affine_map<(d0, d1) -> (0, 0, 0)>
module attributes {stable_mosaic.version = 14 : i64} {
  func.func @_agg_body(%arg0: i32, %arg1: i32, %arg2: memref<10000x128xf32, #tpu.memory_space<hbm>>, %arg3: memref<32x80x128xi32, #tpu.memory_space<hbm>>, %arg4: memref<32x80x128xi32, #tpu.memory_space<hbm>>, %arg5: memref<2x10240x128xf32, #tpu.memory_space<hbm>>, %arg6: memref<10240x128xf32, #tpu.memory_space<vmem_shared>>, %arg7: memref<40x128xi32, #tpu.memory_space<vmem>>, %arg8: memref<40x128xi32, #tpu.memory_space<vmem>>, %arg9: memref<128x128xf32, #tpu.memory_space<vmem>>, %arg10: memref<128x128xf32, #tpu.memory_space<vmem>>, %arg11: memref<!tpu.dma_semaphore, #tpu.memory_space<semaphore_mem>>, %arg12: memref<!tpu.dma_semaphore, #tpu.memory_space<semaphore_mem>>) attributes {dimension_semantics = [#tpu.dimension_semantics<core_parallel>, #tpu.dimension_semantics<subcore_parallel>], iteration_bounds = array<i64: 2, 16>, scalar_prefetch = 0 : i64, scratch_operands = 7 : i64, tpu.core_type = #tpu.core_type<sc_vector_subcore>, window_params = [{transform_indices = #map}, {transform_indices = #map1}, {transform_indices = #map1}, {transform_indices = #map1}]} {
    %mul3A = arith.constant 2 : i32
    %mul3A_0 = arith.muli %arg1, %mul3A : i32
    %add3A = arith.addi %mul3A_0, %arg0 : i32
    %broadcast_in_dim3A = arith.constant 0.000000e+00 : f32
    %broadcast_in_dim3A_1 = vector.broadcast %broadcast_in_dim3A : f32 to vector<16xf32>
    %scan3A = arith.constant 0 : i32
    %scan3A_2 = arith.constant 0 : i32
    %scan3A_3 = arith.constant 128 : i32
    %scan3A_4 = arith.addi %scan3A_2, %scan3A_3 : i32
    %scan3A_5 = arith.constant 1 : i32
    %scan3A_6 = scf.for %scan3A_50 = %scan3A_2 to %scan3A_4 step %scan3A_5 iter_args(%scan3A_51 = %scan3A) -> (i32)  : i32 {
      %swap3A = arith.index_cast %scan3A_50 : i32 to index
      %swap3A_52 = arith.constant 0 : index
      %swap3A_53 = tpu.vector_load %arg9[%swap3A, %swap3A_52] {strides = array<i32>} : memref<128x128xf32, #tpu.memory_space<vmem>>, vector<1x16xf32>,
      %swap3A_54 = vector.shape_cast %swap3A_53 : vector<1x16xf32> to vector<16xf32>
      %swap3A_55 = vector.shape_cast %broadcast_in_dim3A_1 : vector<16xf32> to vector<1x16xf32>
      tpu.vector_store %arg9[%swap3A, %swap3A_52], %swap3A_55 {strides = array<i32>} : memref<128x128xf32, #tpu.memory_space<vmem>>, vector<1x16xf32>,
      %swap3A_56 = arith.index_cast %scan3A_50 : i32 to index
      %swap3A_57 = arith.constant 16 : index
      %swap3A_58 = tpu.vector_load %arg9[%swap3A_56, %swap3A_57] {strides = array<i32>} : memref<128x128xf32, #tpu.memory_space<vmem>>, vector<1x16xf32>,
      %swap3A_59 = vector.shape_cast %swap3A_58 : vector<1x16xf32> to vector<16xf32>
      %swap3A_60 = vector.shape_cast %broadcast_in_dim3A_1 : vector<16xf32> to vector<1x16xf32>
      tpu.vector_store %arg9[%swap3A_56, %swap3A_57], %swap3A_60 {strides = array<i32>} : memref<128x128xf32, #tpu.memory_space<vmem>>, vector<1x16xf32>,
      %swap3A_61 = arith.index_cast %scan3A_50 : i32 to index
      %swap3A_62 = arith.constant 32 : index
      %swap3A_63 = tpu.vector_load %arg9[%swap3A_61, %swap3A_62] {strides = array<i32>} : memref<128x128xf32, #tpu.memory_space<vmem>>, vector<1x16xf32>,
      %swap3A_64 = vector.shape_cast %swap3A_63 : vector<1x16xf32> to vector<16xf32>
      %swap3A_65 = vector.shape_cast %broadcast_in_dim3A_1 : vector<16xf32> to vector<1x16xf32>
      tpu.vector_store %arg9[%swap3A_61, %swap3A_62], %swap3A_65 {strides = array<i32>} : memref<128x128xf32, #tpu.memory_space<vmem>>, vector<1x16xf32>,
      %swap3A_66 = arith.index_cast %scan3A_50 : i32 to index
      %swap3A_67 = arith.constant 48 : index
      %swap3A_68 = tpu.vector_load %arg9[%swap3A_66, %swap3A_67] {strides = array<i32>} : memref<128x128xf32, #tpu.memory_space<vmem>>, vector<1x16xf32>,
      %swap3A_69 = vector.shape_cast %swap3A_68 : vector<1x16xf32> to vector<16xf32>
      %swap3A_70 = vector.shape_cast %broadcast_in_dim3A_1 : vector<16xf32> to vector<1x16xf32>
      tpu.vector_store %arg9[%swap3A_66, %swap3A_67], %swap3A_70 {strides = array<i32>} : memref<128x128xf32, #tpu.memory_space<vmem>>, vector<1x16xf32>,
      %swap3A_71 = arith.index_cast %scan3A_50 : i32 to index
      %swap3A_72 = arith.constant 64 : index
      %swap3A_73 = tpu.vector_load %arg9[%swap3A_71, %swap3A_72] {strides = array<i32>} : memref<128x128xf32, #tpu.memory_space<vmem>>, vector<1x16xf32>,
      %swap3A_74 = vector.shape_cast %swap3A_73 : vector<1x16xf32> to vector<16xf32>
      %swap3A_75 = vector.shape_cast %broadcast_in_dim3A_1 : vector<16xf32> to vector<1x16xf32>
      tpu.vector_store %arg9[%swap3A_71, %swap3A_72], %swap3A_75 {strides = array<i32>} : memref<128x128xf32, #tpu.memory_space<vmem>>, vector<1x16xf32>,
      %swap3A_76 = arith.index_cast %scan3A_50 : i32 to index
      %swap3A_77 = arith.constant 80 : index
      %swap3A_78 = tpu.vector_load %arg9[%swap3A_76, %swap3A_77] {strides = array<i32>} : memref<128x128xf32, #tpu.memory_space<vmem>>, vector<1x16xf32>,
      %swap3A_79 = vector.shape_cast %swap3A_78 : vector<1x16xf32> to vector<16xf32>
      %swap3A_80 = vector.shape_cast %broadcast_in_dim3A_1 : vector<16xf32> to vector<1x16xf32>
      tpu.vector_store %arg9[%swap3A_76, %swap3A_77], %swap3A_80 {strides = array<i32>} : memref<128x128xf32, #tpu.memory_space<vmem>>, vector<1x16xf32>,
      %swap3A_81 = arith.index_cast %scan3A_50 : i32 to index
      %swap3A_82 = arith.constant 96 : index
      %swap3A_83 = tpu.vector_load %arg9[%swap3A_81, %swap3A_82] {strides = array<i32>} : memref<128x128xf32, #tpu.memory_space<vmem>>, vector<1x16xf32>,
      %swap3A_84 = vector.shape_cast %swap3A_83 : vector<1x16xf32> to vector<16xf32>
      %swap3A_85 = vector.shape_cast %broadcast_in_dim3A_1 : vector<16xf32> to vector<1x16xf32>
      tpu.vector_store %arg9[%swap3A_81, %swap3A_82], %swap3A_85 {strides = array<i32>} : memref<128x128xf32, #tpu.memory_space<vmem>>, vector<1x16xf32>,
      %swap3A_86 = arith.index_cast %scan3A_50 : i32 to index
      %swap3A_87 = arith.constant 112 : index
      %swap3A_88 = tpu.vector_load %arg9[%swap3A_86, %swap3A_87] {strides = array<i32>} : memref<128x128xf32, #tpu.memory_space<vmem>>, vector<1x16xf32>,
      %swap3A_89 = vector.shape_cast %swap3A_88 : vector<1x16xf32> to vector<16xf32>
      %swap3A_90 = vector.shape_cast %broadcast_in_dim3A_1 : vector<16xf32> to vector<1x16xf32>
      tpu.vector_store %arg9[%swap3A_86, %swap3A_87], %swap3A_90 {strides = array<i32>} : memref<128x128xf32, #tpu.memory_space<vmem>>, vector<1x16xf32>,
      %scan3A_91 = arith.constant 0 : i32
      scf.yield %scan3A_91 : i32
    }
    %scan3A_7 = arith.constant 128 : i32
    %mul3A_8 = arith.constant 640 : i32
    %mul3A_9 = arith.muli %arg1, %mul3A_8 : i32
    %add3A_10 = arith.constant 0 : i32
    %add3A_11 = arith.addi %mul3A_9, %add3A_10 : i32
    "tpu.region"() ({
      %run_scoped3A = tpu.sem_alloc : memref<!tpu.dma_semaphore, #tpu.memory_space<semaphore_mem>>
      %dma_start3A_50 = arith.constant 0 : i32
      %dma_start3A_51 = tpu.memref_slice %arg6[%add3A_11, %dma_start3A_50] : memref<10240x128xf32, #tpu.memory_space<vmem_shared>> -> memref<128x128xf32, #tpu.memory_space<vmem_shared>>
      %dma_start3A_52 = arith.constant 0 : i32
      %dma_start3A_53 = tpu.memref_slice %arg6[%add3A_11, %dma_start3A_52] : memref<10240x128xf32, #tpu.memory_space<vmem_shared>> -> memref<128x128xf32, #tpu.memory_space<vmem_shared>>
      tpu.enqueue_dma source(%arg9 : memref<128x128xf32, #tpu.memory_space<vmem>>) target(%dma_start3A_53 : memref<128x128xf32, #tpu.memory_space<vmem_shared>>) target_semaphore(%run_scoped3A : memref<!tpu.dma_semaphore, #tpu.memory_space<semaphore_mem>>)
      %dma_wait3A = arith.constant 0 : i32
      %dma_wait3A_54 = tpu.memref_slice %arg6[%add3A_11, %dma_wait3A] : memref<10240x128xf32, #tpu.memory_space<vmem_shared>> -> memref<128x128xf32, #tpu.memory_space<vmem_shared>>
      %dma_wait3A_55 = arith.constant 0 : i32
      %dma_wait3A_56 = tpu.memref_slice %arg6[%add3A_11, %dma_wait3A_55] : memref<10240x128xf32, #tpu.memory_space<vmem_shared>> -> memref<128x128xf32, #tpu.memory_space<vmem_shared>>
      tpu.wait_dma2 semaphore(%run_scoped3A : memref<!tpu.dma_semaphore, #tpu.memory_space<semaphore_mem>>) src(%arg9 : memref<128x128xf32, #tpu.memory_space<vmem>>) dst(%dma_wait3A_56 : memref<128x128xf32, #tpu.memory_space<vmem_shared>>)
      tpu.yield
    }) : () -> ()
    %add3A_12 = arith.constant 128 : i32
    %add3A_13 = arith.addi %mul3A_9, %add3A_12 : i32
    "tpu.region"() ({
      %run_scoped3A = tpu.sem_alloc : memref<!tpu.dma_semaphore, #tpu.memory_space<semaphore_mem>>
      %dma_start3A_50 = arith.constant 0 : i32
      %dma_start3A_51 = tpu.memref_slice %arg6[%add3A_13, %dma_start3A_50] : memref<10240x128xf32, #tpu.memory_space<vmem_shared>> -> memref<128x128xf32, #tpu.memory_space<vmem_shared>>
      %dma_start3A_52 = arith.constant 0 : i32
      %dma_start3A_53 = tpu.memref_slice %arg6[%add3A_13, %dma_start3A_52] : memref<10240x128xf32, #tpu.memory_space<vmem_shared>> -> memref<128x128xf32, #tpu.memory_space<vmem_shared>>
      tpu.enqueue_dma source(%arg9 : memref<128x128xf32, #tpu.memory_space<vmem>>) target(%dma_start3A_53 : memref<128x128xf32, #tpu.memory_space<vmem_shared>>) target_semaphore(%run_scoped3A : memref<!tpu.dma_semaphore, #tpu.memory_space<semaphore_mem>>)
      %dma_wait3A = arith.constant 0 : i32
      %dma_wait3A_54 = tpu.memref_slice %arg6[%add3A_13, %dma_wait3A] : memref<10240x128xf32, #tpu.memory_space<vmem_shared>> -> memref<128x128xf32, #tpu.memory_space<vmem_shared>>
      %dma_wait3A_55 = arith.constant 0 : i32
      %dma_wait3A_56 = tpu.memref_slice %arg6[%add3A_13, %dma_wait3A_55] : memref<10240x128xf32, #tpu.memory_space<vmem_shared>> -> memref<128x128xf32, #tpu.memory_space<vmem_shared>>
      tpu.wait_dma2 semaphore(%run_scoped3A : memref<!tpu.dma_semaphore, #tpu.memory_space<semaphore_mem>>) src(%arg9 : memref<128x128xf32, #tpu.memory_space<vmem>>) dst(%dma_wait3A_56 : memref<128x128xf32, #tpu.memory_space<vmem_shared>>)
      tpu.yield
    }) : () -> ()
    %add3A_14 = arith.constant 256 : i32
    %add3A_15 = arith.addi %mul3A_9, %add3A_14 : i32
    "tpu.region"() ({
      %run_scoped3A = tpu.sem_alloc : memref<!tpu.dma_semaphore, #tpu.memory_space<semaphore_mem>>
      %dma_start3A_50 = arith.constant 0 : i32
      %dma_start3A_51 = tpu.memref_slice %arg6[%add3A_15, %dma_start3A_50] : memref<10240x128xf32, #tpu.memory_space<vmem_shared>> -> memref<128x128xf32, #tpu.memory_space<vmem_shared>>
      %dma_start3A_52 = arith.constant 0 : i32
      %dma_start3A_53 = tpu.memref_slice %arg6[%add3A_15, %dma_start3A_52] : memref<10240x128xf32, #tpu.memory_space<vmem_shared>> -> memref<128x128xf32, #tpu.memory_space<vmem_shared>>
      tpu.enqueue_dma source(%arg9 : memref<128x128xf32, #tpu.memory_space<vmem>>) target(%dma_start3A_53 : memref<128x128xf32, #tpu.memory_space<vmem_shared>>) target_semaphore(%run_scoped3A : memref<!tpu.dma_semaphore, #tpu.memory_space<semaphore_mem>>)
      %dma_wait3A = arith.constant 0 : i32
      %dma_wait3A_54 = tpu.memref_slice %arg6[%add3A_15, %dma_wait3A] : memref<10240x128xf32, #tpu.memory_space<vmem_shared>> -> memref<128x128xf32, #tpu.memory_space<vmem_shared>>
      %dma_wait3A_55 = arith.constant 0 : i32
      %dma_wait3A_56 = tpu.memref_slice %arg6[%add3A_15, %dma_wait3A_55] : memref<10240x128xf32, #tpu.memory_space<vmem_shared>> -> memref<128x128xf32, #tpu.memory_space<vmem_shared>>
      tpu.wait_dma2 semaphore(%run_scoped3A : memref<!tpu.dma_semaphore, #tpu.memory_space<semaphore_mem>>) src(%arg9 : memref<128x128xf32, #tpu.memory_space<vmem>>) dst(%dma_wait3A_56 : memref<128x128xf32, #tpu.memory_space<vmem_shared>>)
      tpu.yield
    }) : () -> ()
    %add3A_16 = arith.constant 384 : i32
    %add3A_17 = arith.addi %mul3A_9, %add3A_16 : i32
    "tpu.region"() ({
      %run_scoped3A = tpu.sem_alloc : memref<!tpu.dma_semaphore, #tpu.memory_space<semaphore_mem>>
      %dma_start3A_50 = arith.constant 0 : i32
      %dma_start3A_51 = tpu.memref_slice %arg6[%add3A_17, %dma_start3A_50] : memref<10240x128xf32, #tpu.memory_space<vmem_shared>> -> memref<128x128xf32, #tpu.memory_space<vmem_shared>>
      %dma_start3A_52 = arith.constant 0 : i32
      %dma_start3A_53 = tpu.memref_slice %arg6[%add3A_17, %dma_start3A_52] : memref<10240x128xf32, #tpu.memory_space<vmem_shared>> -> memref<128x128xf32, #tpu.memory_space<vmem_shared>>
      tpu.enqueue_dma source(%arg9 : memref<128x128xf32, #tpu.memory_space<vmem>>) target(%dma_start3A_53 : memref<128x128xf32, #tpu.memory_space<vmem_shared>>) target_semaphore(%run_scoped3A : memref<!tpu.dma_semaphore, #tpu.memory_space<semaphore_mem>>)
      %dma_wait3A = arith.constant 0 : i32
      %dma_wait3A_54 = tpu.memref_slice %arg6[%add3A_17, %dma_wait3A] : memref<10240x128xf32, #tpu.memory_space<vmem_shared>> -> memref<128x128xf32, #tpu.memory_space<vmem_shared>>
      %dma_wait3A_55 = arith.constant 0 : i32
      %dma_wait3A_56 = tpu.memref_slice %arg6[%add3A_17, %dma_wait3A_55] : memref<10240x128xf32, #tpu.memory_space<vmem_shared>> -> memref<128x128xf32, #tpu.memory_space<vmem_shared>>
      tpu.wait_dma2 semaphore(%run_scoped3A : memref<!tpu.dma_semaphore, #tpu.memory_space<semaphore_mem>>) src(%arg9 : memref<128x128xf32, #tpu.memory_space<vmem>>) dst(%dma_wait3A_56 : memref<128x128xf32, #tpu.memory_space<vmem_shared>>)
      tpu.yield
    }) : () -> ()
    %add3A_18 = arith.constant 512 : i32
    %add3A_19 = arith.addi %mul3A_9, %add3A_18 : i32
    "tpu.region"() ({
      %run_scoped3A = tpu.sem_alloc : memref<!tpu.dma_semaphore, #tpu.memory_space<semaphore_mem>>
      %dma_start3A_50 = arith.constant 0 : i32
      %dma_start3A_51 = tpu.memref_slice %arg6[%add3A_19, %dma_start3A_50] : memref<10240x128xf32, #tpu.memory_space<vmem_shared>> -> memref<128x128xf32, #tpu.memory_space<vmem_shared>>
      %dma_start3A_52 = arith.constant 0 : i32
      %dma_start3A_53 = tpu.memref_slice %arg6[%add3A_19, %dma_start3A_52] : memref<10240x128xf32, #tpu.memory_space<vmem_shared>> -> memref<128x128xf32, #tpu.memory_space<vmem_shared>>
      tpu.enqueue_dma source(%arg9 : memref<128x128xf32, #tpu.memory_space<vmem>>) target(%dma_start3A_53 : memref<128x128xf32, #tpu.memory_space<vmem_shared>>) target_semaphore(%run_scoped3A : memref<!tpu.dma_semaphore, #tpu.memory_space<semaphore_mem>>)
      %dma_wait3A = arith.constant 0 : i32
      %dma_wait3A_54 = tpu.memref_slice %arg6[%add3A_19, %dma_wait3A] : memref<10240x128xf32, #tpu.memory_space<vmem_shared>> -> memref<128x128xf32, #tpu.memory_space<vmem_shared>>
      %dma_wait3A_55 = arith.constant 0 : i32
      %dma_wait3A_56 = tpu.memref_slice %arg6[%add3A_19, %dma_wait3A_55] : memref<10240x128xf32, #tpu.memory_space<vmem_shared>> -> memref<128x128xf32, #tpu.memory_space<vmem_shared>>
      tpu.wait_dma2 semaphore(%run_scoped3A : memref<!tpu.dma_semaphore, #tpu.memory_space<semaphore_mem>>) src(%arg9 : memref<128x128xf32, #tpu.memory_space<vmem>>) dst(%dma_wait3A_56 : memref<128x128xf32, #tpu.memory_space<vmem_shared>>)
      tpu.yield
    }) : () -> ()
    %barrier3A = arith.constant 0 : index
    tpu.barrier barrier_id(%barrier3A)
    "tpu.region"() ({
      %run_scoped3A = tpu.sem_alloc : memref<!tpu.dma_semaphore, #tpu.memory_space<semaphore_mem>>
      %dma_start3A_50 = arith.constant 0 : i32
      %dma_start3A_51 = arith.constant 0 : i32
      %dma_start3A_52 = tpu.memref_slice %arg3[%add3A, %dma_start3A_50, %dma_start3A_51] : memref<32x80x128xi32, #tpu.memory_space<hbm>> -> memref<1x40x128xi32, #tpu.memory_space<hbm>>
      %dma_start3A_53 = tpu.memref_squeeze %dma_start3A_52 : memref<1x40x128xi32, #tpu.memory_space<hbm>> -> memref<40x128xi32, #tpu.memory_space<hbm>>
      %dma_start3A_54 = arith.constant 0 : i32
      %dma_start3A_55 = arith.constant 0 : i32
      %dma_start3A_56 = tpu.memref_slice %arg3[%add3A, %dma_start3A_54, %dma_start3A_55] : memref<32x80x128xi32, #tpu.memory_space<hbm>> -> memref<1x40x128xi32, #tpu.memory_space<hbm>>
      %dma_start3A_57 = tpu.memref_squeeze %dma_start3A_56 : memref<1x40x128xi32, #tpu.memory_space<hbm>> -> memref<40x128xi32, #tpu.memory_space<hbm>>
      tpu.enqueue_dma source(%dma_start3A_57 : memref<40x128xi32, #tpu.memory_space<hbm>>) target(%arg7 : memref<40x128xi32, #tpu.memory_space<vmem>>) target_semaphore(%run_scoped3A : memref<!tpu.dma_semaphore, #tpu.memory_space<semaphore_mem>>)
      %dma_wait3A = arith.constant 0 : i32
      %dma_wait3A_58 = arith.constant 0 : i32
      %dma_wait3A_59 = tpu.memref_slice %arg3[%add3A, %dma_wait3A, %dma_wait3A_58] : memref<32x80x128xi32, #tpu.memory_space<hbm>> -> memref<1x40x128xi32, #tpu.memory_space<hbm>>
      %dma_wait3A_60 = tpu.memref_squeeze %dma_wait3A_59 : memref<1x40x128xi32, #tpu.memory_space<hbm>> -> memref<40x128xi32, #tpu.memory_space<hbm>>
      %dma_wait3A_61 = arith.constant 0 : i32
      %dma_wait3A_62 = arith.constant 0 : i32
      %dma_wait3A_63 = tpu.memref_slice %arg3[%add3A, %dma_wait3A_61, %dma_wait3A_62] : memref<32x80x128xi32, #tpu.memory_space<hbm>> -> memref<1x40x128xi32, #tpu.memory_space<hbm>>
      %dma_wait3A_64 = tpu.memref_squeeze %dma_wait3A_63 : memref<1x40x128xi32, #tpu.memory_space<hbm>> -> memref<40x128xi32, #tpu.memory_space<hbm>>
      tpu.wait_dma2 semaphore(%run_scoped3A : memref<!tpu.dma_semaphore, #tpu.memory_space<semaphore_mem>>) src(%dma_wait3A_64 : memref<40x128xi32, #tpu.memory_space<hbm>>) dst(%arg7 : memref<40x128xi32, #tpu.memory_space<vmem>>)
      tpu.yield
    }) : () -> ()
    "tpu.region"() ({
      %run_scoped3A = tpu.sem_alloc : memref<!tpu.dma_semaphore, #tpu.memory_space<semaphore_mem>>
      %dma_start3A_50 = arith.constant 0 : i32
      %dma_start3A_51 = arith.constant 0 : i32
      %dma_start3A_52 = tpu.memref_slice %arg4[%add3A, %dma_start3A_50, %dma_start3A_51] : memref<32x80x128xi32, #tpu.memory_space<hbm>> -> memref<1x40x128xi32, #tpu.memory_space<hbm>>
      %dma_start3A_53 = tpu.memref_squeeze %dma_start3A_52 : memref<1x40x128xi32, #tpu.memory_space<hbm>> -> memref<40x128xi32, #tpu.memory_space<hbm>>
      %dma_start3A_54 = arith.constant 0 : i32
      %dma_start3A_55 = arith.constant 0 : i32
      %dma_start3A_56 = tpu.memref_slice %arg4[%add3A, %dma_start3A_54, %dma_start3A_55] : memref<32x80x128xi32, #tpu.memory_space<hbm>> -> memref<1x40x128xi32, #tpu.memory_space<hbm>>
      %dma_start3A_57 = tpu.memref_squeeze %dma_start3A_56 : memref<1x40x128xi32, #tpu.memory_space<hbm>> -> memref<40x128xi32, #tpu.memory_space<hbm>>
      tpu.enqueue_dma source(%dma_start3A_57 : memref<40x128xi32, #tpu.memory_space<hbm>>) target(%arg8 : memref<40x128xi32, #tpu.memory_space<vmem>>) target_semaphore(%run_scoped3A : memref<!tpu.dma_semaphore, #tpu.memory_space<semaphore_mem>>)
      %dma_wait3A = arith.constant 0 : i32
      %dma_wait3A_58 = arith.constant 0 : i32
      %dma_wait3A_59 = tpu.memref_slice %arg4[%add3A, %dma_wait3A, %dma_wait3A_58] : memref<32x80x128xi32, #tpu.memory_space<hbm>> -> memref<1x40x128xi32, #tpu.memory_space<hbm>>
      %dma_wait3A_60 = tpu.memref_squeeze %dma_wait3A_59 : memref<1x40x128xi32, #tpu.memory_space<hbm>> -> memref<40x128xi32, #tpu.memory_space<hbm>>
      %dma_wait3A_61 = arith.constant 0 : i32
      %dma_wait3A_62 = arith.constant 0 : i32
      %dma_wait3A_63 = tpu.memref_slice %arg4[%add3A, %dma_wait3A_61, %dma_wait3A_62] : memref<32x80x128xi32, #tpu.memory_space<hbm>> -> memref<1x40x128xi32, #tpu.memory_space<hbm>>
      %dma_wait3A_64 = tpu.memref_squeeze %dma_wait3A_63 : memref<1x40x128xi32, #tpu.memory_space<hbm>> -> memref<40x128xi32, #tpu.memory_space<hbm>>
      tpu.wait_dma2 semaphore(%run_scoped3A : memref<!tpu.dma_semaphore, #tpu.memory_space<semaphore_mem>>) src(%dma_wait3A_64 : memref<40x128xi32, #tpu.memory_space<hbm>>) dst(%arg8 : memref<40x128xi32, #tpu.memory_space<vmem>>)
      tpu.yield
    }) : () -> ()
    %dma_start3A = arith.constant 0 : i32
    %dma_start3A_20 = arith.constant 0 : i32
    %dma_start3A_21 = tpu.memref_slice %arg7[%dma_start3A, %dma_start3A_20] : memref<40x128xi32, #tpu.memory_space<vmem>> -> memref<1x128xi32, #tpu.memory_space<vmem>>
    %dma_start3A_22 = tpu.memref_squeeze %dma_start3A_21 : memref<1x128xi32, #tpu.memory_space<vmem>> -> memref<128xi32, #tpu.memory_space<vmem>>
    %dma_start3A_23 = arith.constant 0 : i32
    %dma_start3A_24 = arith.constant 0 : i32
    %dma_start3A_25 = tpu.memref_slice %arg2[%dma_start3A_23, %dma_start3A_24] : memref<10000x128xf32, #tpu.memory_space<hbm>> -> memref<10000x128xf32, #tpu.memory_space<hbm>>
    tpu.enqueue_indirect_dma source(%dma_start3A_25 : memref<10000x128xf32, #tpu.memory_space<hbm>>) target(%arg9 : memref<128x128xf32, #tpu.memory_space<vmem>>) offsets(%dma_start3A_22 : memref<128xi32, #tpu.memory_space<vmem>>) semaphore(%arg11 : memref<!tpu.dma_semaphore, #tpu.memory_space<semaphore_mem>>)
    %scan3A_26 = arith.constant 0 : i32
    %scan3A_27 = arith.constant 0 : i32
    %scan3A_28 = arith.constant 20 : i32
    %scan3A_29 = arith.addi %scan3A_27, %scan3A_28 : i32
    %scan3A_30 = arith.constant 1 : i32
    %scan3A_31 = scf.for %scan3A_50 = %scan3A_27 to %scan3A_29 step %scan3A_30 iter_args(%scan3A_51 = %scan3A_26) -> (i32)  : i32 {
      %mul3A_52 = arith.constant 2 : i32
      %mul3A_53 = arith.muli %mul3A_52, %scan3A_50 : i32
      %add3A_54 = arith.constant 1 : i32
      %add3A_55 = arith.addi %mul3A_53, %add3A_54 : i32
      %dma_start3A_56 = arith.constant 0 : i32
      %dma_start3A_57 = tpu.memref_slice %arg7[%add3A_55, %dma_start3A_56] : memref<40x128xi32, #tpu.memory_space<vmem>> -> memref<1x128xi32, #tpu.memory_space<vmem>>
      %dma_start3A_58 = tpu.memref_squeeze %dma_start3A_57 : memref<1x128xi32, #tpu.memory_space<vmem>> -> memref<128xi32, #tpu.memory_space<vmem>>
      %dma_start3A_59 = arith.constant 0 : i32
      %dma_start3A_60 = arith.constant 0 : i32
      %dma_start3A_61 = tpu.memref_slice %arg2[%dma_start3A_59, %dma_start3A_60] : memref<10000x128xf32, #tpu.memory_space<hbm>> -> memref<10000x128xf32, #tpu.memory_space<hbm>>
      tpu.enqueue_indirect_dma source(%dma_start3A_61 : memref<10000x128xf32, #tpu.memory_space<hbm>>) target(%arg10 : memref<128x128xf32, #tpu.memory_space<vmem>>) offsets(%dma_start3A_58 : memref<128xi32, #tpu.memory_space<vmem>>) semaphore(%arg12 : memref<!tpu.dma_semaphore, #tpu.memory_space<semaphore_mem>>)
      %dma_wait3A = arith.constant 0 : i32
      %dma_wait3A_62 = arith.constant 0 : i32
      %dma_wait3A_63 = tpu.memref_slice %arg2[%dma_wait3A, %dma_wait3A_62] : memref<10000x128xf32, #tpu.memory_space<hbm>> -> memref<128x128xf32, #tpu.memory_space<hbm>>
      %dma_wait3A_64 = arith.constant 0 : i32
      %dma_wait3A_65 = arith.constant 0 : i32
      %dma_wait3A_66 = tpu.memref_slice %arg2[%dma_wait3A_64, %dma_wait3A_65] : memref<10000x128xf32, #tpu.memory_space<hbm>> -> memref<128x128xf32, #tpu.memory_space<hbm>>
      tpu.wait_dma2 semaphore(%arg11 : memref<!tpu.dma_semaphore, #tpu.memory_space<semaphore_mem>>) src(%dma_wait3A_66 : memref<128x128xf32, #tpu.memory_space<hbm>>) dst(%arg9 : memref<128x128xf32, #tpu.memory_space<vmem>>)
      "tpu.region"() ({
        %run_scoped3A = tpu.sem_alloc : memref<!tpu.dma_semaphore, #tpu.memory_space<semaphore_mem>>
        %dma_start3A_78 = arith.constant 0 : i32
        %dma_start3A_79 = tpu.memref_slice %arg8[%mul3A_53, %dma_start3A_78] : memref<40x128xi32, #tpu.memory_space<vmem>> -> memref<1x128xi32, #tpu.memory_space<vmem>>
        %dma_start3A_80 = tpu.memref_squeeze %dma_start3A_79 : memref<1x128xi32, #tpu.memory_space<vmem>> -> memref<128xi32, #tpu.memory_space<vmem>>
        %dma_start3A_81 = arith.constant 0 : i32
        %dma_start3A_82 = arith.constant 0 : i32
        %dma_start3A_83 = tpu.memref_slice %arg6[%dma_start3A_81, %dma_start3A_82] : memref<10240x128xf32, #tpu.memory_space<vmem_shared>> -> memref<10240x128xf32, #tpu.memory_space<vmem_shared>>
        tpu.enqueue_indirect_dma source(%arg9 : memref<128x128xf32, #tpu.memory_space<vmem>>) target(%dma_start3A_83 : memref<10240x128xf32, #tpu.memory_space<vmem_shared>>) offsets(%dma_start3A_80 : memref<128xi32, #tpu.memory_space<vmem>>) semaphore(%run_scoped3A : memref<!tpu.dma_semaphore, #tpu.memory_space<semaphore_mem>>) {add = true}
        %dma_wait3A_84 = arith.constant 0 : i32
        %dma_wait3A_85 = tpu.memref_slice %arg8[%mul3A_53, %dma_wait3A_84] : memref<40x128xi32, #tpu.memory_space<vmem>> -> memref<1x128xi32, #tpu.memory_space<vmem>>
        %dma_wait3A_86 = tpu.memref_squeeze %dma_wait3A_85 : memref<1x128xi32, #tpu.memory_space<vmem>> -> memref<128xi32, #tpu.memory_space<vmem>>
        %dma_wait3A_87 = arith.constant 0 : i32
        %dma_wait3A_88 = arith.constant 0 : i32
        %dma_wait3A_89 = tpu.memref_slice %arg6[%dma_wait3A_87, %dma_wait3A_88] : memref<10240x128xf32, #tpu.memory_space<vmem_shared>> -> memref<10240x128xf32, #tpu.memory_space<vmem_shared>>
        tpu.wait_indirect_dma semaphore(%run_scoped3A : memref<!tpu.dma_semaphore, #tpu.memory_space<semaphore_mem>>) src(%arg9 : memref<128x128xf32, #tpu.memory_space<vmem>>) dst(%dma_wait3A_89 : memref<10240x128xf32, #tpu.memory_space<vmem_shared>>)
        tpu.yield
      }) : () -> ()
      %lt3A = arith.constant 19 : i32
      %lt3A_67 = arith.cmpi slt, %scan3A_50, %lt3A : i32
      %convert_element_type3A = arith.extui %lt3A_67 : i1 to i32
      %cond3A = arith.constant 0 : i32
      %cond3A_68 = arith.cmpi ne, %convert_element_type3A, %cond3A : i32
      scf.if %cond3A_68 {
        %add3A_78 = arith.constant 2 : i32
        %add3A_79 = arith.addi %mul3A_53, %add3A_78 : i32
        %dma_start3A_80 = arith.constant 0 : i32
        %dma_start3A_81 = tpu.memref_slice %arg7[%add3A_79, %dma_start3A_80] : memref<40x128xi32, #tpu.memory_space<vmem>> -> memref<1x128xi32, #tpu.memory_space<vmem>>
        %dma_start3A_82 = tpu.memref_squeeze %dma_start3A_81 : memref<1x128xi32, #tpu.memory_space<vmem>> -> memref<128xi32, #tpu.memory_space<vmem>>
        %dma_start3A_83 = arith.constant 0 : i32
        %dma_start3A_84 = arith.constant 0 : i32
        %dma_start3A_85 = tpu.memref_slice %arg2[%dma_start3A_83, %dma_start3A_84] : memref<10000x128xf32, #tpu.memory_space<hbm>> -> memref<10000x128xf32, #tpu.memory_space<hbm>>
        tpu.enqueue_indirect_dma source(%dma_start3A_85 : memref<10000x128xf32, #tpu.memory_space<hbm>>) target(%arg9 : memref<128x128xf32, #tpu.memory_space<vmem>>) offsets(%dma_start3A_82 : memref<128xi32, #tpu.memory_space<vmem>>) semaphore(%arg11 : memref<!tpu.dma_semaphore, #tpu.memory_space<semaphore_mem>>)
      } else {
      }
      %dma_wait3A_69 = arith.constant 0 : i32
      %dma_wait3A_70 = arith.constant 0 : i32
      %dma_wait3A_71 = tpu.memref_slice %arg2[%dma_wait3A_69, %dma_wait3A_70] : memref<10000x128xf32, #tpu.memory_space<hbm>> -> memref<128x128xf32, #tpu.memory_space<hbm>>
      %dma_wait3A_72 = arith.constant 0 : i32
      %dma_wait3A_73 = arith.constant 0 : i32
      %dma_wait3A_74 = tpu.memref_slice %arg2[%dma_wait3A_72, %dma_wait3A_73] : memref<10000x128xf32, #tpu.memory_space<hbm>> -> memref<128x128xf32, #tpu.memory_space<hbm>>
      tpu.wait_dma2 semaphore(%arg12 : memref<!tpu.dma_semaphore, #tpu.memory_space<semaphore_mem>>) src(%dma_wait3A_74 : memref<128x128xf32, #tpu.memory_space<hbm>>) dst(%arg10 : memref<128x128xf32, #tpu.memory_space<vmem>>)
      %add3A_75 = arith.constant 1 : i32
      %add3A_76 = arith.addi %mul3A_53, %add3A_75 : i32
      "tpu.region"() ({
        %run_scoped3A = tpu.sem_alloc : memref<!tpu.dma_semaphore, #tpu.memory_space<semaphore_mem>>
        %dma_start3A_78 = arith.constant 0 : i32
        %dma_start3A_79 = tpu.memref_slice %arg8[%add3A_76, %dma_start3A_78] : memref<40x128xi32, #tpu.memory_space<vmem>> -> memref<1x128xi32, #tpu.memory_space<vmem>>
        %dma_start3A_80 = tpu.memref_squeeze %dma_start3A_79 : memref<1x128xi32, #tpu.memory_space<vmem>> -> memref<128xi32, #tpu.memory_space<vmem>>
        %dma_start3A_81 = arith.constant 0 : i32
        %dma_start3A_82 = arith.constant 0 : i32
        %dma_start3A_83 = tpu.memref_slice %arg6[%dma_start3A_81, %dma_start3A_82] : memref<10240x128xf32, #tpu.memory_space<vmem_shared>> -> memref<10240x128xf32, #tpu.memory_space<vmem_shared>>
        tpu.enqueue_indirect_dma source(%arg10 : memref<128x128xf32, #tpu.memory_space<vmem>>) target(%dma_start3A_83 : memref<10240x128xf32, #tpu.memory_space<vmem_shared>>) offsets(%dma_start3A_80 : memref<128xi32, #tpu.memory_space<vmem>>) semaphore(%run_scoped3A : memref<!tpu.dma_semaphore, #tpu.memory_space<semaphore_mem>>) {add = true}
        %dma_wait3A_84 = arith.constant 0 : i32
        %dma_wait3A_85 = tpu.memref_slice %arg8[%add3A_76, %dma_wait3A_84] : memref<40x128xi32, #tpu.memory_space<vmem>> -> memref<1x128xi32, #tpu.memory_space<vmem>>
        %dma_wait3A_86 = tpu.memref_squeeze %dma_wait3A_85 : memref<1x128xi32, #tpu.memory_space<vmem>> -> memref<128xi32, #tpu.memory_space<vmem>>
        %dma_wait3A_87 = arith.constant 0 : i32
        %dma_wait3A_88 = arith.constant 0 : i32
        %dma_wait3A_89 = tpu.memref_slice %arg6[%dma_wait3A_87, %dma_wait3A_88] : memref<10240x128xf32, #tpu.memory_space<vmem_shared>> -> memref<10240x128xf32, #tpu.memory_space<vmem_shared>>
        tpu.wait_indirect_dma semaphore(%run_scoped3A : memref<!tpu.dma_semaphore, #tpu.memory_space<semaphore_mem>>) src(%arg10 : memref<128x128xf32, #tpu.memory_space<vmem>>) dst(%dma_wait3A_89 : memref<10240x128xf32, #tpu.memory_space<vmem_shared>>)
        tpu.yield
      }) : () -> ()
      %scan3A_77 = arith.constant 0 : i32
      scf.yield %scan3A_77 : i32
    }
    %scan3A_32 = arith.constant 20 : i32
    "tpu.region"() ({
      %run_scoped3A = tpu.sem_alloc : memref<!tpu.dma_semaphore, #tpu.memory_space<semaphore_mem>>
      %dma_start3A_50 = arith.constant 40 : i32
      %dma_start3A_51 = arith.constant 0 : i32
      %dma_start3A_52 = tpu.memref_slice %arg3[%add3A, %dma_start3A_50, %dma_start3A_51] : memref<32x80x128xi32, #tpu.memory_space<hbm>> -> memref<1x40x128xi32, #tpu.memory_space<hbm>>
      %dma_start3A_53 = tpu.memref_squeeze %dma_start3A_52 : memref<1x40x128xi32, #tpu.memory_space<hbm>> -> memref<40x128xi32, #tpu.memory_space<hbm>>
      %dma_start3A_54 = arith.constant 40 : i32
      %dma_start3A_55 = arith.constant 0 : i32
      %dma_start3A_56 = tpu.memref_slice %arg3[%add3A, %dma_start3A_54, %dma_start3A_55] : memref<32x80x128xi32, #tpu.memory_space<hbm>> -> memref<1x40x128xi32, #tpu.memory_space<hbm>>
      %dma_start3A_57 = tpu.memref_squeeze %dma_start3A_56 : memref<1x40x128xi32, #tpu.memory_space<hbm>> -> memref<40x128xi32, #tpu.memory_space<hbm>>
      tpu.enqueue_dma source(%dma_start3A_57 : memref<40x128xi32, #tpu.memory_space<hbm>>) target(%arg7 : memref<40x128xi32, #tpu.memory_space<vmem>>) target_semaphore(%run_scoped3A : memref<!tpu.dma_semaphore, #tpu.memory_space<semaphore_mem>>)
      %dma_wait3A = arith.constant 40 : i32
      %dma_wait3A_58 = arith.constant 0 : i32
      %dma_wait3A_59 = tpu.memref_slice %arg3[%add3A, %dma_wait3A, %dma_wait3A_58] : memref<32x80x128xi32, #tpu.memory_space<hbm>> -> memref<1x40x128xi32, #tpu.memory_space<hbm>>
      %dma_wait3A_60 = tpu.memref_squeeze %dma_wait3A_59 : memref<1x40x128xi32, #tpu.memory_space<hbm>> -> memref<40x128xi32, #tpu.memory_space<hbm>>
      %dma_wait3A_61 = arith.constant 40 : i32
      %dma_wait3A_62 = arith.constant 0 : i32
      %dma_wait3A_63 = tpu.memref_slice %arg3[%add3A, %dma_wait3A_61, %dma_wait3A_62] : memref<32x80x128xi32, #tpu.memory_space<hbm>> -> memref<1x40x128xi32, #tpu.memory_space<hbm>>
      %dma_wait3A_64 = tpu.memref_squeeze %dma_wait3A_63 : memref<1x40x128xi32, #tpu.memory_space<hbm>> -> memref<40x128xi32, #tpu.memory_space<hbm>>
      tpu.wait_dma2 semaphore(%run_scoped3A : memref<!tpu.dma_semaphore, #tpu.memory_space<semaphore_mem>>) src(%dma_wait3A_64 : memref<40x128xi32, #tpu.memory_space<hbm>>) dst(%arg7 : memref<40x128xi32, #tpu.memory_space<vmem>>)
      tpu.yield
    }) : () -> ()
    "tpu.region"() ({
      %run_scoped3A = tpu.sem_alloc : memref<!tpu.dma_semaphore, #tpu.memory_space<semaphore_mem>>
      %dma_start3A_50 = arith.constant 40 : i32
      %dma_start3A_51 = arith.constant 0 : i32
      %dma_start3A_52 = tpu.memref_slice %arg4[%add3A, %dma_start3A_50, %dma_start3A_51] : memref<32x80x128xi32, #tpu.memory_space<hbm>> -> memref<1x40x128xi32, #tpu.memory_space<hbm>>
      %dma_start3A_53 = tpu.memref_squeeze %dma_start3A_52 : memref<1x40x128xi32, #tpu.memory_space<hbm>> -> memref<40x128xi32, #tpu.memory_space<hbm>>
      %dma_start3A_54 = arith.constant 40 : i32
      %dma_start3A_55 = arith.constant 0 : i32
      %dma_start3A_56 = tpu.memref_slice %arg4[%add3A, %dma_start3A_54, %dma_start3A_55] : memref<32x80x128xi32, #tpu.memory_space<hbm>> -> memref<1x40x128xi32, #tpu.memory_space<hbm>>
      %dma_start3A_57 = tpu.memref_squeeze %dma_start3A_56 : memref<1x40x128xi32, #tpu.memory_space<hbm>> -> memref<40x128xi32, #tpu.memory_space<hbm>>
      tpu.enqueue_dma source(%dma_start3A_57 : memref<40x128xi32, #tpu.memory_space<hbm>>) target(%arg8 : memref<40x128xi32, #tpu.memory_space<vmem>>) target_semaphore(%run_scoped3A : memref<!tpu.dma_semaphore, #tpu.memory_space<semaphore_mem>>)
      %dma_wait3A = arith.constant 40 : i32
      %dma_wait3A_58 = arith.constant 0 : i32
      %dma_wait3A_59 = tpu.memref_slice %arg4[%add3A, %dma_wait3A, %dma_wait3A_58] : memref<32x80x128xi32, #tpu.memory_space<hbm>> -> memref<1x40x128xi32, #tpu.memory_space<hbm>>
      %dma_wait3A_60 = tpu.memref_squeeze %dma_wait3A_59 : memref<1x40x128xi32, #tpu.memory_space<hbm>> -> memref<40x128xi32, #tpu.memory_space<hbm>>
      %dma_wait3A_61 = arith.constant 40 : i32
      %dma_wait3A_62 = arith.constant 0 : i32
      %dma_wait3A_63 = tpu.memref_slice %arg4[%add3A, %dma_wait3A_61, %dma_wait3A_62] : memref<32x80x128xi32, #tpu.memory_space<hbm>> -> memref<1x40x128xi32, #tpu.memory_space<hbm>>
      %dma_wait3A_64 = tpu.memref_squeeze %dma_wait3A_63 : memref<1x40x128xi32, #tpu.memory_space<hbm>> -> memref<40x128xi32, #tpu.memory_space<hbm>>
      tpu.wait_dma2 semaphore(%run_scoped3A : memref<!tpu.dma_semaphore, #tpu.memory_space<semaphore_mem>>) src(%dma_wait3A_64 : memref<40x128xi32, #tpu.memory_space<hbm>>) dst(%arg8 : memref<40x128xi32, #tpu.memory_space<vmem>>)
      tpu.yield
    }) : () -> ()
    %dma_start3A_33 = arith.constant 0 : i32
    %dma_start3A_34 = arith.constant 0 : i32
    %dma_start3A_35 = tpu.memref_slice %arg7[%dma_start3A_33, %dma_start3A_34] : memref<40x128xi32, #tpu.memory_space<vmem>> -> memref<1x128xi32, #tpu.memory_space<vmem>>
    %dma_start3A_36 = tpu.memref_squeeze %dma_start3A_35 : memref<1x128xi32, #tpu.memory_space<vmem>> -> memref<128xi32, #tpu.memory_space<vmem>>
    %dma_start3A_37 = arith.constant 0 : i32
    %dma_start3A_38 = arith.constant 0 : i32
    %dma_start3A_39 = tpu.memref_slice %arg2[%dma_start3A_37, %dma_start3A_38] : memref<10000x128xf32, #tpu.memory_space<hbm>> -> memref<10000x128xf32, #tpu.memory_space<hbm>>
    tpu.enqueue_indirect_dma source(%dma_start3A_39 : memref<10000x128xf32, #tpu.memory_space<hbm>>) target(%arg9 : memref<128x128xf32, #tpu.memory_space<vmem>>) offsets(%dma_start3A_36 : memref<128xi32, #tpu.memory_space<vmem>>) semaphore(%arg11 : memref<!tpu.dma_semaphore, #tpu.memory_space<semaphore_mem>>)
    %scan3A_40 = arith.constant 0 : i32
    %scan3A_41 = arith.constant 0 : i32
    %scan3A_42 = arith.constant 20 : i32
    %scan3A_43 = arith.addi %scan3A_41, %scan3A_42 : i32
    %scan3A_44 = arith.constant 1 : i32
    %scan3A_45 = scf.for %scan3A_50 = %scan3A_41 to %scan3A_43 step %scan3A_44 iter_args(%scan3A_51 = %scan3A_40) -> (i32)  : i32 {
      %mul3A_52 = arith.constant 2 : i32
      %mul3A_53 = arith.muli %mul3A_52, %scan3A_50 : i32
      %add3A_54 = arith.constant 1 : i32
      %add3A_55 = arith.addi %mul3A_53, %add3A_54 : i32
      %dma_start3A_56 = arith.constant 0 : i32
      %dma_start3A_57 = tpu.memref_slice %arg7[%add3A_55, %dma_start3A_56] : memref<40x128xi32, #tpu.memory_space<vmem>> -> memref<1x128xi32, #tpu.memory_space<vmem>>
      %dma_start3A_58 = tpu.memref_squeeze %dma_start3A_57 : memref<1x128xi32, #tpu.memory_space<vmem>> -> memref<128xi32, #tpu.memory_space<vmem>>
      %dma_start3A_59 = arith.constant 0 : i32
      %dma_start3A_60 = arith.constant 0 : i32
      %dma_start3A_61 = tpu.memref_slice %arg2[%dma_start3A_59, %dma_start3A_60] : memref<10000x128xf32, #tpu.memory_space<hbm>> -> memref<10000x128xf32, #tpu.memory_space<hbm>>
      tpu.enqueue_indirect_dma source(%dma_start3A_61 : memref<10000x128xf32, #tpu.memory_space<hbm>>) target(%arg10 : memref<128x128xf32, #tpu.memory_space<vmem>>) offsets(%dma_start3A_58 : memref<128xi32, #tpu.memory_space<vmem>>) semaphore(%arg12 : memref<!tpu.dma_semaphore, #tpu.memory_space<semaphore_mem>>)
      %dma_wait3A = arith.constant 0 : i32
      %dma_wait3A_62 = arith.constant 0 : i32
      %dma_wait3A_63 = tpu.memref_slice %arg2[%dma_wait3A, %dma_wait3A_62] : memref<10000x128xf32, #tpu.memory_space<hbm>> -> memref<128x128xf32, #tpu.memory_space<hbm>>
      %dma_wait3A_64 = arith.constant 0 : i32
      %dma_wait3A_65 = arith.constant 0 : i32
      %dma_wait3A_66 = tpu.memref_slice %arg2[%dma_wait3A_64, %dma_wait3A_65] : memref<10000x128xf32, #tpu.memory_space<hbm>> -> memref<128x128xf32, #tpu.memory_space<hbm>>
      tpu.wait_dma2 semaphore(%arg11 : memref<!tpu.dma_semaphore, #tpu.memory_space<semaphore_mem>>) src(%dma_wait3A_66 : memref<128x128xf32, #tpu.memory_space<hbm>>) dst(%arg9 : memref<128x128xf32, #tpu.memory_space<vmem>>)
      "tpu.region"() ({
        %run_scoped3A = tpu.sem_alloc : memref<!tpu.dma_semaphore, #tpu.memory_space<semaphore_mem>>
        %dma_start3A_78 = arith.constant 0 : i32
        %dma_start3A_79 = tpu.memref_slice %arg8[%mul3A_53, %dma_start3A_78] : memref<40x128xi32, #tpu.memory_space<vmem>> -> memref<1x128xi32, #tpu.memory_space<vmem>>
        %dma_start3A_80 = tpu.memref_squeeze %dma_start3A_79 : memref<1x128xi32, #tpu.memory_space<vmem>> -> memref<128xi32, #tpu.memory_space<vmem>>
        %dma_start3A_81 = arith.constant 0 : i32
        %dma_start3A_82 = arith.constant 0 : i32
        %dma_start3A_83 = tpu.memref_slice %arg6[%dma_start3A_81, %dma_start3A_82] : memref<10240x128xf32, #tpu.memory_space<vmem_shared>> -> memref<10240x128xf32, #tpu.memory_space<vmem_shared>>
        tpu.enqueue_indirect_dma source(%arg9 : memref<128x128xf32, #tpu.memory_space<vmem>>) target(%dma_start3A_83 : memref<10240x128xf32, #tpu.memory_space<vmem_shared>>) offsets(%dma_start3A_80 : memref<128xi32, #tpu.memory_space<vmem>>) semaphore(%run_scoped3A : memref<!tpu.dma_semaphore, #tpu.memory_space<semaphore_mem>>) {add = true}
        %dma_wait3A_84 = arith.constant 0 : i32
        %dma_wait3A_85 = tpu.memref_slice %arg8[%mul3A_53, %dma_wait3A_84] : memref<40x128xi32, #tpu.memory_space<vmem>> -> memref<1x128xi32, #tpu.memory_space<vmem>>
        %dma_wait3A_86 = tpu.memref_squeeze %dma_wait3A_85 : memref<1x128xi32, #tpu.memory_space<vmem>> -> memref<128xi32, #tpu.memory_space<vmem>>
        %dma_wait3A_87 = arith.constant 0 : i32
        %dma_wait3A_88 = arith.constant 0 : i32
        %dma_wait3A_89 = tpu.memref_slice %arg6[%dma_wait3A_87, %dma_wait3A_88] : memref<10240x128xf32, #tpu.memory_space<vmem_shared>> -> memref<10240x128xf32, #tpu.memory_space<vmem_shared>>
        tpu.wait_indirect_dma semaphore(%run_scoped3A : memref<!tpu.dma_semaphore, #tpu.memory_space<semaphore_mem>>) src(%arg9 : memref<128x128xf32, #tpu.memory_space<vmem>>) dst(%dma_wait3A_89 : memref<10240x128xf32, #tpu.memory_space<vmem_shared>>)
        tpu.yield
      }) : () -> ()
      %lt3A = arith.constant 19 : i32
      %lt3A_67 = arith.cmpi slt, %scan3A_50, %lt3A : i32
      %convert_element_type3A = arith.extui %lt3A_67 : i1 to i32
      %cond3A = arith.constant 0 : i32
      %cond3A_68 = arith.cmpi ne, %convert_element_type3A, %cond3A : i32
      scf.if %cond3A_68 {
        %add3A_78 = arith.constant 2 : i32
        %add3A_79 = arith.addi %mul3A_53, %add3A_78 : i32
        %dma_start3A_80 = arith.constant 0 : i32
        %dma_start3A_81 = tpu.memref_slice %arg7[%add3A_79, %dma_start3A_80] : memref<40x128xi32, #tpu.memory_space<vmem>> -> memref<1x128xi32, #tpu.memory_space<vmem>>
        %dma_start3A_82 = tpu.memref_squeeze %dma_start3A_81 : memref<1x128xi32, #tpu.memory_space<vmem>> -> memref<128xi32, #tpu.memory_space<vmem>>
        %dma_start3A_83 = arith.constant 0 : i32
        %dma_start3A_84 = arith.constant 0 : i32
        %dma_start3A_85 = tpu.memref_slice %arg2[%dma_start3A_83, %dma_start3A_84] : memref<10000x128xf32, #tpu.memory_space<hbm>> -> memref<10000x128xf32, #tpu.memory_space<hbm>>
        tpu.enqueue_indirect_dma source(%dma_start3A_85 : memref<10000x128xf32, #tpu.memory_space<hbm>>) target(%arg9 : memref<128x128xf32, #tpu.memory_space<vmem>>) offsets(%dma_start3A_82 : memref<128xi32, #tpu.memory_space<vmem>>) semaphore(%arg11 : memref<!tpu.dma_semaphore, #tpu.memory_space<semaphore_mem>>)
      } else {
      }
      %dma_wait3A_69 = arith.constant 0 : i32
      %dma_wait3A_70 = arith.constant 0 : i32
      %dma_wait3A_71 = tpu.memref_slice %arg2[%dma_wait3A_69, %dma_wait3A_70] : memref<10000x128xf32, #tpu.memory_space<hbm>> -> memref<128x128xf32, #tpu.memory_space<hbm>>
      %dma_wait3A_72 = arith.constant 0 : i32
      %dma_wait3A_73 = arith.constant 0 : i32
      %dma_wait3A_74 = tpu.memref_slice %arg2[%dma_wait3A_72, %dma_wait3A_73] : memref<10000x128xf32, #tpu.memory_space<hbm>> -> memref<128x128xf32, #tpu.memory_space<hbm>>
      tpu.wait_dma2 semaphore(%arg12 : memref<!tpu.dma_semaphore, #tpu.memory_space<semaphore_mem>>) src(%dma_wait3A_74 : memref<128x128xf32, #tpu.memory_space<hbm>>) dst(%arg10 : memref<128x128xf32, #tpu.memory_space<vmem>>)
      %add3A_75 = arith.constant 1 : i32
      %add3A_76 = arith.addi %mul3A_53, %add3A_75 : i32
      "tpu.region"() ({
        %run_scoped3A = tpu.sem_alloc : memref<!tpu.dma_semaphore, #tpu.memory_space<semaphore_mem>>
        %dma_start3A_78 = arith.constant 0 : i32
        %dma_start3A_79 = tpu.memref_slice %arg8[%add3A_76, %dma_start3A_78] : memref<40x128xi32, #tpu.memory_space<vmem>> -> memref<1x128xi32, #tpu.memory_space<vmem>>
        %dma_start3A_80 = tpu.memref_squeeze %dma_start3A_79 : memref<1x128xi32, #tpu.memory_space<vmem>> -> memref<128xi32, #tpu.memory_space<vmem>>
        %dma_start3A_81 = arith.constant 0 : i32
        %dma_start3A_82 = arith.constant 0 : i32
        %dma_start3A_83 = tpu.memref_slice %arg6[%dma_start3A_81, %dma_start3A_82] : memref<10240x128xf32, #tpu.memory_space<vmem_shared>> -> memref<10240x128xf32, #tpu.memory_space<vmem_shared>>
        tpu.enqueue_indirect_dma source(%arg10 : memref<128x128xf32, #tpu.memory_space<vmem>>) target(%dma_start3A_83 : memref<10240x128xf32, #tpu.memory_space<vmem_shared>>) offsets(%dma_start3A_80 : memref<128xi32, #tpu.memory_space<vmem>>) semaphore(%run_scoped3A : memref<!tpu.dma_semaphore, #tpu.memory_space<semaphore_mem>>) {add = true}
        %dma_wait3A_84 = arith.constant 0 : i32
        %dma_wait3A_85 = tpu.memref_slice %arg8[%add3A_76, %dma_wait3A_84] : memref<40x128xi32, #tpu.memory_space<vmem>> -> memref<1x128xi32, #tpu.memory_space<vmem>>
        %dma_wait3A_86 = tpu.memref_squeeze %dma_wait3A_85 : memref<1x128xi32, #tpu.memory_space<vmem>> -> memref<128xi32, #tpu.memory_space<vmem>>
        %dma_wait3A_87 = arith.constant 0 : i32
        %dma_wait3A_88 = arith.constant 0 : i32
        %dma_wait3A_89 = tpu.memref_slice %arg6[%dma_wait3A_87, %dma_wait3A_88] : memref<10240x128xf32, #tpu.memory_space<vmem_shared>> -> memref<10240x128xf32, #tpu.memory_space<vmem_shared>>
        tpu.wait_indirect_dma semaphore(%run_scoped3A : memref<!tpu.dma_semaphore, #tpu.memory_space<semaphore_mem>>) src(%arg10 : memref<128x128xf32, #tpu.memory_space<vmem>>) dst(%dma_wait3A_89 : memref<10240x128xf32, #tpu.memory_space<vmem_shared>>)
        tpu.yield
      }) : () -> ()
      %scan3A_77 = arith.constant 0 : i32
      scf.yield %scan3A_77 : i32
    }
    %scan3A_46 = arith.constant 20 : i32
    %barrier3A_47 = arith.constant 0 : index
    tpu.barrier barrier_id(%barrier3A_47)
    %mul3A_48 = arith.constant 640 : i32
    %mul3A_49 = arith.muli %arg1, %mul3A_48 : i32
    "tpu.region"() ({
      %run_scoped3A = tpu.sem_alloc : memref<!tpu.dma_semaphore, #tpu.memory_space<semaphore_mem>>
      %dma_start3A_50 = arith.constant 0 : i32
      %dma_start3A_51 = tpu.memref_slice %arg5[%arg0, %mul3A_49, %dma_start3A_50] : memref<2x10240x128xf32, #tpu.memory_space<hbm>> -> memref<1x640x128xf32, #tpu.memory_space<hbm>>
      %dma_start3A_52 = tpu.memref_squeeze %dma_start3A_51 : memref<1x640x128xf32, #tpu.memory_space<hbm>> -> memref<640x128xf32, #tpu.memory_space<hbm>>
      %dma_start3A_53 = arith.constant 0 : i32
      %dma_start3A_54 = tpu.memref_slice %arg6[%mul3A_49, %dma_start3A_53] : memref<10240x128xf32, #tpu.memory_space<vmem_shared>> -> memref<640x128xf32, #tpu.memory_space<vmem_shared>>
      tpu.enqueue_dma source(%dma_start3A_54 : memref<640x128xf32, #tpu.memory_space<vmem_shared>>) target(%dma_start3A_52 : memref<640x128xf32, #tpu.memory_space<hbm>>) target_semaphore(%run_scoped3A : memref<!tpu.dma_semaphore, #tpu.memory_space<semaphore_mem>>)
      %dma_wait3A = arith.constant 0 : i32
      %dma_wait3A_55 = tpu.memref_slice %arg5[%arg0, %mul3A_49, %dma_wait3A] : memref<2x10240x128xf32, #tpu.memory_space<hbm>> -> memref<1x640x128xf32, #tpu.memory_space<hbm>>
      %dma_wait3A_56 = tpu.memref_squeeze %dma_wait3A_55 : memref<1x640x128xf32, #tpu.memory_space<hbm>> -> memref<640x128xf32, #tpu.memory_space<hbm>>
      %dma_wait3A_57 = arith.constant 0 : i32
      %dma_wait3A_58 = tpu.memref_slice %arg6[%mul3A_49, %dma_wait3A_57] : memref<10240x128xf32, #tpu.memory_space<vmem_shared>> -> memref<640x128xf32, #tpu.memory_space<vmem_shared>>
      tpu.wait_dma2 semaphore(%run_scoped3A : memref<!tpu.dma_semaphore, #tpu.memory_space<semaphore_mem>>) src(%dma_wait3A_58 : memref<640x128xf32, #tpu.memory_space<vmem_shared>>) dst(%dma_wait3A_56 : memref<640x128xf32, #tpu.memory_space<hbm>>)
      tpu.yield
    }) : () -> ()
    return
  }
}

#map = affine_map<(d0, d1) -> (0, 0)>
#map1 = affine_map<(d0, d1) -> (0, 0, 0)>
module attributes {stable_mosaic.version = 14 : i64} {
  func.func @_agg_body(%arg0: i32, %arg1: i32, %arg2: memref<10000x128xf32, #tpu.memory_space<hbm>>, %arg3: memref<32x80x128xi32, #tpu.memory_space<hbm>>, %arg4: memref<32x80x128xi32, #tpu.memory_space<hbm>>, %arg5: memref<2x10240x128xf32, #tpu.memory_space<hbm>>, %arg6: memref<10240x128xf32, #tpu.memory_space<vmem_shared>>, %arg7: memref<40x128xi32, #tpu.memory_space<vmem>>, %arg8: memref<40x128xi32, #tpu.memory_space<vmem>>, %arg9: memref<128x128xf32, #tpu.memory_space<vmem>>, %arg10: memref<128x128xf32, #tpu.memory_space<vmem>>, %arg11: memref<!tpu.dma_semaphore, #tpu.memory_space<semaphore_mem>>, %arg12: memref<!tpu.dma_semaphore, #tpu.memory_space<semaphore_mem>>) attributes {dimension_semantics = [#tpu.dimension_semantics<core_parallel>, #tpu.dimension_semantics<subcore_parallel>], iteration_bounds = array<i64: 2, 16>, scalar_prefetch = 0 : i64, scratch_operands = 7 : i64, tpu.core_type = #tpu.core_type<sc_vector_subcore>, window_params = [{transform_indices = #map}, {transform_indices = #map1}, {transform_indices = #map1}, {transform_indices = #map1}]} {
    %mul3A = arith.constant 2 : i32
    %mul3A_0 = arith.muli %arg1, %mul3A : i32
    %add3A = arith.addi %mul3A_0, %arg0 : i32
    %broadcast_in_dim3A = arith.constant 0.000000e+00 : f32
    %broadcast_in_dim3A_1 = vector.broadcast %broadcast_in_dim3A : f32 to vector<16xf32>
    %scan3A = arith.constant 0 : i32
    %scan3A_2 = arith.constant 0 : i32
    %scan3A_3 = arith.constant 128 : i32
    %scan3A_4 = arith.addi %scan3A_2, %scan3A_3 : i32
    %scan3A_5 = arith.constant 1 : i32
    %scan3A_6 = scf.for %scan3A_50 = %scan3A_2 to %scan3A_4 step %scan3A_5 iter_args(%scan3A_51 = %scan3A) -> (i32)  : i32 {
      %swap3A = arith.index_cast %scan3A_50 : i32 to index
      %swap3A_52 = arith.constant 0 : index
      %swap3A_53 = tpu.vector_load %arg9[%swap3A, %swap3A_52] {strides = array<i32>} : memref<128x128xf32, #tpu.memory_space<vmem>>, vector<1x16xf32>,
      %swap3A_54 = vector.shape_cast %swap3A_53 : vector<1x16xf32> to vector<16xf32>
      %swap3A_55 = vector.shape_cast %broadcast_in_dim3A_1 : vector<16xf32> to vector<1x16xf32>
      tpu.vector_store %arg9[%swap3A, %swap3A_52], %swap3A_55 {strides = array<i32>} : memref<128x128xf32, #tpu.memory_space<vmem>>, vector<1x16xf32>,
      %swap3A_56 = arith.index_cast %scan3A_50 : i32 to index
      %swap3A_57 = arith.constant 16 : index
      %swap3A_58 = tpu.vector_load %arg9[%swap3A_56, %swap3A_57] {strides = array<i32>} : memref<128x128xf32, #tpu.memory_space<vmem>>, vector<1x16xf32>,
      %swap3A_59 = vector.shape_cast %swap3A_58 : vector<1x16xf32> to vector<16xf32>
      %swap3A_60 = vector.shape_cast %broadcast_in_dim3A_1 : vector<16xf32> to vector<1x16xf32>
      tpu.vector_store %arg9[%swap3A_56, %swap3A_57], %swap3A_60 {strides = array<i32>} : memref<128x128xf32, #tpu.memory_space<vmem>>, vector<1x16xf32>,
      %swap3A_61 = arith.index_cast %scan3A_50 : i32 to index
      %swap3A_62 = arith.constant 32 : index
      %swap3A_63 = tpu.vector_load %arg9[%swap3A_61, %swap3A_62] {strides = array<i32>} : memref<128x128xf32, #tpu.memory_space<vmem>>, vector<1x16xf32>,
      %swap3A_64 = vector.shape_cast %swap3A_63 : vector<1x16xf32> to vector<16xf32>
      %swap3A_65 = vector.shape_cast %broadcast_in_dim3A_1 : vector<16xf32> to vector<1x16xf32>
      tpu.vector_store %arg9[%swap3A_61, %swap3A_62], %swap3A_65 {strides = array<i32>} : memref<128x128xf32, #tpu.memory_space<vmem>>, vector<1x16xf32>,
      %swap3A_66 = arith.index_cast %scan3A_50 : i32 to index
      %swap3A_67 = arith.constant 48 : index
      %swap3A_68 = tpu.vector_load %arg9[%swap3A_66, %swap3A_67] {strides = array<i32>} : memref<128x128xf32, #tpu.memory_space<vmem>>, vector<1x16xf32>,
      %swap3A_69 = vector.shape_cast %swap3A_68 : vector<1x16xf32> to vector<16xf32>
      %swap3A_70 = vector.shape_cast %broadcast_in_dim3A_1 : vector<16xf32> to vector<1x16xf32>
      tpu.vector_store %arg9[%swap3A_66, %swap3A_67], %swap3A_70 {strides = array<i32>} : memref<128x128xf32, #tpu.memory_space<vmem>>, vector<1x16xf32>,
      %swap3A_71 = arith.index_cast %scan3A_50 : i32 to index
      %swap3A_72 = arith.constant 64 : index
      %swap3A_73 = tpu.vector_load %arg9[%swap3A_71, %swap3A_72] {strides = array<i32>} : memref<128x128xf32, #tpu.memory_space<vmem>>, vector<1x16xf32>,
      %swap3A_74 = vector.shape_cast %swap3A_73 : vector<1x16xf32> to vector<16xf32>
      %swap3A_75 = vector.shape_cast %broadcast_in_dim3A_1 : vector<16xf32> to vector<1x16xf32>
      tpu.vector_store %arg9[%swap3A_71, %swap3A_72], %swap3A_75 {strides = array<i32>} : memref<128x128xf32, #tpu.memory_space<vmem>>, vector<1x16xf32>,
      %swap3A_76 = arith.index_cast %scan3A_50 : i32 to index
      %swap3A_77 = arith.constant 80 : index
      %swap3A_78 = tpu.vector_load %arg9[%swap3A_76, %swap3A_77] {strides = array<i32>} : memref<128x128xf32, #tpu.memory_space<vmem>>, vector<1x16xf32>,
      %swap3A_79 = vector.shape_cast %swap3A_78 : vector<1x16xf32> to vector<16xf32>
      %swap3A_80 = vector.shape_cast %broadcast_in_dim3A_1 : vector<16xf32> to vector<1x16xf32>
      tpu.vector_store %arg9[%swap3A_76, %swap3A_77], %swap3A_80 {strides = array<i32>} : memref<128x128xf32, #tpu.memory_space<vmem>>, vector<1x16xf32>,
      %swap3A_81 = arith.index_cast %scan3A_50 : i32 to index
      %swap3A_82 = arith.constant 96 : index
      %swap3A_83 = tpu.vector_load %arg9[%swap3A_81, %swap3A_82] {strides = array<i32>} : memref<128x128xf32, #tpu.memory_space<vmem>>, vector<1x16xf32>,
      %swap3A_84 = vector.shape_cast %swap3A_83 : vector<1x16xf32> to vector<16xf32>
      %swap3A_85 = vector.shape_cast %broadcast_in_dim3A_1 : vector<16xf32> to vector<1x16xf32>
      tpu.vector_store %arg9[%swap3A_81, %swap3A_82], %swap3A_85 {strides = array<i32>} : memref<128x128xf32, #tpu.memory_space<vmem>>, vector<1x16xf32>,
      %swap3A_86 = arith.index_cast %scan3A_50 : i32 to index
      %swap3A_87 = arith.constant 112 : index
      %swap3A_88 = tpu.vector_load %arg9[%swap3A_86, %swap3A_87] {strides = array<i32>} : memref<128x128xf32, #tpu.memory_space<vmem>>, vector<1x16xf32>,
      %swap3A_89 = vector.shape_cast %swap3A_88 : vector<1x16xf32> to vector<16xf32>
      %swap3A_90 = vector.shape_cast %broadcast_in_dim3A_1 : vector<16xf32> to vector<1x16xf32>
      tpu.vector_store %arg9[%swap3A_86, %swap3A_87], %swap3A_90 {strides = array<i32>} : memref<128x128xf32, #tpu.memory_space<vmem>>, vector<1x16xf32>,
      %scan3A_91 = arith.constant 0 : i32
      scf.yield %scan3A_91 : i32
    }
    %scan3A_7 = arith.constant 128 : i32
    %mul3A_8 = arith.constant 640 : i32
    %mul3A_9 = arith.muli %arg1, %mul3A_8 : i32
    %add3A_10 = arith.constant 0 : i32
    %add3A_11 = arith.addi %mul3A_9, %add3A_10 : i32
    "tpu.region"() ({
      %run_scoped3A = tpu.sem_alloc : memref<!tpu.dma_semaphore, #tpu.memory_space<semaphore_mem>>
      %dma_start3A_50 = arith.constant 0 : i32
      %dma_start3A_51 = tpu.memref_slice %arg6[%add3A_11, %dma_start3A_50] : memref<10240x128xf32, #tpu.memory_space<vmem_shared>> -> memref<128x128xf32, #tpu.memory_space<vmem_shared>>
      %dma_start3A_52 = arith.constant 0 : i32
      %dma_start3A_53 = tpu.memref_slice %arg6[%add3A_11, %dma_start3A_52] : memref<10240x128xf32, #tpu.memory_space<vmem_shared>> -> memref<128x128xf32, #tpu.memory_space<vmem_shared>>
      tpu.enqueue_dma source(%arg9 : memref<128x128xf32, #tpu.memory_space<vmem>>) target(%dma_start3A_53 : memref<128x128xf32, #tpu.memory_space<vmem_shared>>) target_semaphore(%run_scoped3A : memref<!tpu.dma_semaphore, #tpu.memory_space<semaphore_mem>>)
      %dma_wait3A = arith.constant 0 : i32
      %dma_wait3A_54 = tpu.memref_slice %arg6[%add3A_11, %dma_wait3A] : memref<10240x128xf32, #tpu.memory_space<vmem_shared>> -> memref<128x128xf32, #tpu.memory_space<vmem_shared>>
      %dma_wait3A_55 = arith.constant 0 : i32
      %dma_wait3A_56 = tpu.memref_slice %arg6[%add3A_11, %dma_wait3A_55] : memref<10240x128xf32, #tpu.memory_space<vmem_shared>> -> memref<128x128xf32, #tpu.memory_space<vmem_shared>>
      tpu.wait_dma2 semaphore(%run_scoped3A : memref<!tpu.dma_semaphore, #tpu.memory_space<semaphore_mem>>) src(%arg9 : memref<128x128xf32, #tpu.memory_space<vmem>>) dst(%dma_wait3A_56 : memref<128x128xf32, #tpu.memory_space<vmem_shared>>)
      tpu.yield
    }) : () -> ()
    %add3A_12 = arith.constant 128 : i32
    %add3A_13 = arith.addi %mul3A_9, %add3A_12 : i32
    "tpu.region"() ({
      %run_scoped3A = tpu.sem_alloc : memref<!tpu.dma_semaphore, #tpu.memory_space<semaphore_mem>>
      %dma_start3A_50 = arith.constant 0 : i32
      %dma_start3A_51 = tpu.memref_slice %arg6[%add3A_13, %dma_start3A_50] : memref<10240x128xf32, #tpu.memory_space<vmem_shared>> -> memref<128x128xf32, #tpu.memory_space<vmem_shared>>
      %dma_start3A_52 = arith.constant 0 : i32
      %dma_start3A_53 = tpu.memref_slice %arg6[%add3A_13, %dma_start3A_52] : memref<10240x128xf32, #tpu.memory_space<vmem_shared>> -> memref<128x128xf32, #tpu.memory_space<vmem_shared>>
      tpu.enqueue_dma source(%arg9 : memref<128x128xf32, #tpu.memory_space<vmem>>) target(%dma_start3A_53 : memref<128x128xf32, #tpu.memory_space<vmem_shared>>) target_semaphore(%run_scoped3A : memref<!tpu.dma_semaphore, #tpu.memory_space<semaphore_mem>>)
      %dma_wait3A = arith.constant 0 : i32
      %dma_wait3A_54 = tpu.memref_slice %arg6[%add3A_13, %dma_wait3A] : memref<10240x128xf32, #tpu.memory_space<vmem_shared>> -> memref<128x128xf32, #tpu.memory_space<vmem_shared>>
      %dma_wait3A_55 = arith.constant 0 : i32
      %dma_wait3A_56 = tpu.memref_slice %arg6[%add3A_13, %dma_wait3A_55] : memref<10240x128xf32, #tpu.memory_space<vmem_shared>> -> memref<128x128xf32, #tpu.memory_space<vmem_shared>>
      tpu.wait_dma2 semaphore(%run_scoped3A : memref<!tpu.dma_semaphore, #tpu.memory_space<semaphore_mem>>) src(%arg9 : memref<128x128xf32, #tpu.memory_space<vmem>>) dst(%dma_wait3A_56 : memref<128x128xf32, #tpu.memory_space<vmem_shared>>)
      tpu.yield
    }) : () -> ()
    %add3A_14 = arith.constant 256 : i32
    %add3A_15 = arith.addi %mul3A_9, %add3A_14 : i32
    "tpu.region"() ({
      %run_scoped3A = tpu.sem_alloc : memref<!tpu.dma_semaphore, #tpu.memory_space<semaphore_mem>>
      %dma_start3A_50 = arith.constant 0 : i32
      %dma_start3A_51 = tpu.memref_slice %arg6[%add3A_15, %dma_start3A_50] : memref<10240x128xf32, #tpu.memory_space<vmem_shared>> -> memref<128x128xf32, #tpu.memory_space<vmem_shared>>
      %dma_start3A_52 = arith.constant 0 : i32
      %dma_start3A_53 = tpu.memref_slice %arg6[%add3A_15, %dma_start3A_52] : memref<10240x128xf32, #tpu.memory_space<vmem_shared>> -> memref<128x128xf32, #tpu.memory_space<vmem_shared>>
      tpu.enqueue_dma source(%arg9 : memref<128x128xf32, #tpu.memory_space<vmem>>) target(%dma_start3A_53 : memref<128x128xf32, #tpu.memory_space<vmem_shared>>) target_semaphore(%run_scoped3A : memref<!tpu.dma_semaphore, #tpu.memory_space<semaphore_mem>>)
      %dma_wait3A = arith.constant 0 : i32
      %dma_wait3A_54 = tpu.memref_slice %arg6[%add3A_15, %dma_wait3A] : memref<10240x128xf32, #tpu.memory_space<vmem_shared>> -> memref<128x128xf32, #tpu.memory_space<vmem_shared>>
      %dma_wait3A_55 = arith.constant 0 : i32
      %dma_wait3A_56 = tpu.memref_slice %arg6[%add3A_15, %dma_wait3A_55] : memref<10240x128xf32, #tpu.memory_space<vmem_shared>> -> memref<128x128xf32, #tpu.memory_space<vmem_shared>>
      tpu.wait_dma2 semaphore(%run_scoped3A : memref<!tpu.dma_semaphore, #tpu.memory_space<semaphore_mem>>) src(%arg9 : memref<128x128xf32, #tpu.memory_space<vmem>>) dst(%dma_wait3A_56 : memref<128x128xf32, #tpu.memory_space<vmem_shared>>)
      tpu.yield
    }) : () -> ()
    %add3A_16 = arith.constant 384 : i32
    %add3A_17 = arith.addi %mul3A_9, %add3A_16 : i32
    "tpu.region"() ({
      %run_scoped3A = tpu.sem_alloc : memref<!tpu.dma_semaphore, #tpu.memory_space<semaphore_mem>>
      %dma_start3A_50 = arith.constant 0 : i32
      %dma_start3A_51 = tpu.memref_slice %arg6[%add3A_17, %dma_start3A_50] : memref<10240x128xf32, #tpu.memory_space<vmem_shared>> -> memref<128x128xf32, #tpu.memory_space<vmem_shared>>
      %dma_start3A_52 = arith.constant 0 : i32
      %dma_start3A_53 = tpu.memref_slice %arg6[%add3A_17, %dma_start3A_52] : memref<10240x128xf32, #tpu.memory_space<vmem_shared>> -> memref<128x128xf32, #tpu.memory_space<vmem_shared>>
      tpu.enqueue_dma source(%arg9 : memref<128x128xf32, #tpu.memory_space<vmem>>) target(%dma_start3A_53 : memref<128x128xf32, #tpu.memory_space<vmem_shared>>) target_semaphore(%run_scoped3A : memref<!tpu.dma_semaphore, #tpu.memory_space<semaphore_mem>>)
      %dma_wait3A = arith.constant 0 : i32
      %dma_wait3A_54 = tpu.memref_slice %arg6[%add3A_17, %dma_wait3A] : memref<10240x128xf32, #tpu.memory_space<vmem_shared>> -> memref<128x128xf32, #tpu.memory_space<vmem_shared>>
      %dma_wait3A_55 = arith.constant 0 : i32
      %dma_wait3A_56 = tpu.memref_slice %arg6[%add3A_17, %dma_wait3A_55] : memref<10240x128xf32, #tpu.memory_space<vmem_shared>> -> memref<128x128xf32, #tpu.memory_space<vmem_shared>>
      tpu.wait_dma2 semaphore(%run_scoped3A : memref<!tpu.dma_semaphore, #tpu.memory_space<semaphore_mem>>) src(%arg9 : memref<128x128xf32, #tpu.memory_space<vmem>>) dst(%dma_wait3A_56 : memref<128x128xf32, #tpu.memory_space<vmem_shared>>)
      tpu.yield
    }) : () -> ()
    %add3A_18 = arith.constant 512 : i32
    %add3A_19 = arith.addi %mul3A_9, %add3A_18 : i32
    "tpu.region"() ({
      %run_scoped3A = tpu.sem_alloc : memref<!tpu.dma_semaphore, #tpu.memory_space<semaphore_mem>>
      %dma_start3A_50 = arith.constant 0 : i32
      %dma_start3A_51 = tpu.memref_slice %arg6[%add3A_19, %dma_start3A_50] : memref<10240x128xf32, #tpu.memory_space<vmem_shared>> -> memref<128x128xf32, #tpu.memory_space<vmem_shared>>
      %dma_start3A_52 = arith.constant 0 : i32
      %dma_start3A_53 = tpu.memref_slice %arg6[%add3A_19, %dma_start3A_52] : memref<10240x128xf32, #tpu.memory_space<vmem_shared>> -> memref<128x128xf32, #tpu.memory_space<vmem_shared>>
      tpu.enqueue_dma source(%arg9 : memref<128x128xf32, #tpu.memory_space<vmem>>) target(%dma_start3A_53 : memref<128x128xf32, #tpu.memory_space<vmem_shared>>) target_semaphore(%run_scoped3A : memref<!tpu.dma_semaphore, #tpu.memory_space<semaphore_mem>>)
      %dma_wait3A = arith.constant 0 : i32
      %dma_wait3A_54 = tpu.memref_slice %arg6[%add3A_19, %dma_wait3A] : memref<10240x128xf32, #tpu.memory_space<vmem_shared>> -> memref<128x128xf32, #tpu.memory_space<vmem_shared>>
      %dma_wait3A_55 = arith.constant 0 : i32
      %dma_wait3A_56 = tpu.memref_slice %arg6[%add3A_19, %dma_wait3A_55] : memref<10240x128xf32, #tpu.memory_space<vmem_shared>> -> memref<128x128xf32, #tpu.memory_space<vmem_shared>>
      tpu.wait_dma2 semaphore(%run_scoped3A : memref<!tpu.dma_semaphore, #tpu.memory_space<semaphore_mem>>) src(%arg9 : memref<128x128xf32, #tpu.memory_space<vmem>>) dst(%dma_wait3A_56 : memref<128x128xf32, #tpu.memory_space<vmem_shared>>)
      tpu.yield
    }) : () -> ()
    %barrier3A = arith.constant 0 : index
    tpu.barrier barrier_id(%barrier3A)
    "tpu.region"() ({
      %run_scoped3A = tpu.sem_alloc : memref<!tpu.dma_semaphore, #tpu.memory_space<semaphore_mem>>
      %dma_start3A_50 = arith.constant 0 : i32
      %dma_start3A_51 = arith.constant 0 : i32
      %dma_start3A_52 = tpu.memref_slice %arg3[%add3A, %dma_start3A_50, %dma_start3A_51] : memref<32x80x128xi32, #tpu.memory_space<hbm>> -> memref<1x40x128xi32, #tpu.memory_space<hbm>>
      %dma_start3A_53 = tpu.memref_squeeze %dma_start3A_52 : memref<1x40x128xi32, #tpu.memory_space<hbm>> -> memref<40x128xi32, #tpu.memory_space<hbm>>
      %dma_start3A_54 = arith.constant 0 : i32
      %dma_start3A_55 = arith.constant 0 : i32
      %dma_start3A_56 = tpu.memref_slice %arg3[%add3A, %dma_start3A_54, %dma_start3A_55] : memref<32x80x128xi32, #tpu.memory_space<hbm>> -> memref<1x40x128xi32, #tpu.memory_space<hbm>>
      %dma_start3A_57 = tpu.memref_squeeze %dma_start3A_56 : memref<1x40x128xi32, #tpu.memory_space<hbm>> -> memref<40x128xi32, #tpu.memory_space<hbm>>
      tpu.enqueue_dma source(%dma_start3A_57 : memref<40x128xi32, #tpu.memory_space<hbm>>) target(%arg7 : memref<40x128xi32, #tpu.memory_space<vmem>>) target_semaphore(%run_scoped3A : memref<!tpu.dma_semaphore, #tpu.memory_space<semaphore_mem>>)
      %dma_wait3A = arith.constant 0 : i32
      %dma_wait3A_58 = arith.constant 0 : i32
      %dma_wait3A_59 = tpu.memref_slice %arg3[%add3A, %dma_wait3A, %dma_wait3A_58] : memref<32x80x128xi32, #tpu.memory_space<hbm>> -> memref<1x40x128xi32, #tpu.memory_space<hbm>>
      %dma_wait3A_60 = tpu.memref_squeeze %dma_wait3A_59 : memref<1x40x128xi32, #tpu.memory_space<hbm>> -> memref<40x128xi32, #tpu.memory_space<hbm>>
      %dma_wait3A_61 = arith.constant 0 : i32
      %dma_wait3A_62 = arith.constant 0 : i32
      %dma_wait3A_63 = tpu.memref_slice %arg3[%add3A, %dma_wait3A_61, %dma_wait3A_62] : memref<32x80x128xi32, #tpu.memory_space<hbm>> -> memref<1x40x128xi32, #tpu.memory_space<hbm>>
      %dma_wait3A_64 = tpu.memref_squeeze %dma_wait3A_63 : memref<1x40x128xi32, #tpu.memory_space<hbm>> -> memref<40x128xi32, #tpu.memory_space<hbm>>
      tpu.wait_dma2 semaphore(%run_scoped3A : memref<!tpu.dma_semaphore, #tpu.memory_space<semaphore_mem>>) src(%dma_wait3A_64 : memref<40x128xi32, #tpu.memory_space<hbm>>) dst(%arg7 : memref<40x128xi32, #tpu.memory_space<vmem>>)
      tpu.yield
    }) : () -> ()
    "tpu.region"() ({
      %run_scoped3A = tpu.sem_alloc : memref<!tpu.dma_semaphore, #tpu.memory_space<semaphore_mem>>
      %dma_start3A_50 = arith.constant 0 : i32
      %dma_start3A_51 = arith.constant 0 : i32
      %dma_start3A_52 = tpu.memref_slice %arg4[%add3A, %dma_start3A_50, %dma_start3A_51] : memref<32x80x128xi32, #tpu.memory_space<hbm>> -> memref<1x40x128xi32, #tpu.memory_space<hbm>>
      %dma_start3A_53 = tpu.memref_squeeze %dma_start3A_52 : memref<1x40x128xi32, #tpu.memory_space<hbm>> -> memref<40x128xi32, #tpu.memory_space<hbm>>
      %dma_start3A_54 = arith.constant 0 : i32
      %dma_start3A_55 = arith.constant 0 : i32
      %dma_start3A_56 = tpu.memref_slice %arg4[%add3A, %dma_start3A_54, %dma_start3A_55] : memref<32x80x128xi32, #tpu.memory_space<hbm>> -> memref<1x40x128xi32, #tpu.memory_space<hbm>>
      %dma_start3A_57 = tpu.memref_squeeze %dma_start3A_56 : memref<1x40x128xi32, #tpu.memory_space<hbm>> -> memref<40x128xi32, #tpu.memory_space<hbm>>
      tpu.enqueue_dma source(%dma_start3A_57 : memref<40x128xi32, #tpu.memory_space<hbm>>) target(%arg8 : memref<40x128xi32, #tpu.memory_space<vmem>>) target_semaphore(%run_scoped3A : memref<!tpu.dma_semaphore, #tpu.memory_space<semaphore_mem>>)
      %dma_wait3A = arith.constant 0 : i32
      %dma_wait3A_58 = arith.constant 0 : i32
      %dma_wait3A_59 = tpu.memref_slice %arg4[%add3A, %dma_wait3A, %dma_wait3A_58] : memref<32x80x128xi32, #tpu.memory_space<hbm>> -> memref<1x40x128xi32, #tpu.memory_space<hbm>>
      %dma_wait3A_60 = tpu.memref_squeeze %dma_wait3A_59 : memref<1x40x128xi32, #tpu.memory_space<hbm>> -> memref<40x128xi32, #tpu.memory_space<hbm>>
      %dma_wait3A_61 = arith.constant 0 : i32
      %dma_wait3A_62 = arith.constant 0 : i32
      %dma_wait3A_63 = tpu.memref_slice %arg4[%add3A, %dma_wait3A_61, %dma_wait3A_62] : memref<32x80x128xi32, #tpu.memory_space<hbm>> -> memref<1x40x128xi32, #tpu.memory_space<hbm>>
      %dma_wait3A_64 = tpu.memref_squeeze %dma_wait3A_63 : memref<1x40x128xi32, #tpu.memory_space<hbm>> -> memref<40x128xi32, #tpu.memory_space<hbm>>
      tpu.wait_dma2 semaphore(%run_scoped3A : memref<!tpu.dma_semaphore, #tpu.memory_space<semaphore_mem>>) src(%dma_wait3A_64 : memref<40x128xi32, #tpu.memory_space<hbm>>) dst(%arg8 : memref<40x128xi32, #tpu.memory_space<vmem>>)
      tpu.yield
    }) : () -> ()
    %dma_start3A = arith.constant 0 : i32
    %dma_start3A_20 = arith.constant 0 : i32
    %dma_start3A_21 = tpu.memref_slice %arg7[%dma_start3A, %dma_start3A_20] : memref<40x128xi32, #tpu.memory_space<vmem>> -> memref<1x128xi32, #tpu.memory_space<vmem>>
    %dma_start3A_22 = tpu.memref_squeeze %dma_start3A_21 : memref<1x128xi32, #tpu.memory_space<vmem>> -> memref<128xi32, #tpu.memory_space<vmem>>
    %dma_start3A_23 = arith.constant 0 : i32
    %dma_start3A_24 = arith.constant 0 : i32
    %dma_start3A_25 = tpu.memref_slice %arg2[%dma_start3A_23, %dma_start3A_24] : memref<10000x128xf32, #tpu.memory_space<hbm>> -> memref<10000x128xf32, #tpu.memory_space<hbm>>
    tpu.enqueue_indirect_dma source(%dma_start3A_25 : memref<10000x128xf32, #tpu.memory_space<hbm>>) target(%arg9 : memref<128x128xf32, #tpu.memory_space<vmem>>) offsets(%dma_start3A_22 : memref<128xi32, #tpu.memory_space<vmem>>) semaphore(%arg11 : memref<!tpu.dma_semaphore, #tpu.memory_space<semaphore_mem>>)
    %scan3A_26 = arith.constant 0 : i32
    %scan3A_27 = arith.constant 0 : i32
    %scan3A_28 = arith.constant 20 : i32
    %scan3A_29 = arith.addi %scan3A_27, %scan3A_28 : i32
    %scan3A_30 = arith.constant 1 : i32
    %scan3A_31 = scf.for %scan3A_50 = %scan3A_27 to %scan3A_29 step %scan3A_30 iter_args(%scan3A_51 = %scan3A_26) -> (i32)  : i32 {
      %mul3A_52 = arith.constant 2 : i32
      %mul3A_53 = arith.muli %mul3A_52, %scan3A_50 : i32
      %add3A_54 = arith.constant 1 : i32
      %add3A_55 = arith.addi %mul3A_53, %add3A_54 : i32
      %dma_start3A_56 = arith.constant 0 : i32
      %dma_start3A_57 = tpu.memref_slice %arg7[%add3A_55, %dma_start3A_56] : memref<40x128xi32, #tpu.memory_space<vmem>> -> memref<1x128xi32, #tpu.memory_space<vmem>>
      %dma_start3A_58 = tpu.memref_squeeze %dma_start3A_57 : memref<1x128xi32, #tpu.memory_space<vmem>> -> memref<128xi32, #tpu.memory_space<vmem>>
      %dma_start3A_59 = arith.constant 0 : i32
      %dma_start3A_60 = arith.constant 0 : i32
      %dma_start3A_61 = tpu.memref_slice %arg2[%dma_start3A_59, %dma_start3A_60] : memref<10000x128xf32, #tpu.memory_space<hbm>> -> memref<10000x128xf32, #tpu.memory_space<hbm>>
      tpu.enqueue_indirect_dma source(%dma_start3A_61 : memref<10000x128xf32, #tpu.memory_space<hbm>>) target(%arg10 : memref<128x128xf32, #tpu.memory_space<vmem>>) offsets(%dma_start3A_58 : memref<128xi32, #tpu.memory_space<vmem>>) semaphore(%arg12 : memref<!tpu.dma_semaphore, #tpu.memory_space<semaphore_mem>>)
      %dma_wait3A = arith.constant 0 : i32
      %dma_wait3A_62 = arith.constant 0 : i32
      %dma_wait3A_63 = tpu.memref_slice %arg2[%dma_wait3A, %dma_wait3A_62] : memref<10000x128xf32, #tpu.memory_space<hbm>> -> memref<128x128xf32, #tpu.memory_space<hbm>>
      %dma_wait3A_64 = arith.constant 0 : i32
      %dma_wait3A_65 = arith.constant 0 : i32
      %dma_wait3A_66 = tpu.memref_slice %arg2[%dma_wait3A_64, %dma_wait3A_65] : memref<10000x128xf32, #tpu.memory_space<hbm>> -> memref<128x128xf32, #tpu.memory_space<hbm>>
      tpu.wait_dma2 semaphore(%arg11 : memref<!tpu.dma_semaphore, #tpu.memory_space<semaphore_mem>>) src(%dma_wait3A_66 : memref<128x128xf32, #tpu.memory_space<hbm>>) dst(%arg9 : memref<128x128xf32, #tpu.memory_space<vmem>>)
      "tpu.region"() ({
        %run_scoped3A = tpu.sem_alloc : memref<!tpu.dma_semaphore, #tpu.memory_space<semaphore_mem>>
        %dma_start3A_78 = arith.constant 0 : i32
        %dma_start3A_79 = tpu.memref_slice %arg8[%mul3A_53, %dma_start3A_78] : memref<40x128xi32, #tpu.memory_space<vmem>> -> memref<1x128xi32, #tpu.memory_space<vmem>>
        %dma_start3A_80 = tpu.memref_squeeze %dma_start3A_79 : memref<1x128xi32, #tpu.memory_space<vmem>> -> memref<128xi32, #tpu.memory_space<vmem>>
        %dma_start3A_81 = arith.constant 0 : i32
        %dma_start3A_82 = arith.constant 0 : i32
        %dma_start3A_83 = tpu.memref_slice %arg6[%dma_start3A_81, %dma_start3A_82] : memref<10240x128xf32, #tpu.memory_space<vmem_shared>> -> memref<10240x128xf32, #tpu.memory_space<vmem_shared>>
        tpu.enqueue_indirect_dma source(%arg9 : memref<128x128xf32, #tpu.memory_space<vmem>>) target(%dma_start3A_83 : memref<10240x128xf32, #tpu.memory_space<vmem_shared>>) offsets(%dma_start3A_80 : memref<128xi32, #tpu.memory_space<vmem>>) semaphore(%run_scoped3A : memref<!tpu.dma_semaphore, #tpu.memory_space<semaphore_mem>>) {add = true}
        %dma_wait3A_84 = arith.constant 0 : i32
        %dma_wait3A_85 = tpu.memref_slice %arg8[%mul3A_53, %dma_wait3A_84] : memref<40x128xi32, #tpu.memory_space<vmem>> -> memref<1x128xi32, #tpu.memory_space<vmem>>
        %dma_wait3A_86 = tpu.memref_squeeze %dma_wait3A_85 : memref<1x128xi32, #tpu.memory_space<vmem>> -> memref<128xi32, #tpu.memory_space<vmem>>
        %dma_wait3A_87 = arith.constant 0 : i32
        %dma_wait3A_88 = arith.constant 0 : i32
        %dma_wait3A_89 = tpu.memref_slice %arg6[%dma_wait3A_87, %dma_wait3A_88] : memref<10240x128xf32, #tpu.memory_space<vmem_shared>> -> memref<10240x128xf32, #tpu.memory_space<vmem_shared>>
        tpu.wait_indirect_dma semaphore(%run_scoped3A : memref<!tpu.dma_semaphore, #tpu.memory_space<semaphore_mem>>) src(%arg9 : memref<128x128xf32, #tpu.memory_space<vmem>>) dst(%dma_wait3A_89 : memref<10240x128xf32, #tpu.memory_space<vmem_shared>>)
        tpu.yield
      }) : () -> ()
      %lt3A = arith.constant 19 : i32
      %lt3A_67 = arith.cmpi slt, %scan3A_50, %lt3A : i32
      %convert_element_type3A = arith.extui %lt3A_67 : i1 to i32
      %cond3A = arith.constant 0 : i32
      %cond3A_68 = arith.cmpi ne, %convert_element_type3A, %cond3A : i32
      scf.if %cond3A_68 {
        %add3A_78 = arith.constant 2 : i32
        %add3A_79 = arith.addi %mul3A_53, %add3A_78 : i32
        %dma_start3A_80 = arith.constant 0 : i32
        %dma_start3A_81 = tpu.memref_slice %arg7[%add3A_79, %dma_start3A_80] : memref<40x128xi32, #tpu.memory_space<vmem>> -> memref<1x128xi32, #tpu.memory_space<vmem>>
        %dma_start3A_82 = tpu.memref_squeeze %dma_start3A_81 : memref<1x128xi32, #tpu.memory_space<vmem>> -> memref<128xi32, #tpu.memory_space<vmem>>
        %dma_start3A_83 = arith.constant 0 : i32
        %dma_start3A_84 = arith.constant 0 : i32
        %dma_start3A_85 = tpu.memref_slice %arg2[%dma_start3A_83, %dma_start3A_84] : memref<10000x128xf32, #tpu.memory_space<hbm>> -> memref<10000x128xf32, #tpu.memory_space<hbm>>
        tpu.enqueue_indirect_dma source(%dma_start3A_85 : memref<10000x128xf32, #tpu.memory_space<hbm>>) target(%arg9 : memref<128x128xf32, #tpu.memory_space<vmem>>) offsets(%dma_start3A_82 : memref<128xi32, #tpu.memory_space<vmem>>) semaphore(%arg11 : memref<!tpu.dma_semaphore, #tpu.memory_space<semaphore_mem>>)
      } else {
      }
      %dma_wait3A_69 = arith.constant 0 : i32
      %dma_wait3A_70 = arith.constant 0 : i32
      %dma_wait3A_71 = tpu.memref_slice %arg2[%dma_wait3A_69, %dma_wait3A_70] : memref<10000x128xf32, #tpu.memory_space<hbm>> -> memref<128x128xf32, #tpu.memory_space<hbm>>
      %dma_wait3A_72 = arith.constant 0 : i32
      %dma_wait3A_73 = arith.constant 0 : i32
      %dma_wait3A_74 = tpu.memref_slice %arg2[%dma_wait3A_72, %dma_wait3A_73] : memref<10000x128xf32, #tpu.memory_space<hbm>> -> memref<128x128xf32, #tpu.memory_space<hbm>>
      tpu.wait_dma2 semaphore(%arg12 : memref<!tpu.dma_semaphore, #tpu.memory_space<semaphore_mem>>) src(%dma_wait3A_74 : memref<128x128xf32, #tpu.memory_space<hbm>>) dst(%arg10 : memref<128x128xf32, #tpu.memory_space<vmem>>)
      %add3A_75 = arith.constant 1 : i32
      %add3A_76 = arith.addi %mul3A_53, %add3A_75 : i32
      "tpu.region"() ({
        %run_scoped3A = tpu.sem_alloc : memref<!tpu.dma_semaphore, #tpu.memory_space<semaphore_mem>>
        %dma_start3A_78 = arith.constant 0 : i32
        %dma_start3A_79 = tpu.memref_slice %arg8[%add3A_76, %dma_start3A_78] : memref<40x128xi32, #tpu.memory_space<vmem>> -> memref<1x128xi32, #tpu.memory_space<vmem>>
        %dma_start3A_80 = tpu.memref_squeeze %dma_start3A_79 : memref<1x128xi32, #tpu.memory_space<vmem>> -> memref<128xi32, #tpu.memory_space<vmem>>
        %dma_start3A_81 = arith.constant 0 : i32
        %dma_start3A_82 = arith.constant 0 : i32
        %dma_start3A_83 = tpu.memref_slice %arg6[%dma_start3A_81, %dma_start3A_82] : memref<10240x128xf32, #tpu.memory_space<vmem_shared>> -> memref<10240x128xf32, #tpu.memory_space<vmem_shared>>
        tpu.enqueue_indirect_dma source(%arg10 : memref<128x128xf32, #tpu.memory_space<vmem>>) target(%dma_start3A_83 : memref<10240x128xf32, #tpu.memory_space<vmem_shared>>) offsets(%dma_start3A_80 : memref<128xi32, #tpu.memory_space<vmem>>) semaphore(%run_scoped3A : memref<!tpu.dma_semaphore, #tpu.memory_space<semaphore_mem>>) {add = true}
        %dma_wait3A_84 = arith.constant 0 : i32
        %dma_wait3A_85 = tpu.memref_slice %arg8[%add3A_76, %dma_wait3A_84] : memref<40x128xi32, #tpu.memory_space<vmem>> -> memref<1x128xi32, #tpu.memory_space<vmem>>
        %dma_wait3A_86 = tpu.memref_squeeze %dma_wait3A_85 : memref<1x128xi32, #tpu.memory_space<vmem>> -> memref<128xi32, #tpu.memory_space<vmem>>
        %dma_wait3A_87 = arith.constant 0 : i32
        %dma_wait3A_88 = arith.constant 0 : i32
        %dma_wait3A_89 = tpu.memref_slice %arg6[%dma_wait3A_87, %dma_wait3A_88] : memref<10240x128xf32, #tpu.memory_space<vmem_shared>> -> memref<10240x128xf32, #tpu.memory_space<vmem_shared>>
        tpu.wait_indirect_dma semaphore(%run_scoped3A : memref<!tpu.dma_semaphore, #tpu.memory_space<semaphore_mem>>) src(%arg10 : memref<128x128xf32, #tpu.memory_space<vmem>>) dst(%dma_wait3A_89 : memref<10240x128xf32, #tpu.memory_space<vmem_shared>>)
        tpu.yield
      }) : () -> ()
      %scan3A_77 = arith.constant 0 : i32
      scf.yield %scan3A_77 : i32
    }
    %scan3A_32 = arith.constant 20 : i32
    "tpu.region"() ({
      %run_scoped3A = tpu.sem_alloc : memref<!tpu.dma_semaphore, #tpu.memory_space<semaphore_mem>>
      %dma_start3A_50 = arith.constant 40 : i32
      %dma_start3A_51 = arith.constant 0 : i32
      %dma_start3A_52 = tpu.memref_slice %arg3[%add3A, %dma_start3A_50, %dma_start3A_51] : memref<32x80x128xi32, #tpu.memory_space<hbm>> -> memref<1x40x128xi32, #tpu.memory_space<hbm>>
      %dma_start3A_53 = tpu.memref_squeeze %dma_start3A_52 : memref<1x40x128xi32, #tpu.memory_space<hbm>> -> memref<40x128xi32, #tpu.memory_space<hbm>>
      %dma_start3A_54 = arith.constant 40 : i32
      %dma_start3A_55 = arith.constant 0 : i32
      %dma_start3A_56 = tpu.memref_slice %arg3[%add3A, %dma_start3A_54, %dma_start3A_55] : memref<32x80x128xi32, #tpu.memory_space<hbm>> -> memref<1x40x128xi32, #tpu.memory_space<hbm>>
      %dma_start3A_57 = tpu.memref_squeeze %dma_start3A_56 : memref<1x40x128xi32, #tpu.memory_space<hbm>> -> memref<40x128xi32, #tpu.memory_space<hbm>>
      tpu.enqueue_dma source(%dma_start3A_57 : memref<40x128xi32, #tpu.memory_space<hbm>>) target(%arg7 : memref<40x128xi32, #tpu.memory_space<vmem>>) target_semaphore(%run_scoped3A : memref<!tpu.dma_semaphore, #tpu.memory_space<semaphore_mem>>)
      %dma_wait3A = arith.constant 40 : i32
      %dma_wait3A_58 = arith.constant 0 : i32
      %dma_wait3A_59 = tpu.memref_slice %arg3[%add3A, %dma_wait3A, %dma_wait3A_58] : memref<32x80x128xi32, #tpu.memory_space<hbm>> -> memref<1x40x128xi32, #tpu.memory_space<hbm>>
      %dma_wait3A_60 = tpu.memref_squeeze %dma_wait3A_59 : memref<1x40x128xi32, #tpu.memory_space<hbm>> -> memref<40x128xi32, #tpu.memory_space<hbm>>
      %dma_wait3A_61 = arith.constant 40 : i32
      %dma_wait3A_62 = arith.constant 0 : i32
      %dma_wait3A_63 = tpu.memref_slice %arg3[%add3A, %dma_wait3A_61, %dma_wait3A_62] : memref<32x80x128xi32, #tpu.memory_space<hbm>> -> memref<1x40x128xi32, #tpu.memory_space<hbm>>
      %dma_wait3A_64 = tpu.memref_squeeze %dma_wait3A_63 : memref<1x40x128xi32, #tpu.memory_space<hbm>> -> memref<40x128xi32, #tpu.memory_space<hbm>>
      tpu.wait_dma2 semaphore(%run_scoped3A : memref<!tpu.dma_semaphore, #tpu.memory_space<semaphore_mem>>) src(%dma_wait3A_64 : memref<40x128xi32, #tpu.memory_space<hbm>>) dst(%arg7 : memref<40x128xi32, #tpu.memory_space<vmem>>)
      tpu.yield
    }) : () -> ()
    "tpu.region"() ({
      %run_scoped3A = tpu.sem_alloc : memref<!tpu.dma_semaphore, #tpu.memory_space<semaphore_mem>>
      %dma_start3A_50 = arith.constant 40 : i32
      %dma_start3A_51 = arith.constant 0 : i32
      %dma_start3A_52 = tpu.memref_slice %arg4[%add3A, %dma_start3A_50, %dma_start3A_51] : memref<32x80x128xi32, #tpu.memory_space<hbm>> -> memref<1x40x128xi32, #tpu.memory_space<hbm>>
      %dma_start3A_53 = tpu.memref_squeeze %dma_start3A_52 : memref<1x40x128xi32, #tpu.memory_space<hbm>> -> memref<40x128xi32, #tpu.memory_space<hbm>>
      %dma_start3A_54 = arith.constant 40 : i32
      %dma_start3A_55 = arith.constant 0 : i32
      %dma_start3A_56 = tpu.memref_slice %arg4[%add3A, %dma_start3A_54, %dma_start3A_55] : memref<32x80x128xi32, #tpu.memory_space<hbm>> -> memref<1x40x128xi32, #tpu.memory_space<hbm>>
      %dma_start3A_57 = tpu.memref_squeeze %dma_start3A_56 : memref<1x40x128xi32, #tpu.memory_space<hbm>> -> memref<40x128xi32, #tpu.memory_space<hbm>>
      tpu.enqueue_dma source(%dma_start3A_57 : memref<40x128xi32, #tpu.memory_space<hbm>>) target(%arg8 : memref<40x128xi32, #tpu.memory_space<vmem>>) target_semaphore(%run_scoped3A : memref<!tpu.dma_semaphore, #tpu.memory_space<semaphore_mem>>)
      %dma_wait3A = arith.constant 40 : i32
      %dma_wait3A_58 = arith.constant 0 : i32
      %dma_wait3A_59 = tpu.memref_slice %arg4[%add3A, %dma_wait3A, %dma_wait3A_58] : memref<32x80x128xi32, #tpu.memory_space<hbm>> -> memref<1x40x128xi32, #tpu.memory_space<hbm>>
      %dma_wait3A_60 = tpu.memref_squeeze %dma_wait3A_59 : memref<1x40x128xi32, #tpu.memory_space<hbm>> -> memref<40x128xi32, #tpu.memory_space<hbm>>
      %dma_wait3A_61 = arith.constant 40 : i32
      %dma_wait3A_62 = arith.constant 0 : i32
      %dma_wait3A_63 = tpu.memref_slice %arg4[%add3A, %dma_wait3A_61, %dma_wait3A_62] : memref<32x80x128xi32, #tpu.memory_space<hbm>> -> memref<1x40x128xi32, #tpu.memory_space<hbm>>
      %dma_wait3A_64 = tpu.memref_squeeze %dma_wait3A_63 : memref<1x40x128xi32, #tpu.memory_space<hbm>> -> memref<40x128xi32, #tpu.memory_space<hbm>>
      tpu.wait_dma2 semaphore(%run_scoped3A : memref<!tpu.dma_semaphore, #tpu.memory_space<semaphore_mem>>) src(%dma_wait3A_64 : memref<40x128xi32, #tpu.memory_space<hbm>>) dst(%arg8 : memref<40x128xi32, #tpu.memory_space<vmem>>)
      tpu.yield
    }) : () -> ()
    %dma_start3A_33 = arith.constant 0 : i32
    %dma_start3A_34 = arith.constant 0 : i32
    %dma_start3A_35 = tpu.memref_slice %arg7[%dma_start3A_33, %dma_start3A_34] : memref<40x128xi32, #tpu.memory_space<vmem>> -> memref<1x128xi32, #tpu.memory_space<vmem>>
    %dma_start3A_36 = tpu.memref_squeeze %dma_start3A_35 : memref<1x128xi32, #tpu.memory_space<vmem>> -> memref<128xi32, #tpu.memory_space<vmem>>
    %dma_start3A_37 = arith.constant 0 : i32
    %dma_start3A_38 = arith.constant 0 : i32
    %dma_start3A_39 = tpu.memref_slice %arg2[%dma_start3A_37, %dma_start3A_38] : memref<10000x128xf32, #tpu.memory_space<hbm>> -> memref<10000x128xf32, #tpu.memory_space<hbm>>
    tpu.enqueue_indirect_dma source(%dma_start3A_39 : memref<10000x128xf32, #tpu.memory_space<hbm>>) target(%arg9 : memref<128x128xf32, #tpu.memory_space<vmem>>) offsets(%dma_start3A_36 : memref<128xi32, #tpu.memory_space<vmem>>) semaphore(%arg11 : memref<!tpu.dma_semaphore, #tpu.memory_space<semaphore_mem>>)
    %scan3A_40 = arith.constant 0 : i32
    %scan3A_41 = arith.constant 0 : i32
    %scan3A_42 = arith.constant 20 : i32
    %scan3A_43 = arith.addi %scan3A_41, %scan3A_42 : i32
    %scan3A_44 = arith.constant 1 : i32
    %scan3A_45 = scf.for %scan3A_50 = %scan3A_41 to %scan3A_43 step %scan3A_44 iter_args(%scan3A_51 = %scan3A_40) -> (i32)  : i32 {
      %mul3A_52 = arith.constant 2 : i32
      %mul3A_53 = arith.muli %mul3A_52, %scan3A_50 : i32
      %add3A_54 = arith.constant 1 : i32
      %add3A_55 = arith.addi %mul3A_53, %add3A_54 : i32
      %dma_start3A_56 = arith.constant 0 : i32
      %dma_start3A_57 = tpu.memref_slice %arg7[%add3A_55, %dma_start3A_56] : memref<40x128xi32, #tpu.memory_space<vmem>> -> memref<1x128xi32, #tpu.memory_space<vmem>>
      %dma_start3A_58 = tpu.memref_squeeze %dma_start3A_57 : memref<1x128xi32, #tpu.memory_space<vmem>> -> memref<128xi32, #tpu.memory_space<vmem>>
      %dma_start3A_59 = arith.constant 0 : i32
      %dma_start3A_60 = arith.constant 0 : i32
      %dma_start3A_61 = tpu.memref_slice %arg2[%dma_start3A_59, %dma_start3A_60] : memref<10000x128xf32, #tpu.memory_space<hbm>> -> memref<10000x128xf32, #tpu.memory_space<hbm>>
      tpu.enqueue_indirect_dma source(%dma_start3A_61 : memref<10000x128xf32, #tpu.memory_space<hbm>>) target(%arg10 : memref<128x128xf32, #tpu.memory_space<vmem>>) offsets(%dma_start3A_58 : memref<128xi32, #tpu.memory_space<vmem>>) semaphore(%arg12 : memref<!tpu.dma_semaphore, #tpu.memory_space<semaphore_mem>>)
      %dma_wait3A = arith.constant 0 : i32
      %dma_wait3A_62 = arith.constant 0 : i32
      %dma_wait3A_63 = tpu.memref_slice %arg2[%dma_wait3A, %dma_wait3A_62] : memref<10000x128xf32, #tpu.memory_space<hbm>> -> memref<128x128xf32, #tpu.memory_space<hbm>>
      %dma_wait3A_64 = arith.constant 0 : i32
      %dma_wait3A_65 = arith.constant 0 : i32
      %dma_wait3A_66 = tpu.memref_slice %arg2[%dma_wait3A_64, %dma_wait3A_65] : memref<10000x128xf32, #tpu.memory_space<hbm>> -> memref<128x128xf32, #tpu.memory_space<hbm>>
      tpu.wait_dma2 semaphore(%arg11 : memref<!tpu.dma_semaphore, #tpu.memory_space<semaphore_mem>>) src(%dma_wait3A_66 : memref<128x128xf32, #tpu.memory_space<hbm>>) dst(%arg9 : memref<128x128xf32, #tpu.memory_space<vmem>>)
      "tpu.region"() ({
        %run_scoped3A = tpu.sem_alloc : memref<!tpu.dma_semaphore, #tpu.memory_space<semaphore_mem>>
        %dma_start3A_78 = arith.constant 0 : i32
        %dma_start3A_79 = tpu.memref_slice %arg8[%mul3A_53, %dma_start3A_78] : memref<40x128xi32, #tpu.memory_space<vmem>> -> memref<1x128xi32, #tpu.memory_space<vmem>>
        %dma_start3A_80 = tpu.memref_squeeze %dma_start3A_79 : memref<1x128xi32, #tpu.memory_space<vmem>> -> memref<128xi32, #tpu.memory_space<vmem>>
        %dma_start3A_81 = arith.constant 0 : i32
        %dma_start3A_82 = arith.constant 0 : i32
        %dma_start3A_83 = tpu.memref_slice %arg6[%dma_start3A_81, %dma_start3A_82] : memref<10240x128xf32, #tpu.memory_space<vmem_shared>> -> memref<10240x128xf32, #tpu.memory_space<vmem_shared>>
        tpu.enqueue_indirect_dma source(%arg9 : memref<128x128xf32, #tpu.memory_space<vmem>>) target(%dma_start3A_83 : memref<10240x128xf32, #tpu.memory_space<vmem_shared>>) offsets(%dma_start3A_80 : memref<128xi32, #tpu.memory_space<vmem>>) semaphore(%run_scoped3A : memref<!tpu.dma_semaphore, #tpu.memory_space<semaphore_mem>>) {add = true}
        %dma_wait3A_84 = arith.constant 0 : i32
        %dma_wait3A_85 = tpu.memref_slice %arg8[%mul3A_53, %dma_wait3A_84] : memref<40x128xi32, #tpu.memory_space<vmem>> -> memref<1x128xi32, #tpu.memory_space<vmem>>
        %dma_wait3A_86 = tpu.memref_squeeze %dma_wait3A_85 : memref<1x128xi32, #tpu.memory_space<vmem>> -> memref<128xi32, #tpu.memory_space<vmem>>
        %dma_wait3A_87 = arith.constant 0 : i32
        %dma_wait3A_88 = arith.constant 0 : i32
        %dma_wait3A_89 = tpu.memref_slice %arg6[%dma_wait3A_87, %dma_wait3A_88] : memref<10240x128xf32, #tpu.memory_space<vmem_shared>> -> memref<10240x128xf32, #tpu.memory_space<vmem_shared>>
        tpu.wait_indirect_dma semaphore(%run_scoped3A : memref<!tpu.dma_semaphore, #tpu.memory_space<semaphore_mem>>) src(%arg9 : memref<128x128xf32, #tpu.memory_space<vmem>>) dst(%dma_wait3A_89 : memref<10240x128xf32, #tpu.memory_space<vmem_shared>>)
        tpu.yield
      }) : () -> ()
      %lt3A = arith.constant 19 : i32
      %lt3A_67 = arith.cmpi slt, %scan3A_50, %lt3A : i32
      %convert_element_type3A = arith.extui %lt3A_67 : i1 to i32
      %cond3A = arith.constant 0 : i32
      %cond3A_68 = arith.cmpi ne, %convert_element_type3A, %cond3A : i32
      scf.if %cond3A_68 {
        %add3A_78 = arith.constant 2 : i32
        %add3A_79 = arith.addi %mul3A_53, %add3A_78 : i32
        %dma_start3A_80 = arith.constant 0 : i32
        %dma_start3A_81 = tpu.memref_slice %arg7[%add3A_79, %dma_start3A_80] : memref<40x128xi32, #tpu.memory_space<vmem>> -> memref<1x128xi32, #tpu.memory_space<vmem>>
        %dma_start3A_82 = tpu.memref_squeeze %dma_start3A_81 : memref<1x128xi32, #tpu.memory_space<vmem>> -> memref<128xi32, #tpu.memory_space<vmem>>
        %dma_start3A_83 = arith.constant 0 : i32
        %dma_start3A_84 = arith.constant 0 : i32
        %dma_start3A_85 = tpu.memref_slice %arg2[%dma_start3A_83, %dma_start3A_84] : memref<10000x128xf32, #tpu.memory_space<hbm>> -> memref<10000x128xf32, #tpu.memory_space<hbm>>
        tpu.enqueue_indirect_dma source(%dma_start3A_85 : memref<10000x128xf32, #tpu.memory_space<hbm>>) target(%arg9 : memref<128x128xf32, #tpu.memory_space<vmem>>) offsets(%dma_start3A_82 : memref<128xi32, #tpu.memory_space<vmem>>) semaphore(%arg11 : memref<!tpu.dma_semaphore, #tpu.memory_space<semaphore_mem>>)
      } else {
      }
      %dma_wait3A_69 = arith.constant 0 : i32
      %dma_wait3A_70 = arith.constant 0 : i32
      %dma_wait3A_71 = tpu.memref_slice %arg2[%dma_wait3A_69, %dma_wait3A_70] : memref<10000x128xf32, #tpu.memory_space<hbm>> -> memref<128x128xf32, #tpu.memory_space<hbm>>
      %dma_wait3A_72 = arith.constant 0 : i32
      %dma_wait3A_73 = arith.constant 0 : i32
      %dma_wait3A_74 = tpu.memref_slice %arg2[%dma_wait3A_72, %dma_wait3A_73] : memref<10000x128xf32, #tpu.memory_space<hbm>> -> memref<128x128xf32, #tpu.memory_space<hbm>>
      tpu.wait_dma2 semaphore(%arg12 : memref<!tpu.dma_semaphore, #tpu.memory_space<semaphore_mem>>) src(%dma_wait3A_74 : memref<128x128xf32, #tpu.memory_space<hbm>>) dst(%arg10 : memref<128x128xf32, #tpu.memory_space<vmem>>)
      %add3A_75 = arith.constant 1 : i32
      %add3A_76 = arith.addi %mul3A_53, %add3A_75 : i32
      "tpu.region"() ({
        %run_scoped3A = tpu.sem_alloc : memref<!tpu.dma_semaphore, #tpu.memory_space<semaphore_mem>>
        %dma_start3A_78 = arith.constant 0 : i32
        %dma_start3A_79 = tpu.memref_slice %arg8[%add3A_76, %dma_start3A_78] : memref<40x128xi32, #tpu.memory_space<vmem>> -> memref<1x128xi32, #tpu.memory_space<vmem>>
        %dma_start3A_80 = tpu.memref_squeeze %dma_start3A_79 : memref<1x128xi32, #tpu.memory_space<vmem>> -> memref<128xi32, #tpu.memory_space<vmem>>
        %dma_start3A_81 = arith.constant 0 : i32
        %dma_start3A_82 = arith.constant 0 : i32
        %dma_start3A_83 = tpu.memref_slice %arg6[%dma_start3A_81, %dma_start3A_82] : memref<10240x128xf32, #tpu.memory_space<vmem_shared>> -> memref<10240x128xf32, #tpu.memory_space<vmem_shared>>
        tpu.enqueue_indirect_dma source(%arg10 : memref<128x128xf32, #tpu.memory_space<vmem>>) target(%dma_start3A_83 : memref<10240x128xf32, #tpu.memory_space<vmem_shared>>) offsets(%dma_start3A_80 : memref<128xi32, #tpu.memory_space<vmem>>) semaphore(%run_scoped3A : memref<!tpu.dma_semaphore, #tpu.memory_space<semaphore_mem>>) {add = true}
        %dma_wait3A_84 = arith.constant 0 : i32
        %dma_wait3A_85 = tpu.memref_slice %arg8[%add3A_76, %dma_wait3A_84] : memref<40x128xi32, #tpu.memory_space<vmem>> -> memref<1x128xi32, #tpu.memory_space<vmem>>
        %dma_wait3A_86 = tpu.memref_squeeze %dma_wait3A_85 : memref<1x128xi32, #tpu.memory_space<vmem>> -> memref<128xi32, #tpu.memory_space<vmem>>
        %dma_wait3A_87 = arith.constant 0 : i32
        %dma_wait3A_88 = arith.constant 0 : i32
        %dma_wait3A_89 = tpu.memref_slice %arg6[%dma_wait3A_87, %dma_wait3A_88] : memref<10240x128xf32, #tpu.memory_space<vmem_shared>> -> memref<10240x128xf32, #tpu.memory_space<vmem_shared>>
        tpu.wait_indirect_dma semaphore(%run_scoped3A : memref<!tpu.dma_semaphore, #tpu.memory_space<semaphore_mem>>) src(%arg10 : memref<128x128xf32, #tpu.memory_space<vmem>>) dst(%dma_wait3A_89 : memref<10240x128xf32, #tpu.memory_space<vmem_shared>>)
        tpu.yield
      }) : () -> ()
      %scan3A_77 = arith.constant 0 : i32
      scf.yield %scan3A_77 : i32
    }
    %scan3A_46 = arith.constant 20 : i32
    %barrier3A_47 = arith.constant 0 : index
    tpu.barrier barrier_id(%barrier3A_47)
    %mul3A_48 = arith.constant 640 : i32
    %mul3A_49 = arith.muli %arg1, %mul3A_48 : i32
    "tpu.region"() ({
      %run_scoped3A = tpu.sem_alloc : memref<!tpu.dma_semaphore, #tpu.memory_space<semaphore_mem>>
      %dma_start3A_50 = arith.constant 0 : i32
      %dma_start3A_51 = tpu.memref_slice %arg5[%arg0, %mul3A_49, %dma_start3A_50] : memref<2x10240x128xf32, #tpu.memory_space<hbm>> -> memref<1x640x128xf32, #tpu.memory_space<hbm>>
      %dma_start3A_52 = tpu.memref_squeeze %dma_start3A_51 : memref<1x640x128xf32, #tpu.memory_space<hbm>> -> memref<640x128xf32, #tpu.memory_space<hbm>>
      %dma_start3A_53 = arith.constant 0 : i32
      %dma_start3A_54 = tpu.memref_slice %arg6[%mul3A_49, %dma_start3A_53] : memref<10240x128xf32, #tpu.memory_space<vmem_shared>> -> memref<640x128xf32, #tpu.memory_space<vmem_shared>>
      tpu.enqueue_dma source(%dma_start3A_54 : memref<640x128xf32, #tpu.memory_space<vmem_shared>>) target(%dma_start3A_52 : memref<640x128xf32, #tpu.memory_space<hbm>>) target_semaphore(%run_scoped3A : memref<!tpu.dma_semaphore, #tpu.memory_space<semaphore_mem>>)
      %dma_wait3A = arith.constant 0 : i32
      %dma_wait3A_55 = tpu.memref_slice %arg5[%arg0, %mul3A_49, %dma_wait3A] : memref<2x10240x128xf32, #tpu.memory_space<hbm>> -> memref<1x640x128xf32, #tpu.memory_space<hbm>>
      %dma_wait3A_56 = tpu.memref_squeeze %dma_wait3A_55 : memref<1x640x128xf32, #tpu.memory_space<hbm>> -> memref<640x128xf32, #tpu.memory_space<hbm>>
      %dma_wait3A_57 = arith.constant 0 : i32
      %dma_wait3A_58 = tpu.memref_slice %arg6[%mul3A_49, %dma_wait3A_57] : memref<10240x128xf32, #tpu.memory_space<vmem_shared>> -> memref<640x128xf32, #tpu.memory_space<vmem_shared>>
      tpu.wait_dma2 semaphore(%run_scoped3A : memref<!tpu.dma_semaphore, #tpu.memory_space<semaphore_mem>>) src(%dma_wait3A_58 : memref<640x128xf32, #tpu.memory_space<vmem_shared>>) dst(%dma_wait3A_56 : memref<640x128xf32, #tpu.memory_space<hbm>>)
      tpu.yield
    }) : () -> ()
    return
  }
}

module attributes {stable_mosaic.version = 14 : i64} {
  func.func @_mm_body(%arg0: i32, %arg1: memref<1000x128xf32, #tpu.memory_space<vmem>>, %arg2: memref<128x128xf32, #tpu.memory_space<vmem>>, %arg3: memref<1000x128xf32, #tpu.memory_space<vmem>>) attributes {dimension_semantics = [#tpu.dimension_semantics<arbitrary>], iteration_bounds = array<i64: 10>, scalar_prefetch = 0 : i64, scratch_operands = 0 : i64, tpu.core_type = #tpu.core_type<tc>, window_params = [{transform_indices = @transform_0, window_bounds = array<i64: 1000, 128>}, {pipeline_mode = #tpu.pipeline_mode<synchronous>, transform_indices = @transform_1, window_bounds = array<i64: 128, 128>}, {transform_indices = @transform_2, window_bounds = array<i64: 1000, 128>}]} {
    %get3A = arith.constant 0 : index
    %get3A_0 = arith.constant 0 : index
    %get3A_1 = vector.load %arg1[%get3A, %get3A_0] : memref<1000x128xf32, #tpu.memory_space<vmem>>, vector<1000x128xf32>
    %get3A_2 = arith.constant 0 : index
    %get3A_3 = arith.constant 0 : index
    %get3A_4 = vector.load %arg2[%get3A_2, %get3A_3] : memref<128x128xf32, #tpu.memory_space<vmem>>, vector<128x128xf32>
    %dot_general3A = arith.constant dense<0.000000e+00> : vector<1000x128xf32>
    %dot_general3A_5 = tpu.matmul %get3A_1, %get3A_4, %dot_general3A {dimension_numbers = #tpu.dot_dimension_numbers<[1], [0], [0], [1], [0, 0, 1, 1], [], []>, transpose_lhs_hint = false} : vector<1000x128xf32>, vector<128x128xf32>, vector<1000x128xf32> -> vector<1000x128xf32>
    %swap3A = arith.constant 0 : index
    %swap3A_6 = arith.constant 0 : index
    %swap3A_7 = vector.load %arg3[%swap3A, %swap3A_6] : memref<1000x128xf32, #tpu.memory_space<vmem>>, vector<1000x128xf32>
    tpu.vector_store %arg3[%swap3A, %swap3A_6], %dot_general3A_5 {strides = array<i32>} : memref<1000x128xf32, #tpu.memory_space<vmem>>, vector<1000x128xf32>,
    return
  }
  func.func @transform_0(%arg0: i32) -> (i32, i32) {
    %c0_i32 = arith.constant 0 : i32
    %c0_i32_0 = arith.constant 0 : i32
    return %arg0, %c0_i32 : i32, i32
  }
  func.func @transform_1(%arg0: i32) -> (i32, i32) {
    %c0_i32 = arith.constant 0 : i32
    %c0_i32_0 = arith.constant 0 : i32
    %c0_i32_1 = arith.constant 0 : i32
    return %c0_i32, %c0_i32_0 : i32, i32
  }
  func.func @transform_2(%arg0: i32) -> (i32, i32) {
    %c0_i32 = arith.constant 0 : i32
    %c0_i32_0 = arith.constant 0 : i32
    return %arg0, %c0_i32 : i32, i32
  }
}

module attributes {stable_mosaic.version = 14 : i64} {
  func.func @_combine_mm_body(%arg0: i32, %arg1: memref<2x1000x128xf32, #tpu.memory_space<vmem>>, %arg2: memref<1x128xf32, #tpu.memory_space<vmem>>, %arg3: memref<128x128xf32, #tpu.memory_space<vmem>>, %arg4: memref<1000x128xf32, #tpu.memory_space<vmem>>) attributes {dimension_semantics = [#tpu.dimension_semantics<arbitrary>], iteration_bounds = array<i64: 10>, scalar_prefetch = 0 : i64, scratch_operands = 0 : i64, tpu.core_type = #tpu.core_type<tc>, window_params = [{transform_indices = @transform_0, window_bounds = array<i64: 2, 1000, 128>}, {pipeline_mode = #tpu.pipeline_mode<synchronous>, transform_indices = @transform_1, window_bounds = array<i64: 1, 128>}, {pipeline_mode = #tpu.pipeline_mode<synchronous>, transform_indices = @transform_2, window_bounds = array<i64: 128, 128>}, {transform_indices = @transform_3, window_bounds = array<i64: 1000, 128>}]} {
    %get3A = arith.constant 0 : index
    %get3A_0 = arith.constant 0 : index
    %get3A_1 = arith.constant 0 : index
    %get3A_2 = vector.load %arg1[%get3A, %get3A_0, %get3A_1] : memref<2x1000x128xf32, #tpu.memory_space<vmem>>, vector<1x1000x128xf32>
    %get3A_3 = vector.shape_cast %get3A_2 : vector<1x1000x128xf32> to vector<1000x128xf32>
    %get3A_4 = arith.constant 1 : index
    %get3A_5 = arith.constant 0 : index
    %get3A_6 = arith.constant 0 : index
    %get3A_7 = vector.load %arg1[%get3A_4, %get3A_5, %get3A_6] : memref<2x1000x128xf32, #tpu.memory_space<vmem>>, vector<1x1000x128xf32>
    %get3A_8 = vector.shape_cast %get3A_7 : vector<1x1000x128xf32> to vector<1000x128xf32>
    %add3A = arith.addf %get3A_3, %get3A_8 : vector<1000x128xf32>
    %get3A_9 = arith.constant 0 : index
    %get3A_10 = arith.constant 0 : index
    %get3A_11 = vector.load %arg2[%get3A_9, %get3A_10] : memref<1x128xf32, #tpu.memory_space<vmem>>, vector<1x128xf32>
    %add3A_12 = vector.broadcast %get3A_11 : vector<1x128xf32> to vector<1000x128xf32>
    %add3A_13 = arith.addf %add3A, %add3A_12 : vector<1000x128xf32>
    %max3A = arith.constant 0.000000e+00 : f32
    %max3A_14 = vector.broadcast %max3A : f32 to vector<1000x128xf32>
    %max3A_15 = arith.maximumf %add3A_13, %max3A_14 : vector<1000x128xf32>
    %get3A_16 = arith.constant 0 : index
    %get3A_17 = arith.constant 0 : index
    %get3A_18 = vector.load %arg3[%get3A_16, %get3A_17] : memref<128x128xf32, #tpu.memory_space<vmem>>, vector<128x128xf32>
    %dot_general3A = arith.constant dense<0.000000e+00> : vector<1000x128xf32>
    %dot_general3A_19 = tpu.matmul %max3A_15, %get3A_18, %dot_general3A {dimension_numbers = #tpu.dot_dimension_numbers<[1], [0], [0], [1], [0, 0, 1, 1], [], []>, transpose_lhs_hint = false} : vector<1000x128xf32>, vector<128x128xf32>, vector<1000x128xf32> -> vector<1000x128xf32>
    %swap3A = arith.constant 0 : index
    %swap3A_20 = arith.constant 0 : index
    %swap3A_21 = vector.load %arg4[%swap3A, %swap3A_20] : memref<1000x128xf32, #tpu.memory_space<vmem>>, vector<1000x128xf32>
    tpu.vector_store %arg4[%swap3A, %swap3A_20], %dot_general3A_19 {strides = array<i32>} : memref<1000x128xf32, #tpu.memory_space<vmem>>, vector<1000x128xf32>,
    return
  }
  func.func @transform_0(%arg0: i32) -> (i32, i32, i32) {
    %c0_i32 = arith.constant 0 : i32
    %c0_i32_0 = arith.constant 0 : i32
    %c0_i32_1 = arith.constant 0 : i32
    return %c0_i32, %arg0, %c0_i32_0 : i32, i32, i32
  }
  func.func @transform_1(%arg0: i32) -> (i32, i32) {
    %c0_i32 = arith.constant 0 : i32
    %c0_i32_0 = arith.constant 0 : i32
    %c0_i32_1 = arith.constant 0 : i32
    return %c0_i32, %c0_i32_0 : i32, i32
  }
  func.func @transform_2(%arg0: i32) -> (i32, i32) {
    %c0_i32 = arith.constant 0 : i32
    %c0_i32_0 = arith.constant 0 : i32
    %c0_i32_1 = arith.constant 0 : i32
    return %c0_i32, %c0_i32_0 : i32, i32
  }
  func.func @transform_3(%arg0: i32) -> (i32, i32) {
    %c0_i32 = arith.constant 0 : i32
    %c0_i32_0 = arith.constant 0 : i32
    return %arg0, %c0_i32 : i32, i32
  }
}

module attributes {stable_mosaic.version = 14 : i64} {
  func.func @_final_body(%arg0: i32, %arg1: memref<2x1000x128xf32, #tpu.memory_space<vmem>>, %arg2: memref<1x128xf32, #tpu.memory_space<vmem>>, %arg3: memref<1000x128xf32, #tpu.memory_space<vmem>>) attributes {dimension_semantics = [#tpu.dimension_semantics<arbitrary>], iteration_bounds = array<i64: 10>, scalar_prefetch = 0 : i64, scratch_operands = 0 : i64, tpu.core_type = #tpu.core_type<tc>, window_params = [{transform_indices = @transform_0, window_bounds = array<i64: 2, 1000, 128>}, {pipeline_mode = #tpu.pipeline_mode<synchronous>, transform_indices = @transform_1, window_bounds = array<i64: 1, 128>}, {transform_indices = @transform_2, window_bounds = array<i64: 1000, 128>}]} {
    %get3A = arith.constant 0 : index
    %get3A_0 = arith.constant 0 : index
    %get3A_1 = arith.constant 0 : index
    %get3A_2 = vector.load %arg1[%get3A, %get3A_0, %get3A_1] : memref<2x1000x128xf32, #tpu.memory_space<vmem>>, vector<1x1000x128xf32>
    %get3A_3 = vector.shape_cast %get3A_2 : vector<1x1000x128xf32> to vector<1000x128xf32>
    %get3A_4 = arith.constant 1 : index
    %get3A_5 = arith.constant 0 : index
    %get3A_6 = arith.constant 0 : index
    %get3A_7 = vector.load %arg1[%get3A_4, %get3A_5, %get3A_6] : memref<2x1000x128xf32, #tpu.memory_space<vmem>>, vector<1x1000x128xf32>
    %get3A_8 = vector.shape_cast %get3A_7 : vector<1x1000x128xf32> to vector<1000x128xf32>
    %add3A = arith.addf %get3A_3, %get3A_8 : vector<1000x128xf32>
    %get3A_9 = arith.constant 0 : index
    %get3A_10 = arith.constant 0 : index
    %get3A_11 = vector.load %arg2[%get3A_9, %get3A_10] : memref<1x128xf32, #tpu.memory_space<vmem>>, vector<1x128xf32>
    %add3A_12 = vector.broadcast %get3A_11 : vector<1x128xf32> to vector<1000x128xf32>
    %add3A_13 = arith.addf %add3A, %add3A_12 : vector<1000x128xf32>
    %reduce_max3A = arith.constant dense<0xFF800000> : vector<1000xf32>
    %reduce_max3A_14 = vector.multi_reduction <maximumf>, %add3A_13, %reduce_max3A [1] : vector<1000x128xf32> to vector<1000xf32>
    %broadcast_in_dim3A = vector.shape_cast %reduce_max3A_14 : vector<1000xf32> to vector<1000x1xf32>
    %sub3A = vector.broadcast %broadcast_in_dim3A : vector<1000x1xf32> to vector<1000x128xf32>
    %sub3A_15 = arith.subf %add3A_13, %sub3A : vector<1000x128xf32>
    %exp3A = math.exp %sub3A_15 : vector<1000x128xf32>
    %reduce_sum3A = arith.constant dense<0.000000e+00> : vector<1000xf32>
    %reduce_sum3A_16 = vector.multi_reduction <add>, %exp3A, %reduce_sum3A [1] : vector<1000x128xf32> to vector<1000xf32>
    %broadcast_in_dim3A_17 = vector.shape_cast %reduce_sum3A_16 : vector<1000xf32> to vector<1000x1xf32>
    %log3A = math.log %broadcast_in_dim3A_17 : vector<1000x1xf32>
    %sub3A_18 = vector.broadcast %log3A : vector<1000x1xf32> to vector<1000x128xf32>
    %sub3A_19 = arith.subf %sub3A_15, %sub3A_18 : vector<1000x128xf32>
    %swap3A = arith.constant 0 : index
    %swap3A_20 = arith.constant 0 : index
    %swap3A_21 = vector.load %arg3[%swap3A, %swap3A_20] : memref<1000x128xf32, #tpu.memory_space<vmem>>, vector<1000x128xf32>
    tpu.vector_store %arg3[%swap3A, %swap3A_20], %sub3A_19 {strides = array<i32>} : memref<1000x128xf32, #tpu.memory_space<vmem>>, vector<1000x128xf32>,
    return
  }
  func.func @transform_0(%arg0: i32) -> (i32, i32, i32) {
    %c0_i32 = arith.constant 0 : i32
    %c0_i32_0 = arith.constant 0 : i32
    %c0_i32_1 = arith.constant 0 : i32
    return %c0_i32, %arg0, %c0_i32_0 : i32, i32, i32
  }
  func.func @transform_1(%arg0: i32) -> (i32, i32) {
    %c0_i32 = arith.constant 0 : i32
    %c0_i32_0 = arith.constant 0 : i32
    %c0_i32_1 = arith.constant 0 : i32
    return %c0_i32, %c0_i32_0 : i32, i32
  }
  func.func @transform_2(%arg0: i32) -> (i32, i32) {
    %c0_i32 = arith.constant 0 : i32
    %c0_i32_0 = arith.constant 0 : i32
    return %arg0, %c0_i32 : i32, i32
  }
}

</mosaic_0001>

<sc_bundles>
// kernel: kernel.12.cloned.1.call-start
scs
__scs_entry_jumppad:
0x0: {  	(pc) =	sbr.rel $0x88, $3  }
0x1: {  	(tag) =	ssettag $0x0;
	lr =	simm.s32 $0x1  }
0x2: {  	[smem:$0x3F99] =	sst lr;
	_ =	strace $0xD0000000  }
0x3: {  	_ = 	snop  }
0x4: {  	_ = 	snop  }
0x5: {  	_ = 	snop  }
0x6: {  	_ = 	snop  }
0x7: {  	_ = 	snop  }
__scs_overlays_trampoline_lowered:
0x8: {  	[smem:$0x3FA8] =	sst s0  }
0x9: {  	[smem:$0x3FA9] =	sst s1  }
0xa: {  	[smem:$0x3FAA] =	sst s2  }
0xb: {  	[smem:$0x3FAB] =	sst s3  }
0xc: {  	[smem:$0x3FAC] =	sst s4  }
0xd: {  	[smem:$0x3FAD] =	sst s5  }
0xe: {  	[smem:$0x3FAE] =	sst s6  }
0xf: {  	[smem:$0x3FAF] =	sst s7  }
0x10: {  	[smem:$0x3FB0] =	sst s8  }
0x11: {  	[smem:$0x3FB1] =	sst s9;
	s0 =	simm.s32 @!p0 $0x0  }
0x12: {  	s1 =	sld [smem:$0x3F97];
	s0 =	simm.s32 @p0 $0x1  }
0x13: {  	[smem:$0x3FB2] =	sst s0;
	s0 =	simm.s32 @!p1 $0x0  }
0x14: {  	s2 =	sld [smem:$0x3F96];
	s0 =	simm.s32 @p1 $0x1  }
0x15: {  	[smem:$0x3FB3] =	sst s0;
	s0 =	simm.s32 @!p2 $0x0  }
0x16: {  	s3 =	sld [smem:$0x3FDB];
	s0 =	simm.s32 @p2 $0x1  }
0x17: {  	s4 =	simm.s32 $0x1BF5;
	[smem:$0x3FB5] =	sst s0  }
0x18: {  	s0 =	sld [smem:$0x3F98];
	_ =	swait.ge [sflag:s4], $0x0  }
0x19: {  	s7 =	sld [smem:$0x3F99]  }
0x1a: {  	s8 =	sadd.s32 $0xFFFFE003, lr  }
0x1b: {  	s9 =	sadd.s32 $0xFFFFFEF7, lr;
	s5 =	simm.s32 $0xFFFFFFFF;
	p2 =	slt.u32 s8, $0xFFFFF086  }
0x1c: {  	p1 =	slt.u32 s9, $0xF7A;
	s5 =	simm.s32 @!p2 $0x0  }
0x1d: {  	s5 =	simm.s32 @p1 $0x1;
	p0 =	seq.s32 s7, s2  }
0x1e: {  	s7 =	smul.u32 @!p0 $0xF7A, s2;
	p2 =	seq.s32 @!p0 s5, $0x0  }
0x1f: {  	s9 =	smul.u32 $0xF7A, s1;
	s8 =	simm.s32 @!p0 $0x1BF5;
	p2 =	por !p2, p0  }
0x20: {  	[sflag:s8] =	ssyncset.s32 @!p0 $0xFFFFF086;
	s6 =	sadd.s32 @!p0 s3, s7;
	s7 =	simm.s32 @!p0 $0x108  }
0x21: {  	s3 =	sadd.s32 s3, s9;
	s6 =	sadd.s32 @!p0 $0x88, s6;
	s7 =	simm.s32 @p2 $0x1082  }
0x22: {  	[simem:s7], [sflag:s8] =	dma.local @!p0 [hbm:s6], $0xF7A  }
0x23: {  	s9 =	sor.u32 $0xD0000000, s2;
	s6 =	simm.s32 $0x108;
	_ =	swait.ge @!p0 [sflag:s8], $0x0  }
0x24: {  	s3 =	sadd.s32 $0x88, s3;
	s6 =	simm.s32 @!p1 $0x1082;
	[sflag:s4] =	ssyncset.s32 $0xFFFFF086  }
0x25: {  	[simem:s6], [sflag:s4] =	dma.local [hbm:s3], $0xF7A  }
0x26: {  	[smem:$0x3F99] =	sst s1;
	(tag) =	ssettag s2;
	_ =	strace s9  }
0x27: {  	s1 =	sld [smem:$0x3FA9]  }
0x28: {  	s2 =	sld [smem:$0x3FAA]  }
0x29: {  	s4 =	sld [smem:$0x3FAC]  }
0x2a: {  	p0 =	seq.s32 s5, $0x0;
	s5 =	sld [smem:$0x3FAD]  }
0x2b: {  	s6 =	sld [smem:$0x3FAE]  }
0x2c: {  	s7 =	sld [smem:$0x3FAF]  }
0x2d: {  	s3 =	simm.s32 $0x108;
	s8 =	sld [smem:$0x3FB0]  }
0x2e: {  	s3 =	simm.s32 @!p0 $0x1082;
	s9 =	sld [smem:$0x3FB1]  }
0x2f: {  	lr =	sadd.s32 s0, s3;
	s0 =	sld [smem:$0x3FA8]  }
0x30: {  	s3 =	sld [smem:$0x3FAB]  }
0x31: {  	[smem:$0x3FB4] =	sst s10  }
0x32: {  	s10 =	sld [smem:$0x3FB2];
	_ =	sdelay $0x3  }
0x33: {  	p0 =	seq.s32 s10, $0x1;
	s10 =	sld [smem:$0x3FB4];
	_ =	sdelay $0x3  }
0x34: {  	[smem:$0x3FB4] =	sst s10  }
0x35: {  	s10 =	sld [smem:$0x3FB3];
	_ =	sdelay $0x3  }
0x36: {  	p1 =	seq.s32 s10, $0x1;
	s10 =	sld [smem:$0x3FB4];
	_ =	sdelay $0x3  }
0x37: {  	[smem:$0x3FB4] =	sst s10  }
0x38: {  	s10 =	sld [smem:$0x3FB5]  }
0x39: {  	_ = 	snop;
	(pc) =	sbr.ind lr, $3  }
0x3a: {  	_ = 	snop  }
0x3b: {  	_ = 	snop  }
0x3c: {  	p2 =	seq.s32 s10, $0x1;
	s10 =	sld [smem:$0x3FB4]  }
0x3d: {  	_ =	shalt  }
0x3e: {  	_ =	shalt  }
0x3f: {  	_ =	shalt  }
0x40: {  	_ =	shalt  }
0x41: {  	_ =	shalt  }
0x42: {  	_ =	shalt  }
0x43: {  	_ =	shalt  }
0x44: {  	_ =	shalt  }
0x45: {  	_ =	shalt  }
0x46: {  	_ =	shalt  }
0x47: {  	_ =	shalt  }
0x48: {  	_ =	shalt  }
0x49: {  	_ =	shalt  }
0x4a: {  	_ =	shalt  }
0x4b: {  	_ =	shalt  }
0x4c: {  	_ =	shalt  }
0x4d: {  	_ =	shalt  }
0x4e: {  	_ =	shalt  }
0x4f: {  	_ =	shalt  }
0x50: {  	_ =	shalt  }
0x51: {  	_ =	shalt  }
0x52: {  	_ =	shalt  }
0x53: {  	_ =	shalt  }
0x54: {  	_ =	shalt  }
0x55: {  	_ =	shalt  }
0x56: {  	_ =	shalt  }
0x57: {  	_ =	shalt  }
0x58: {  	_ =	shalt  }
0x59: {  	_ =	shalt  }
0x5a: {  	_ =	shalt  }
0x5b: {  	_ =	shalt  }
0x5c: {  	_ =	shalt  }
0x5d: {  	_ =	shalt  }
0x5e: {  	_ =	shalt  }
0x5f: {  	_ =	shalt  }
0x60: {  	_ =	shalt  }
0x61: {  	_ =	shalt  }
0x62: {  	_ =	shalt  }
0x63: {  	_ =	shalt  }
0x64: {  	_ =	shalt  }
0x65: {  	_ =	shalt  }
0x66: {  	_ =	shalt  }
0x67: {  	_ =	shalt  }
0x68: {  	_ =	shalt  }
0x69: {  	_ =	shalt  }
0x6a: {  	_ =	shalt  }
0x6b: {  	_ =	shalt  }
0x6c: {  	_ =	shalt  }
0x6d: {  	_ =	shalt  }
0x6e: {  	_ =	shalt  }
0x6f: {  	_ =	shalt  }
0x70: {  	_ =	shalt  }
0x71: {  	_ =	shalt  }
0x72: {  	_ =	shalt  }
0x73: {  	_ =	shalt  }
0x74: {  	_ =	shalt  }
0x75: {  	_ =	shalt  }
0x76: {  	_ =	shalt  }
0x77: {  	_ =	shalt  }
0x78: {  	_ =	shalt  }
0x79: {  	_ =	shalt  }
0x7a: {  	_ =	shalt  }
0x7b: {  	_ =	shalt  }
0x7c: {  	_ =	shalt  }
0x7d: {  	_ =	shalt  }
0x7e: {  	_ =	shalt  }
0x7f: {  	_ =	shalt  }
0x80: {  	_ =	shalt  }
0x81: {  	_ =	shalt  }
0x82: {  	_ =	shalt  }
0x83: {  	_ =	shalt  }
0x84: {  	_ =	shalt  }
0x85: {  	_ =	shalt  }
0x86: {  	_ =	shalt  }
0x87: {  	_ =	shalt  }
.Lfunc_end0:
.L_simem_size_0:
called_computation.1_lowered:
.L_overlay_start_0:
0x88: {  	s2 =	sld [smem:$0x3FD9]  }
0x89: {  	s3 =	sld [smem:$0x3FFE];
	_ =	sdelay $0x1  }
0x8a: {  	s1 =	srdreg.scid  }
0x8b: {  	s0 =	sand.u32 $0x1, s1  }
0x8c: {  	s17 =	sshll.u32 s0, $0xA;
	s2 =	sadd.s32 s3, s2  }
0x8d: {  	s2 =	sadd.s32 s2, s17  }
0x8e: {  	[smem:$0x3FC0] =	sst s2  }
0x8f: {  	_ = 	snop  }
0x90: {  	s2 =	sld [smem:$0x3FD0];
	(tm) =	ssettm $0x1  }
0x91: {  	s18 =	sld [smem:$0x3FFB];
	_ =	sdelay $0x3  }
0x92: {  	_ =	strace s18  }
0x93: {  	s3 =	sld [smem:$0x3FFC];
	_ =	sdelay $0x3  }
0x94: {  	_ =	strace s3  }
0x95: {  	s3 =	sld [smem:$0x3FFD];
	_ =	sdelay $0x3  }
0x96: {  	_ =	strace s3  }
0x97: {  	_ =	strace $0x8FFFFFFF  }
0x98: {  	s19 =	sld [smem:$0x3FDB];
	_ =	sdelay $0x1  }
0x99: {  	s4 =	simm.s32 $_scs_section_size  }
0x9a: {  	s5 =	simm.s32 $_size__tile_overlayer_lowered;
	s6 =	simm.s32 $_tile_overlayer_lowered  }
0x9b: {  	s22 =	simm.s32 $0x1BFF;
	s21 =	sshll.u32 s6, $0x1;
	s3 =	sadd.s32 s4, s19  }
0x9c: {  	s7 =	simm.s32 $0x0;
	s20 =	sshll.u32 s5, $0x1;
	s5 =	sadd.s32 s21, s3  }
0x9d: {  	[timem:s7], [sflag:s22] =	dma.local [hbm:s5], s20  }
0x9e: {  	_ =	swait.ge [sflag:s22], s20  }
0x9f: {  	s4 =	ssub.s32 $0x0, s20;
	[sflag:s22] =	ssyncset.done $0x0  }
0xa0: {  	[sflag:s22] =	ssyncadd.s32 s4;
	_ =	sdelay $0x1  }
0xa1: {  	s23 =	simm.s32 $0x1B8B  }
0xa2: {  	_ =	swait.ge [sflag:s23], $0x1  }
0xa3: {  	[sflag:s23] =	ssyncset.done $0x0  }
0xa4: {  	s25 =	simm.s32 $0x1B8E;
	s24 =	sld [smem:$0x3FFE];
	[sflag:s23] =	ssyncadd.s32 $0xFFFFFFFF  }
0xa5: {  	s26 =	simm.s32 $execute0_lowered;
	[smem:$0x3FD2] =	sst s25  }
0xa6: {  	s5 =	sshll.u32 s26, $0x1;
	_ =	strace $0x80000049;
	[dreg:$0x1] =	wrdreg $0xFFFFFFFF  }
0xa7: {  	s28 =	simm.s32 $_size_execute0_lowered;
	s3 =	sadd.s32 s3, s5;
	[dreg:$0x0] =	wrdreg $0x0  }
0xa8: {  	s5 =	sshll.u32 s28, $0x1;
	[dreg:$0x2] =	wrdreg s3  }
0xa9: {  	[dreg:$0x3] =	wrdreg s5  }
0xaa: {  	[dreg:$0x4] =	wrdreg $0xC0  }
0xab: {  	_ =	task [dreg:s7], $0x5FFFF  }
0xac: {  	[dreg:$0x1] =	wrdreg $0xFFFFFFFF  }
0xad: {  	[dreg:$0x0] =	wrdreg $0x60  }
0xae: {  	[dreg:$0x2] =	wrdreg s2  }
0xaf: {  	[dreg:$0x3] =	wrdreg s24  }
0xb0: {  	[dreg:$0x4] =	wrdreg $0x0  }
0xb1: {  	[dreg:$0x5] =	wrdreg $0x9  }
0xb2: {  	_ =	task.clear_ibuf [dreg:s7], $0x6FFFF;
	_ =	strace $0x90000049  }
0xb3: {  	s29 =	simm.s32 $0x9;
	_ =	strace $0x8000004B  }
0xb4: {  	_ =	swait.ge [sflag:s29], $0x1  }
0xb5: {  	[sflag:s29] =	ssyncadd.s32 $0xFFFFFFFF  }
0xb6: {  	_ =	strace $0x9000004B  }
0xb7: {  	_ =	sfence  }
0xb8: {  	s30 =	sld [smem:$0x0];
	_ =	sdelay $0x2  }
0xb9: {  	s31 =	sshll.u32 s1, $0xD;
	s1 =	sshrl.u32 s1, $0x2  }
0xba: {  	s3 =	sand.u32 $0x4000, s31;
	s1 =	sadd.s32 s1, s30  }
0xbb: {  	s0 =	sor.u32 s3, s0;
	s1 =	sshll.u32 s1, $0x11  }
0xbc: {  	s0 =	sor.u32 s1, s0  }
0xbd: {  	s0 =	sadd.s32 $0x8F2B, s0  }
0xbe: {  	[sflag:s0] =	ssyncadd.remote.s32 $0x1  }
0xbf: {  	_ =	sfence.sel $0xFFFF  }
0xc0: {  	[dreg:$0x0] =	wrdreg $0xFFFFFFFF;
	(pc) =	sbr.abs _section_cstart, $3  }
0xc1: {  	[dreg:$0x1] =	wrdreg $0xFFFFFFFF  }
0xc2: {  	_ =	task.clear_ibuf [dreg:s7], $0x2FFFF;
	_ =	strace $0x9FFFFFFF  }
0xc3: {  	(tm) =	ssettm $0x7FFFFFFF  }
tec
execute0_lowered:
.L_overlay_start_1:
0x0: {  	(tag) =	ssettag $0x1  }
0x1: {  	s0 =	rddreg [dreg:$0x0]  }
0x2: {  	s5 =	rddreg [dreg:$0x1];
	s1 =	srdreg.scid  }
0x3: {  	s3 =	rddreg [dreg:$0x2];
	s2 =	stileid.u32;
	s4 =	simm.s32 $0x0  }
0x4: {  	s17 =	simm.s32 $0x3;
	s18 =	simm.s32 $0x14000;
	s19 =	simm.s32 $0x15400  }
0x5: {  	s20 =	simm.s32 $0x80;
	s21 =	simm.s32 $0x1A800;
	s22 =	simm.s32 $0x1  }
0x6: {  	s23 =	simm.s32 $0x2;
	s24 =	simm.s32 $0x15380;
	s25 =	simm.s32 $0x16700  }
0x7: {  	s6 =	sand.u32 $0x1, s1;
	s8 =	smul.u32 $0x14000, s2;
	[smem:$0x7FF] =	sst s4  }
0x8: {  	s12 =	sadd.s32 $0xC400, s5;
	s26 =	smul.u32 $0x50000, s2;
	s13 =	sadd.s32 $0x2400, s5  }
0x9: {  	s28 =	sshll.u32 s2, $0x1;
	s7 =	smul.u32 $0x140000, s6;
	_ =	strace $0x8000004A  }
0xa: {  	s29 =	ssub.s32 $0x2, s6;
	s6 =	sor.u32 s6, s28;
	s30 =	sshrl.u32 s26, $0x2  }
0xb: {  	s31 =	sshrl.u32 s29, $0x1;
	s10 =	smul.u32 $0x2800, s6;
	s7 =	sadd.s32 s8, s7  }
0xc: {  	s26 =	simm.s32 $0x16780;
	s15 =	ssub.s32 s29, s31;
	s7 =	sshrl.u32 s7, $0x3  }
0xd: {  	s16 =	sshrl.u32 s10, $0x3;
	s15 =	smax.u32 s15, $0x1;
	s14 =	sadd.s32 s7, s5  }
0xe: {  	s5 =	sadd.s32 s30, s3;
	s10 =	sadd.s32 s12, s16;
	s11 =	sadd.s32 s13, s16  }
0xf: {  	s16 =	sadd.s32 $0x280, s16;
	s6 =	sadd.s32 $0x4000, s5;
	s7 =	sadd.s32 $0x8000, s5  }
0x10: {  	s8 =	sadd.s32 $0xC000, s5;
	s9 =	sadd.s32 $0x10000, s5;
	s12 =	sadd.s32 s12, s16  }
0x11: {  	v0 =	vimm.f32 $0.0e+00;
	s13 =	sadd.s32 s13, s16;
	s14 =	sadd.s32 $0x16400, s14;
	s16 =	simm.s32 $0x16800  }
.LBB2_1:
0x12: {  	s28 =	simm.s32 $0x0;
	s29 =	simm.s32 $0x200  }
.LBB2_2:
0x13: {  	p0 =	sne.s32 s29, $0xFE00;
	[tilespmem:s28+$0x16870] =	vst v0  }
0x14: {  	[tilespmem:s28+$0x16800] =	vst v0  }
0x15: {  	[tilespmem:s28+$0x16810] =	vst v0  }
.Ltmp0:
0x16: {  	[tilespmem:s28+$0x16820] =	vst v0;
	(pc) =	sbr.rel @p0 .LBB2_2-.Ltmp0, $4  }
0x17: {  	[tilespmem:s28+$0x16830] =	vst v0  }
0x18: {  	[tilespmem:s28+$0x16840] =	vst v0  }
0x19: {  	[tilespmem:s28+$0x16850] =	vst v0  }
0x1a: {  	[tilespmem:s28+$0x16860] =	vst v0;
	s28 =	sshra.s32 s29, $0x2;
	s29 =	sadd.s32 $0x200, s29  }
0x1b: {  	[tilespmem:s28+$0x16870] =	vst v0  }
0x1c: {  	[tilespmem:s28+$0x16800] =	vst v0  }
0x1d: {  	[tilespmem:s28+$0x16810] =	vst v0  }
0x1e: {  	[tilespmem:s28+$0x16820] =	vst v0  }
0x1f: {  	[tilespmem:s28+$0x16830] =	vst v0  }
0x20: {  	[tilespmem:s28+$0x16840] =	vst v0  }
0x21: {  	[tilespmem:s28+$0x16850] =	vst v0  }
0x22: {  	[tilespmem:s28+$0x16860] =	vst v0  }
0x23: {  	[spmem:s5] =	stream.linear.scatter [tilespmem:s16], [sflag:$0x3], $0x4000, $0x38;
	[tilespmem:$0x1E800] =	vst v63  }
0x24: {  	_ =	swait.ge [sflag:s17], $0x4000  }
0x25: {  	[sflag:s17] =	ssyncset.done $0x0  }
0x26: {  	[sflag:s17] =	ssyncadd.s32 $0xFFFFC000  }
0x27: {  	[spmem:s6] =	stream.linear.scatter [tilespmem:s16], [sflag:$0x3], $0x4000, $0x38;
	[tilespmem:$0x1E800] =	vst v63  }
0x28: {  	_ =	swait.ge [sflag:s17], $0x4000  }
0x29: {  	[sflag:s17] =	ssyncset.done $0x0  }
0x2a: {  	[sflag:s17] =	ssyncadd.s32 $0xFFFFC000  }
0x2b: {  	[spmem:s7] =	stream.linear.scatter [tilespmem:s16], [sflag:$0x3], $0x4000, $0x38;
	[tilespmem:$0x1E800] =	vst v63  }
0x2c: {  	_ =	swait.ge [sflag:s17], $0x4000  }
0x2d: {  	[sflag:s17] =	ssyncset.done $0x0  }
0x2e: {  	[sflag:s17] =	ssyncadd.s32 $0xFFFFC000  }
0x2f: {  	[spmem:s8] =	stream.linear.scatter [tilespmem:s16], [sflag:$0x3], $0x4000, $0x38;
	[tilespmem:$0x1E800] =	vst v63  }
0x30: {  	_ =	swait.ge [sflag:s17], $0x4000  }
0x31: {  	[sflag:s17] =	ssyncset.done $0x0  }
0x32: {  	[sflag:s17] =	ssyncadd.s32 $0xFFFFC000  }
0x33: {  	[spmem:s9] =	stream.linear.scatter [tilespmem:s16], [sflag:$0x3], $0x4000, $0x38;
	[tilespmem:$0x1E800] =	vst v63  }
0x34: {  	_ =	swait.ge [sflag:s17], $0x4000  }
0x35: {  	[sflag:s17] =	ssyncset.done $0x0  }
0x36: {  	[sflag:s17] =	ssyncadd.s32 $0xFFFFC000  }
0x37: {  	s28 =	simm.s32 $0x0;
	[bflag:$0x0] =	sbarrier.arrive $0xFFFF  }
0x38: {  	[tilespmem:s18], [sflag:$0x3] =	stream.linear.gather [hbm4b:s10+s28], $0x1400, $0x38;
	[tilespmem:$0x1E800] =	vst v63  }
0x39: {  	_ =	swait.ge [sflag:s17], $0x1400  }
0x3a: {  	[sflag:s17] =	ssyncset.done $0x0  }
0x3b: {  	[sflag:s17] =	ssyncadd.s32 $0xFFFFEC00  }
0x3c: {  	[tilespmem:s19], [sflag:$0x3] =	stream.linear.gather [hbm4b:s11+s28], $0x1400, $0x38;
	[tilespmem:$0x1E800] =	vst v63  }
0x3d: {  	_ =	swait.ge [sflag:s17], $0x1400  }
0x3e: {  	[sflag:s17] =	ssyncset.done $0x0  }
0x3f: {  	[sflag:s17] =	ssyncadd.s32 $0xFFFFEC00  }
0x40: {  	[tilespmem:s16], [sflag:$0x1] =	stream.indirect.gather [hbm4b:s0+s20], $0x80, s18, s20, $0xb8;
	[tilespmem:$0x1E800] =	vst v63  }
0x41: {  	s28 =	simm.s32 $0x14080  }
0x42: {  	[tilespmem:s21], [sflag:$0x2] =	stream.indirect.gather [hbm4b:s0+s20], $0x80, s28, s20, $0xb8;
	[tilespmem:$0x1E800] =	vst v63  }
0x43: {  	_ =	swait.ge [sflag:s22], $0x4000  }
0x44: {  	[sflag:s22] =	ssyncset.done $0x0  }
0x45: {  	s28 =	simm.s32 $0x15400;
	[sflag:s22] =	ssyncadd.s32 $0xFFFFC000  }
0x46: {  	[spmem:s3] =	stream.indirect.scatter.add.f32 [tilespmem:s16], [sflag:$0x3], $0x80, s28, s20, $0xb8;
	[tilespmem:$0x1E800] =	vst v63  }
0x47: {  	_ =	swait.ge [sflag:s17], $0x4000  }
0x48: {  	[sflag:s17] =	ssyncset.done $0x0  }
0x49: {  	s28 =	simm.s32 $0x14100;
	[sflag:s17] =	ssyncadd.s32 $0xFFFFC000  }
0x4a: {  	[tilespmem:s16], [sflag:$0x1] =	stream.indirect.gather [hbm4b:s0+s20], $0x80, s28, s20, $0xb8;
	[tilespmem:$0x1E800] =	vst v63  }
0x4b: {  	_ =	swait.ge [sflag:s23], $0x4000  }
0x4c: {  	[sflag:s23] =	ssyncset.done $0x0  }
0x4d: {  	s28 =	simm.s32 $0x15480;
	[sflag:s23] =	ssyncadd.s32 $0xFFFFC000  }
0x4e: {  	[spmem:s3] =	stream.indirect.scatter.add.f32 [tilespmem:s21], [sflag:$0x3], $0x80, s28, s20, $0xb8;
	[tilespmem:$0x1E800] =	vst v63  }
0x4f: {  	_ =	swait.ge [sflag:s17], $0x4000  }
0x50: {  	s29 =	simm.s32 $0x800;
	s28 =	simm.s32 $0x100;
	[sflag:s17] =	ssyncset.done $0x0  }
.LBB2_4:
0x51: {  	s30 =	sadd.s32 $0x14080, s28  }
0x52: {  	[sflag:s17] =	ssyncadd.s32 $0xFFFFC000;
	s31 =	smov.u32 s29;
	s1 =	sadd.s32 $0x400, s29  }
0x53: {  	[tilespmem:s21], [sflag:$0x2] =	stream.indirect.gather [hbm4b:s0+s20], $0x80, s30, s20, $0xb8;
	[tilespmem:$0x1E800] =	vst v63  }
0x54: {  	p0 =	sne.s32 s29, $0x4800;
	_ =	swait.ge [sflag:s22], $0x4000  }
0x55: {  	[sflag:s22] =	ssyncset.done $0x0  }
0x56: {  	s29 =	sadd.s32 $0x15400, s28;
	[sflag:s22] =	ssyncadd.s32 $0xFFFFC000  }
0x57: {  	[spmem:s3] =	stream.indirect.scatter.add.f32 [tilespmem:s16], [sflag:$0x3], $0x80, s29, s20, $0xb8;
	[tilespmem:$0x1E800] =	vst v63  }
0x58: {  	_ =	swait.ge [sflag:s17], $0x4000  }
0x59: {  	[sflag:s17] =	ssyncset.done $0x0  }
0x5a: {  	s29 =	sadd.s32 $0x14100, s28;
	[sflag:s17] =	ssyncadd.s32 $0xFFFFC000  }
0x5b: {  	[tilespmem:s16], [sflag:$0x1] =	stream.indirect.gather [hbm4b:s0+s20], $0x80, s29, s20, $0xb8;
	[tilespmem:$0x1E800] =	vst v63  }
0x5c: {  	_ =	swait.ge [sflag:s23], $0x4000  }
.Ltmp1:
0x5d: {  	[sflag:s23] =	ssyncset.done $0x0;
	(pc) =	sbr.rel @p0 .LBB2_4-.Ltmp1, $4  }
0x5e: {  	s28 =	sadd.s32 $0x15480, s28;
	[sflag:s23] =	ssyncadd.s32 $0xFFFFC000  }
0x5f: {  	[spmem:s3] =	stream.indirect.scatter.add.f32 [tilespmem:s21], [sflag:$0x3], $0x80, s28, s20, $0xb8;
	[tilespmem:$0x1E800] =	vst v63  }
0x60: {  	_ =	swait.ge [sflag:s17], $0x4000  }
0x61: {  	s29 =	smov.u32 s1;
	s28 =	sshra.s32 s31, $0x2;
	[sflag:s17] =	ssyncset.done $0x0  }
0x62: {  	s1 =	sadd.s32 $0x14080, s28;
	[sflag:s17] =	ssyncadd.s32 $0xFFFFC000  }
0x63: {  	[tilespmem:s21], [sflag:$0x2] =	stream.indirect.gather [hbm4b:s0+s20], $0x80, s1, s20, $0xb8;
	[tilespmem:$0x1E800] =	vst v63  }
0x64: {  	_ =	swait.ge [sflag:s22], $0x4000  }
0x65: {  	[sflag:s22] =	ssyncset.done $0x0  }
0x66: {  	s30 =	sadd.s32 $0x15400, s28;
	[sflag:s22] =	ssyncadd.s32 $0xFFFFC000  }
0x67: {  	[spmem:s3] =	stream.indirect.scatter.add.f32 [tilespmem:s16], [sflag:$0x3], $0x80, s30, s20, $0xb8;
	[tilespmem:$0x1E800] =	vst v63  }
0x68: {  	_ =	swait.ge [sflag:s17], $0x4000  }
0x69: {  	[sflag:s17] =	ssyncset.done $0x0  }
0x6a: {  	s31 =	sadd.s32 $0x14100, s28;
	[sflag:s17] =	ssyncadd.s32 $0xFFFFC000  }
0x6b: {  	[tilespmem:s16], [sflag:$0x1] =	stream.indirect.gather [hbm4b:s0+s20], $0x80, s31, s20, $0xb8;
	[tilespmem:$0x1E800] =	vst v63  }
0x6c: {  	_ =	swait.ge [sflag:s23], $0x4000  }
0x6d: {  	[sflag:s23] =	ssyncset.done $0x0  }
0x6e: {  	s30 =	sadd.s32 $0x15480, s28;
	[sflag:s23] =	ssyncadd.s32 $0xFFFFC000  }
0x6f: {  	[spmem:s3] =	stream.indirect.scatter.add.f32 [tilespmem:s21], [sflag:$0x3], $0x80, s30, s20, $0xb8;
	[tilespmem:$0x1E800] =	vst v63  }
0x70: {  	_ =	swait.ge [sflag:s17], $0x4000  }
0x71: {  	[sflag:s17] =	ssyncset.done $0x0  }
0x72: {  	[sflag:s17] =	ssyncadd.s32 $0xFFFFC000  }
0x73: {  	[tilespmem:s21], [sflag:$0x2] =	stream.indirect.gather [hbm4b:s0+s20], $0x80, s24, s20, $0xb8;
	[tilespmem:$0x1E800] =	vst v63  }
0x74: {  	_ =	swait.ge [sflag:s22], $0x4000  }
0x75: {  	[sflag:s22] =	ssyncset.done $0x0  }
0x76: {  	[sflag:s22] =	ssyncadd.s32 $0xFFFFC000  }
0x77: {  	[spmem:s3] =	stream.indirect.scatter.add.f32 [tilespmem:s16], [sflag:$0x3], $0x80, s25, s20, $0xb8;
	[tilespmem:$0x1E800] =	vst v63  }
0x78: {  	_ =	swait.ge [sflag:s17], $0x4000  }
0x79: {  	[sflag:s17] =	ssyncset.done $0x0  }
0x7a: {  	[sflag:s17] =	ssyncadd.s32 $0xFFFFC000  }
0x7b: {  	_ =	swait.ge [sflag:s23], $0x4000  }
0x7c: {  	[sflag:s23] =	ssyncset.done $0x0  }
0x7d: {  	[sflag:s23] =	ssyncadd.s32 $0xFFFFC000  }
0x7e: {  	[spmem:s3] =	stream.indirect.scatter.add.f32 [tilespmem:s21], [sflag:$0x3], $0x80, s26, s20, $0xb8;
	[tilespmem:$0x1E800] =	vst v63  }
0x7f: {  	_ =	swait.ge [sflag:s17], $0x4000  }
0x80: {  	[sflag:s17] =	ssyncset.done $0x0  }
0x81: {  	s31 =	simm.s32 $0x0;
	[sflag:s17] =	ssyncadd.s32 $0xFFFFC000  }
0x82: {  	[tilespmem:s18], [sflag:$0x3] =	stream.linear.gather [hbm4b:s12+s31], $0x1400, $0x38;
	[tilespmem:$0x1E800] =	vst v63  }
0x83: {  	_ =	swait.ge [sflag:s17], $0x1400  }
0x84: {  	[sflag:s17] =	ssyncset.done $0x0  }
0x85: {  	[sflag:s17] =	ssyncadd.s32 $0xFFFFEC00  }
0x86: {  	[tilespmem:s19], [sflag:$0x3] =	stream.linear.gather [hbm4b:s13+s31], $0x1400, $0x38;
	[tilespmem:$0x1E800] =	vst v63  }
0x87: {  	_ =	swait.ge [sflag:s17], $0x1400  }
0x88: {  	[sflag:s17] =	ssyncset.done $0x0  }
0x89: {  	[sflag:s17] =	ssyncadd.s32 $0xFFFFEC00  }
0x8a: {  	[tilespmem:s16], [sflag:$0x1] =	stream.indirect.gather [hbm4b:s0+s20], $0x80, s18, s20, $0xb8;
	[tilespmem:$0x1E800] =	vst v63  }
0x8b: {  	s30 =	simm.s32 $0x14080  }
0x8c: {  	[tilespmem:s21], [sflag:$0x2] =	stream.indirect.gather [hbm4b:s0+s20], $0x80, s30, s20, $0xb8;
	[tilespmem:$0x1E800] =	vst v63  }
0x8d: {  	_ =	swait.ge [sflag:s22], $0x4000  }
0x8e: {  	[sflag:s22] =	ssyncset.done $0x0  }
0x8f: {  	s31 =	simm.s32 $0x15400;
	[sflag:s22] =	ssyncadd.s32 $0xFFFFC000  }
0x90: {  	[spmem:s3] =	stream.indirect.scatter.add.f32 [tilespmem:s16], [sflag:$0x3], $0x80, s31, s20, $0xb8;
	[tilespmem:$0x1E800] =	vst v63  }
0x91: {  	_ =	swait.ge [sflag:s17], $0x4000  }
0x92: {  	[sflag:s17] =	ssyncset.done $0x0  }
0x93: {  	s30 =	simm.s32 $0x14100;
	[sflag:s17] =	ssyncadd.s32 $0xFFFFC000  }
0x94: {  	[tilespmem:s16], [sflag:$0x1] =	stream.indirect.gather [hbm4b:s0+s20], $0x80, s30, s20, $0xb8;
	[tilespmem:$0x1E800] =	vst v63  }
0x95: {  	_ =	swait.ge [sflag:s23], $0x4000  }
0x96: {  	[sflag:s23] =	ssyncset.done $0x0  }
0x97: {  	s31 =	simm.s32 $0x15480;
	[sflag:s23] =	ssyncadd.s32 $0xFFFFC000  }
0x98: {  	[spmem:s3] =	stream.indirect.scatter.add.f32 [tilespmem:s21], [sflag:$0x3], $0x80, s31, s20, $0xb8;
	[tilespmem:$0x1E800] =	vst v63  }
0x99: {  	_ =	swait.ge [sflag:s17], $0x4000  }
0x9a: {  	s29 =	simm.s32 $0x800;
	s28 =	simm.s32 $0x100;
	[sflag:s17] =	ssyncset.done $0x0  }
.LBB2_6:
0x9b: {  	s1 =	sadd.s32 $0x14080, s28  }
0x9c: {  	[sflag:s17] =	ssyncadd.s32 $0xFFFFC000;
	s30 =	smov.u32 s29;
	s31 =	sadd.s32 $0x400, s29  }
0x9d: {  	[tilespmem:s21], [sflag:$0x2] =	stream.indirect.gather [hbm4b:s0+s20], $0x80, s1, s20, $0xb8;
	[tilespmem:$0x1E800] =	vst v63  }
0x9e: {  	p0 =	sne.s32 s29, $0x4800;
	_ =	swait.ge [sflag:s22], $0x4000  }
0x9f: {  	[sflag:s22] =	ssyncset.done $0x0  }
0xa0: {  	s1 =	sadd.s32 $0x15400, s28;
	[sflag:s22] =	ssyncadd.s32 $0xFFFFC000  }
0xa1: {  	[spmem:s3] =	stream.indirect.scatter.add.f32 [tilespmem:s16], [sflag:$0x3], $0x80, s1, s20, $0xb8;
	[tilespmem:$0x1E800] =	vst v63  }
0xa2: {  	_ =	swait.ge [sflag:s17], $0x4000  }
0xa3: {  	[sflag:s17] =	ssyncset.done $0x0  }
0xa4: {  	s1 =	sadd.s32 $0x14100, s28;
	[sflag:s17] =	ssyncadd.s32 $0xFFFFC000  }
0xa5: {  	[tilespmem:s16], [sflag:$0x1] =	stream.indirect.gather [hbm4b:s0+s20], $0x80, s1, s20, $0xb8;
	[tilespmem:$0x1E800] =	vst v63  }
0xa6: {  	_ =	swait.ge [sflag:s23], $0x4000  }
.Ltmp2:
0xa7: {  	[sflag:s23] =	ssyncset.done $0x0;
	(pc) =	sbr.rel @p0 .LBB2_6-.Ltmp2, $4  }
0xa8: {  	s1 =	sadd.s32 $0x15480, s28;
	[sflag:s23] =	ssyncadd.s32 $0xFFFFC000  }
0xa9: {  	[spmem:s3] =	stream.indirect.scatter.add.f32 [tilespmem:s21], [sflag:$0x3], $0x80, s1, s20, $0xb8;
	[tilespmem:$0x1E800] =	vst v63  }
0xaa: {  	_ =	swait.ge [sflag:s17], $0x4000  }
0xab: {  	s29 =	smov.u32 s31;
	s28 =	sshra.s32 s30, $0x2;
	[sflag:s17] =	ssyncset.done $0x0  }
0xac: {  	s1 =	sadd.s32 $0x14080, s28;
	[sflag:s17] =	ssyncadd.s32 $0xFFFFC000  }
0xad: {  	[tilespmem:s21], [sflag:$0x2] =	stream.indirect.gather [hbm4b:s0+s20], $0x80, s1, s20, $0xb8;
	[tilespmem:$0x1E800] =	vst v63  }
0xae: {  	_ =	swait.ge [sflag:s22], $0x4000  }
0xaf: {  	[sflag:s22] =	ssyncset.done $0x0  }
0xb0: {  	s30 =	sadd.s32 $0x15400, s28;
	[sflag:s22] =	ssyncadd.s32 $0xFFFFC000  }
0xb1: {  	[spmem:s3] =	stream.indirect.scatter.add.f32 [tilespmem:s16], [sflag:$0x3], $0x80, s30, s20, $0xb8;
	[tilespmem:$0x1E800] =	vst v63  }
0xb2: {  	_ =	swait.ge [sflag:s17], $0x4000  }
0xb3: {  	[sflag:s17] =	ssyncset.done $0x0  }
0xb4: {  	s31 =	sadd.s32 $0x14100, s28;
	[sflag:s17] =	ssyncadd.s32 $0xFFFFC000  }
0xb5: {  	[tilespmem:s16], [sflag:$0x1] =	stream.indirect.gather [hbm4b:s0+s20], $0x80, s31, s20, $0xb8;
	[tilespmem:$0x1E800] =	vst v63  }
0xb6: {  	_ =	swait.ge [sflag:s23], $0x4000  }
0xb7: {  	[sflag:s23] =	ssyncset.done $0x0  }
0xb8: {  	s29 =	sadd.s32 $0x15480, s28;
	[sflag:s23] =	ssyncadd.s32 $0xFFFFC000  }
0xb9: {  	[spmem:s3] =	stream.indirect.scatter.add.f32 [tilespmem:s21], [sflag:$0x3], $0x80, s29, s20, $0xb8;
	[tilespmem:$0x1E800] =	vst v63  }
0xba: {  	_ =	swait.ge [sflag:s17], $0x4000  }
0xbb: {  	[sflag:s17] =	ssyncset.done $0x0  }
0xbc: {  	[sflag:s17] =	ssyncadd.s32 $0xFFFFC000  }
0xbd: {  	[tilespmem:s21], [sflag:$0x2] =	stream.indirect.gather [hbm4b:s0+s20], $0x80, s24, s20, $0xb8;
	[tilespmem:$0x1E800] =	vst v63  }
0xbe: {  	_ =	swait.ge [sflag:s22], $0x4000  }
0xbf: {  	[sflag:s22] =	ssyncset.done $0x0  }
0xc0: {  	[sflag:s22] =	ssyncadd.s32 $0xFFFFC000  }
0xc1: {  	[spmem:s3] =	stream.indirect.scatter.add.f32 [tilespmem:s16], [sflag:$0x3], $0x80, s25, s20, $0xb8;
	[tilespmem:$0x1E800] =	vst v63  }
0xc2: {  	_ =	swait.ge [sflag:s17], $0x4000  }
0xc3: {  	[sflag:s17] =	ssyncset.done $0x0  }
0xc4: {  	[sflag:s17] =	ssyncadd.s32 $0xFFFFC000  }
0xc5: {  	_ =	swait.ge [sflag:s23], $0x4000  }
0xc6: {  	[sflag:s23] =	ssyncset.done $0x0  }
0xc7: {  	[sflag:s23] =	ssyncadd.s32 $0xFFFFC000  }
0xc8: {  	[spmem:s3] =	stream.indirect.scatter.add.f32 [tilespmem:s21], [sflag:$0x3], $0x80, s26, s20, $0xb8;
	[tilespmem:$0x1E800] =	vst v63  }
0xc9: {  	_ =	swait.ge [sflag:s17], $0x4000  }
0xca: {  	s4 =	sadd.s32 $0x1, s4;
	s30 =	sshll.u32 s2, $0x6;
	[sflag:s17] =	ssyncset.done $0x0  }
0xcb: {  	p0 =	sne.s32 s4, s15;
	s1 =	sor.u32 $0x1C03, s30;
	[sflag:s17] =	ssyncadd.s32 $0xFFFFC000  }
.Ltmp3:
0xcc: {  	s31 =	sshrl.u32 s5, $0x3;
	[bflag:$0x0] =	sbarrier.arrive $0xFFFF;
	(pc) =	sbr.rel @p0 .LBB2_1-.Ltmp3, $4  }
0xcd: {  	[hbm:s14], [sflag:s1] =	dma.local [spmem:s31], $0x2800  }
0xce: {  	_ =	swait.ge [sflag:s17], $0x2800  }
0xcf: {  	[sflag:s17] =	ssyncset.done $0x0  }
0xd0: {  	[sflag:s17] =	ssyncadd.s32 $0xFFFFD800  }
0xd1: {  	_ =	sfence.sel $0x180000  }
0xd2: {  	[bflag:$0x0] =	sbarrier.arrive $0xFFFF  }
0xd3: {  	_ =	strace $0x9000004A  }
0xd4: {  	[bflag:$0x2] =	sbarrier.arrive $0xFFFF  }
0xd5: {  	p0 =	sne.s32 s2, $0x0;
	s0 =	rddreg [dreg:$0x3]  }
0xd6: {  	s0 =	sadd.s32 @!p0 $0x100000, s0  }
0xd7: {  	[sflag:s0] =	ssyncadd.tile.s32 @!p0 $0x1;
	_ =	shalt  }
.Lfunc_end2:
_tile_overlayer_lowered:
.L_overlay_start_2:
0xd8: {  	(tag) =	ssettag $0x2  }
0xd9: {  	s0 =	rddreg [dreg:$0x0];
	s2 =	stileid.u32  }
0xda: {  	s1 =	rddreg [dreg:$0x1];
	p0 =	sne.s32 s2, $0x0  }
0xdb: {  	s3 =	rddreg [dreg:$0x2];
	[bflag:$0x3] =	sbarrier.arrive $0xFFFF;
	s2 =	simm.s32 @!p0 $0x1C03  }
0xdc: {  	[timem:s3], [sflag:s2] =	dma.local @!p0 [hbm:s0], s1  }
0xdd: {  	s0 =	simm.s32 @!p0 $0x3  }
0xde: {  	_ =	swait.ge @!p0 [sflag:s0], s1  }
0xdf: {  	s1 =	ssub.s32 @!p0 $0x0, s1;
	[sflag:s0] =	ssyncset.done @!p0 $0x0  }
0xe0: {  	[sflag:s0] =	ssyncadd.s32 @!p0 s1  }
0xe1: {  	[bflag:$0x3] =	sbarrier.arrive $0xFFFF  }
0xe2: {  	_ =	shalt  }

// kernel: kernel.15.cloned.1.call-start
scs
__scs_entry_jumppad:
0x0: {  	(pc) =	sbr.rel $0x88, $3  }
0x1: {  	(tag) =	ssettag $0x0;
	lr =	simm.s32 $0x1  }
0x2: {  	[smem:$0x3F99] =	sst lr;
	_ =	strace $0xD0000000  }
0x3: {  	_ = 	snop  }
0x4: {  	_ = 	snop  }
0x5: {  	_ = 	snop  }
0x6: {  	_ = 	snop  }
0x7: {  	_ = 	snop  }
__scs_overlays_trampoline_lowered:
0x8: {  	[smem:$0x3FA8] =	sst s0  }
0x9: {  	[smem:$0x3FA9] =	sst s1  }
0xa: {  	[smem:$0x3FAA] =	sst s2  }
0xb: {  	[smem:$0x3FAB] =	sst s3  }
0xc: {  	[smem:$0x3FAC] =	sst s4  }
0xd: {  	[smem:$0x3FAD] =	sst s5  }
0xe: {  	[smem:$0x3FAE] =	sst s6  }
0xf: {  	[smem:$0x3FAF] =	sst s7  }
0x10: {  	[smem:$0x3FB0] =	sst s8  }
0x11: {  	[smem:$0x3FB1] =	sst s9;
	s0 =	simm.s32 @!p0 $0x0  }
0x12: {  	s1 =	sld [smem:$0x3F97];
	s0 =	simm.s32 @p0 $0x1  }
0x13: {  	[smem:$0x3FB2] =	sst s0;
	s0 =	simm.s32 @!p1 $0x0  }
0x14: {  	s2 =	sld [smem:$0x3F96];
	s0 =	simm.s32 @p1 $0x1  }
0x15: {  	[smem:$0x3FB3] =	sst s0;
	s0 =	simm.s32 @!p2 $0x0  }
0x16: {  	s3 =	sld [smem:$0x3FDB];
	s0 =	simm.s32 @p2 $0x1  }
0x17: {  	s4 =	simm.s32 $0x1BF5;
	[smem:$0x3FB5] =	sst s0  }
0x18: {  	s0 =	sld [smem:$0x3F98];
	_ =	swait.ge [sflag:s4], $0x0  }
0x19: {  	s7 =	sld [smem:$0x3F99]  }
0x1a: {  	s8 =	sadd.s32 $0xFFFFE003, lr  }
0x1b: {  	s9 =	sadd.s32 $0xFFFFFEF7, lr;
	s5 =	simm.s32 $0xFFFFFFFF;
	p2 =	slt.u32 s8, $0xFFFFF086  }
0x1c: {  	p1 =	slt.u32 s9, $0xF7A;
	s5 =	simm.s32 @!p2 $0x0  }
0x1d: {  	s5 =	simm.s32 @p1 $0x1;
	p0 =	seq.s32 s7, s2  }
0x1e: {  	s7 =	smul.u32 @!p0 $0xF7A, s2;
	p2 =	seq.s32 @!p0 s5, $0x0  }
0x1f: {  	s9 =	smul.u32 $0xF7A, s1;
	s8 =	simm.s32 @!p0 $0x1BF5;
	p2 =	por !p2, p0  }
0x20: {  	[sflag:s8] =	ssyncset.s32 @!p0 $0xFFFFF086;
	s6 =	sadd.s32 @!p0 s3, s7;
	s7 =	simm.s32 @!p0 $0x108  }
0x21: {  	s3 =	sadd.s32 s3, s9;
	s6 =	sadd.s32 @!p0 $0x88, s6;
	s7 =	simm.s32 @p2 $0x1082  }
0x22: {  	[simem:s7], [sflag:s8] =	dma.local @!p0 [hbm:s6], $0xF7A  }
0x23: {  	s9 =	sor.u32 $0xD0000000, s2;
	s6 =	simm.s32 $0x108;
	_ =	swait.ge @!p0 [sflag:s8], $0x0  }
0x24: {  	s3 =	sadd.s32 $0x88, s3;
	s6 =	simm.s32 @!p1 $0x1082;
	[sflag:s4] =	ssyncset.s32 $0xFFFFF086  }
0x25: {  	[simem:s6], [sflag:s4] =	dma.local [hbm:s3], $0xF7A  }
0x26: {  	[smem:$0x3F99] =	sst s1;
	(tag) =	ssettag s2;
	_ =	strace s9  }
0x27: {  	s1 =	sld [smem:$0x3FA9]  }
0x28: {  	s2 =	sld [smem:$0x3FAA]  }
0x29: {  	s4 =	sld [smem:$0x3FAC]  }
0x2a: {  	p0 =	seq.s32 s5, $0x0;
	s5 =	sld [smem:$0x3FAD]  }
0x2b: {  	s6 =	sld [smem:$0x3FAE]  }
0x2c: {  	s7 =	sld [smem:$0x3FAF]  }
0x2d: {  	s3 =	simm.s32 $0x108;
	s8 =	sld [smem:$0x3FB0]  }
0x2e: {  	s3 =	simm.s32 @!p0 $0x1082;
	s9 =	sld [smem:$0x3FB1]  }
0x2f: {  	lr =	sadd.s32 s0, s3;
	s0 =	sld [smem:$0x3FA8]  }
0x30: {  	s3 =	sld [smem:$0x3FAB]  }
0x31: {  	[smem:$0x3FB4] =	sst s10  }
0x32: {  	s10 =	sld [smem:$0x3FB2];
	_ =	sdelay $0x3  }
0x33: {  	p0 =	seq.s32 s10, $0x1;
	s10 =	sld [smem:$0x3FB4];
	_ =	sdelay $0x3  }
0x34: {  	[smem:$0x3FB4] =	sst s10  }
0x35: {  	s10 =	sld [smem:$0x3FB3];
	_ =	sdelay $0x3  }
0x36: {  	p1 =	seq.s32 s10, $0x1;
	s10 =	sld [smem:$0x3FB4];
	_ =	sdelay $0x3  }
0x37: {  	[smem:$0x3FB4] =	sst s10  }
0x38: {  	s10 =	sld [smem:$0x3FB5]  }
0x39: {  	_ = 	snop;
	(pc) =	sbr.ind lr, $3  }
0x3a: {  	_ = 	snop  }
0x3b: {  	_ = 	snop  }
0x3c: {  	p2 =	seq.s32 s10, $0x1;
	s10 =	sld [smem:$0x3FB4]  }
0x3d: {  	_ =	shalt  }
0x3e: {  	_ =	shalt  }
0x3f: {  	_ =	shalt  }
0x40: {  	_ =	shalt  }
0x41: {  	_ =	shalt  }
0x42: {  	_ =	shalt  }
0x43: {  	_ =	shalt  }
0x44: {  	_ =	shalt  }
0x45: {  	_ =	shalt  }
0x46: {  	_ =	shalt  }
0x47: {  	_ =	shalt  }
0x48: {  	_ =	shalt  }
0x49: {  	_ =	shalt  }
0x4a: {  	_ =	shalt  }
0x4b: {  	_ =	shalt  }
0x4c: {  	_ =	shalt  }
0x4d: {  	_ =	shalt  }
0x4e: {  	_ =	shalt  }
0x4f: {  	_ =	shalt  }
0x50: {  	_ =	shalt  }
0x51: {  	_ =	shalt  }
0x52: {  	_ =	shalt  }
0x53: {  	_ =	shalt  }
0x54: {  	_ =	shalt  }
0x55: {  	_ =	shalt  }
0x56: {  	_ =	shalt  }
0x57: {  	_ =	shalt  }
0x58: {  	_ =	shalt  }
0x59: {  	_ =	shalt  }
0x5a: {  	_ =	shalt  }
0x5b: {  	_ =	shalt  }
0x5c: {  	_ =	shalt  }
0x5d: {  	_ =	shalt  }
0x5e: {  	_ =	shalt  }
0x5f: {  	_ =	shalt  }
0x60: {  	_ =	shalt  }
0x61: {  	_ =	shalt  }
0x62: {  	_ =	shalt  }
0x63: {  	_ =	shalt  }
0x64: {  	_ =	shalt  }
0x65: {  	_ =	shalt  }
0x66: {  	_ =	shalt  }
0x67: {  	_ =	shalt  }
0x68: {  	_ =	shalt  }
0x69: {  	_ =	shalt  }
0x6a: {  	_ =	shalt  }
0x6b: {  	_ =	shalt  }
0x6c: {  	_ =	shalt  }
0x6d: {  	_ =	shalt  }
0x6e: {  	_ =	shalt  }
0x6f: {  	_ =	shalt  }
0x70: {  	_ =	shalt  }
0x71: {  	_ =	shalt  }
0x72: {  	_ =	shalt  }
0x73: {  	_ =	shalt  }
0x74: {  	_ =	shalt  }
0x75: {  	_ =	shalt  }
0x76: {  	_ =	shalt  }
0x77: {  	_ =	shalt  }
0x78: {  	_ =	shalt  }
0x79: {  	_ =	shalt  }
0x7a: {  	_ =	shalt  }
0x7b: {  	_ =	shalt  }
0x7c: {  	_ =	shalt  }
0x7d: {  	_ =	shalt  }
0x7e: {  	_ =	shalt  }
0x7f: {  	_ =	shalt  }
0x80: {  	_ =	shalt  }
0x81: {  	_ =	shalt  }
0x82: {  	_ =	shalt  }
0x83: {  	_ =	shalt  }
0x84: {  	_ =	shalt  }
0x85: {  	_ =	shalt  }
0x86: {  	_ =	shalt  }
0x87: {  	_ =	shalt  }
.Lfunc_end0:
.L_simem_size_0:
called_computation.2_lowered:
.L_overlay_start_0:
0x88: {  	s2 =	sld [smem:$0x3FD9]  }
0x89: {  	s3 =	sld [smem:$0x3FFE];
	_ =	sdelay $0x1  }
0x8a: {  	s1 =	srdreg.scid  }
0x8b: {  	s0 =	sand.u32 $0x1, s1  }
0x8c: {  	s17 =	sshll.u32 s0, $0xA;
	s2 =	sadd.s32 s3, s2  }
0x8d: {  	s2 =	sadd.s32 s2, s17  }
0x8e: {  	[smem:$0x3FC0] =	sst s2  }
0x8f: {  	_ = 	snop  }
0x90: {  	s2 =	sld [smem:$0x3FD0];
	(tm) =	ssettm $0x1  }
0x91: {  	s18 =	sld [smem:$0x3FFB];
	_ =	sdelay $0x3  }
0x92: {  	_ =	strace s18  }
0x93: {  	s3 =	sld [smem:$0x3FFC];
	_ =	sdelay $0x3  }
0x94: {  	_ =	strace s3  }
0x95: {  	s3 =	sld [smem:$0x3FFD];
	_ =	sdelay $0x3  }
0x96: {  	_ =	strace s3  }
0x97: {  	_ =	strace $0x8FFFFFFF  }
0x98: {  	s19 =	sld [smem:$0x3FDB];
	_ =	sdelay $0x1  }
0x99: {  	s4 =	simm.s32 $_scs_section_size  }
0x9a: {  	s5 =	simm.s32 $_size__tile_overlayer_lowered;
	s6 =	simm.s32 $_tile_overlayer_lowered  }
0x9b: {  	s22 =	simm.s32 $0x1BFF;
	s21 =	sshll.u32 s6, $0x1;
	s3 =	sadd.s32 s4, s19  }
0x9c: {  	s7 =	simm.s32 $0x0;
	s20 =	sshll.u32 s5, $0x1;
	s5 =	sadd.s32 s21, s3  }
0x9d: {  	[timem:s7], [sflag:s22] =	dma.local [hbm:s5], s20  }
0x9e: {  	_ =	swait.ge [sflag:s22], s20  }
0x9f: {  	s4 =	ssub.s32 $0x0, s20;
	[sflag:s22] =	ssyncset.done $0x0  }
0xa0: {  	[sflag:s22] =	ssyncadd.s32 s4;
	_ =	sdelay $0x1  }
0xa1: {  	s23 =	simm.s32 $0x1B8B  }
0xa2: {  	_ =	swait.ge [sflag:s23], $0x1  }
0xa3: {  	[sflag:s23] =	ssyncset.done $0x0  }
0xa4: {  	s25 =	simm.s32 $0x1B8E;
	s24 =	sld [smem:$0x3FFE];
	[sflag:s23] =	ssyncadd.s32 $0xFFFFFFFF  }
0xa5: {  	s26 =	simm.s32 $execute0_lowered;
	[smem:$0x3FD2] =	sst s25  }
0xa6: {  	s5 =	sshll.u32 s26, $0x1;
	_ =	strace $0x8000004C;
	[dreg:$0x1] =	wrdreg $0xFFFFFFFF  }
0xa7: {  	s28 =	simm.s32 $_size_execute0_lowered;
	s3 =	sadd.s32 s3, s5;
	[dreg:$0x0] =	wrdreg $0x0  }
0xa8: {  	s5 =	sshll.u32 s28, $0x1;
	[dreg:$0x2] =	wrdreg s3  }
0xa9: {  	[dreg:$0x3] =	wrdreg s5  }
0xaa: {  	[dreg:$0x4] =	wrdreg $0xC0  }
0xab: {  	_ =	task [dreg:s7], $0x5FFFF  }
0xac: {  	[dreg:$0x1] =	wrdreg $0xFFFFFFFF  }
0xad: {  	[dreg:$0x0] =	wrdreg $0x60  }
0xae: {  	[dreg:$0x2] =	wrdreg s2  }
0xaf: {  	[dreg:$0x3] =	wrdreg s24  }
0xb0: {  	[dreg:$0x4] =	wrdreg $0x0  }
0xb1: {  	[dreg:$0x5] =	wrdreg $0x9  }
0xb2: {  	_ =	task.clear_ibuf [dreg:s7], $0x6FFFF;
	_ =	strace $0x9000004C  }
0xb3: {  	s29 =	simm.s32 $0x9;
	_ =	strace $0x8000004E  }
0xb4: {  	_ =	swait.ge [sflag:s29], $0x1  }
0xb5: {  	[sflag:s29] =	ssyncadd.s32 $0xFFFFFFFF  }
0xb6: {  	_ =	strace $0x9000004E  }
0xb7: {  	_ =	sfence  }
0xb8: {  	s30 =	sld [smem:$0x0];
	_ =	sdelay $0x2  }
0xb9: {  	s31 =	sshll.u32 s1, $0xD;
	s1 =	sshrl.u32 s1, $0x2  }
0xba: {  	s3 =	sand.u32 $0x4000, s31;
	s1 =	sadd.s32 s1, s30  }
0xbb: {  	s0 =	sor.u32 s3, s0;
	s1 =	sshll.u32 s1, $0x11  }
0xbc: {  	s0 =	sor.u32 s1, s0  }
0xbd: {  	s0 =	sadd.s32 $0x8F2B, s0  }
0xbe: {  	[sflag:s0] =	ssyncadd.remote.s32 $0x1  }
0xbf: {  	_ =	sfence.sel $0xFFFF  }
0xc0: {  	[dreg:$0x0] =	wrdreg $0xFFFFFFFF;
	(pc) =	sbr.abs _section_cstart, $3  }
0xc1: {  	[dreg:$0x1] =	wrdreg $0xFFFFFFFF  }
0xc2: {  	_ =	task.clear_ibuf [dreg:s7], $0x2FFFF;
	_ =	strace $0x9FFFFFFF  }
0xc3: {  	(tm) =	ssettm $0x7FFFFFFF  }
tec
execute0_lowered:
.L_overlay_start_1:
0x0: {  	(tag) =	ssettag $0x1  }
0x1: {  	s0 =	rddreg [dreg:$0x0]  }
0x2: {  	s5 =	rddreg [dreg:$0x1];
	s1 =	srdreg.scid  }
0x3: {  	s3 =	rddreg [dreg:$0x2];
	s2 =	stileid.u32;
	s4 =	simm.s32 $0x0  }
0x4: {  	s17 =	simm.s32 $0x3;
	s18 =	simm.s32 $0x14000;
	s19 =	simm.s32 $0x15400  }
0x5: {  	s20 =	simm.s32 $0x80;
	s21 =	simm.s32 $0x1A800;
	s22 =	simm.s32 $0x1  }
0x6: {  	s23 =	simm.s32 $0x2;
	s24 =	simm.s32 $0x15380;
	s25 =	simm.s32 $0x16700  }
0x7: {  	s6 =	sand.u32 $0x1, s1;
	s8 =	smul.u32 $0x14000, s2;
	[smem:$0x7FF] =	sst s4  }
0x8: {  	s12 =	sadd.s32 $0xC400, s5;
	s26 =	smul.u32 $0x50000, s2;
	s13 =	sadd.s32 $0x2400, s5  }
0x9: {  	s28 =	sshll.u32 s2, $0x1;
	s7 =	smul.u32 $0x140000, s6;
	_ =	strace $0x8000004D  }
0xa: {  	s29 =	ssub.s32 $0x2, s6;
	s6 =	sor.u32 s6, s28;
	s30 =	sshrl.u32 s26, $0x2  }
0xb: {  	s31 =	sshrl.u32 s29, $0x1;
	s10 =	smul.u32 $0x2800, s6;
	s7 =	sadd.s32 s8, s7  }
0xc: {  	s26 =	simm.s32 $0x16780;
	s15 =	ssub.s32 s29, s31;
	s7 =	sshrl.u32 s7, $0x3  }
0xd: {  	s16 =	sshrl.u32 s10, $0x3;
	s15 =	smax.u32 s15, $0x1;
	s14 =	sadd.s32 s7, s5  }
0xe: {  	s5 =	sadd.s32 s30, s3;
	s10 =	sadd.s32 s12, s16;
	s11 =	sadd.s32 s13, s16  }
0xf: {  	s16 =	sadd.s32 $0x280, s16;
	s6 =	sadd.s32 $0x4000, s5;
	s7 =	sadd.s32 $0x8000, s5  }
0x10: {  	s8 =	sadd.s32 $0xC000, s5;
	s9 =	sadd.s32 $0x10000, s5;
	s12 =	sadd.s32 s12, s16  }
0x11: {  	v0 =	vimm.f32 $0.0e+00;
	s13 =	sadd.s32 s13, s16;
	s14 =	sadd.s32 $0x16400, s14;
	s16 =	simm.s32 $0x16800  }
.LBB2_1:
0x12: {  	s28 =	simm.s32 $0x0;
	s29 =	simm.s32 $0x200  }
.LBB2_2:
0x13: {  	p0 =	sne.s32 s29, $0xFE00;
	[tilespmem:s28+$0x16870] =	vst v0  }
0x14: {  	[tilespmem:s28+$0x16800] =	vst v0  }
0x15: {  	[tilespmem:s28+$0x16810] =	vst v0  }
.Ltmp0:
0x16: {  	[tilespmem:s28+$0x16820] =	vst v0;
	(pc) =	sbr.rel @p0 .LBB2_2-.Ltmp0, $4  }
0x17: {  	[tilespmem:s28+$0x16830] =	vst v0  }
0x18: {  	[tilespmem:s28+$0x16840] =	vst v0  }
0x19: {  	[tilespmem:s28+$0x16850] =	vst v0  }
0x1a: {  	[tilespmem:s28+$0x16860] =	vst v0;
	s28 =	sshra.s32 s29, $0x2;
	s29 =	sadd.s32 $0x200, s29  }
0x1b: {  	[tilespmem:s28+$0x16870] =	vst v0  }
0x1c: {  	[tilespmem:s28+$0x16800] =	vst v0  }
0x1d: {  	[tilespmem:s28+$0x16810] =	vst v0  }
0x1e: {  	[tilespmem:s28+$0x16820] =	vst v0  }
0x1f: {  	[tilespmem:s28+$0x16830] =	vst v0  }
0x20: {  	[tilespmem:s28+$0x16840] =	vst v0  }
0x21: {  	[tilespmem:s28+$0x16850] =	vst v0  }
0x22: {  	[tilespmem:s28+$0x16860] =	vst v0  }
0x23: {  	[spmem:s5] =	stream.linear.scatter [tilespmem:s16], [sflag:$0x3], $0x4000, $0x38;
	[tilespmem:$0x1E800] =	vst v63  }
0x24: {  	_ =	swait.ge [sflag:s17], $0x4000  }
0x25: {  	[sflag:s17] =	ssyncset.done $0x0  }
0x26: {  	[sflag:s17] =	ssyncadd.s32 $0xFFFFC000  }
0x27: {  	[spmem:s6] =	stream.linear.scatter [tilespmem:s16], [sflag:$0x3], $0x4000, $0x38;
	[tilespmem:$0x1E800] =	vst v63  }
0x28: {  	_ =	swait.ge [sflag:s17], $0x4000  }
0x29: {  	[sflag:s17] =	ssyncset.done $0x0  }
0x2a: {  	[sflag:s17] =	ssyncadd.s32 $0xFFFFC000  }
0x2b: {  	[spmem:s7] =	stream.linear.scatter [tilespmem:s16], [sflag:$0x3], $0x4000, $0x38;
	[tilespmem:$0x1E800] =	vst v63  }
0x2c: {  	_ =	swait.ge [sflag:s17], $0x4000  }
0x2d: {  	[sflag:s17] =	ssyncset.done $0x0  }
0x2e: {  	[sflag:s17] =	ssyncadd.s32 $0xFFFFC000  }
0x2f: {  	[spmem:s8] =	stream.linear.scatter [tilespmem:s16], [sflag:$0x3], $0x4000, $0x38;
	[tilespmem:$0x1E800] =	vst v63  }
0x30: {  	_ =	swait.ge [sflag:s17], $0x4000  }
0x31: {  	[sflag:s17] =	ssyncset.done $0x0  }
0x32: {  	[sflag:s17] =	ssyncadd.s32 $0xFFFFC000  }
0x33: {  	[spmem:s9] =	stream.linear.scatter [tilespmem:s16], [sflag:$0x3], $0x4000, $0x38;
	[tilespmem:$0x1E800] =	vst v63  }
0x34: {  	_ =	swait.ge [sflag:s17], $0x4000  }
0x35: {  	[sflag:s17] =	ssyncset.done $0x0  }
0x36: {  	[sflag:s17] =	ssyncadd.s32 $0xFFFFC000  }
0x37: {  	s28 =	simm.s32 $0x0;
	[bflag:$0x0] =	sbarrier.arrive $0xFFFF  }
0x38: {  	[tilespmem:s18], [sflag:$0x3] =	stream.linear.gather [hbm4b:s10+s28], $0x1400, $0x38;
	[tilespmem:$0x1E800] =	vst v63  }
0x39: {  	_ =	swait.ge [sflag:s17], $0x1400  }
0x3a: {  	[sflag:s17] =	ssyncset.done $0x0  }
0x3b: {  	[sflag:s17] =	ssyncadd.s32 $0xFFFFEC00  }
0x3c: {  	[tilespmem:s19], [sflag:$0x3] =	stream.linear.gather [hbm4b:s11+s28], $0x1400, $0x38;
	[tilespmem:$0x1E800] =	vst v63  }
0x3d: {  	_ =	swait.ge [sflag:s17], $0x1400  }
0x3e: {  	[sflag:s17] =	ssyncset.done $0x0  }
0x3f: {  	[sflag:s17] =	ssyncadd.s32 $0xFFFFEC00  }
0x40: {  	[tilespmem:s16], [sflag:$0x1] =	stream.indirect.gather [hbm4b:s0+s20], $0x80, s18, s20, $0xb8;
	[tilespmem:$0x1E800] =	vst v63  }
0x41: {  	s28 =	simm.s32 $0x14080  }
0x42: {  	[tilespmem:s21], [sflag:$0x2] =	stream.indirect.gather [hbm4b:s0+s20], $0x80, s28, s20, $0xb8;
	[tilespmem:$0x1E800] =	vst v63  }
0x43: {  	_ =	swait.ge [sflag:s22], $0x4000  }
0x44: {  	[sflag:s22] =	ssyncset.done $0x0  }
0x45: {  	s28 =	simm.s32 $0x15400;
	[sflag:s22] =	ssyncadd.s32 $0xFFFFC000  }
0x46: {  	[spmem:s3] =	stream.indirect.scatter.add.f32 [tilespmem:s16], [sflag:$0x3], $0x80, s28, s20, $0xb8;
	[tilespmem:$0x1E800] =	vst v63  }
0x47: {  	_ =	swait.ge [sflag:s17], $0x4000  }
0x48: {  	[sflag:s17] =	ssyncset.done $0x0  }
0x49: {  	s28 =	simm.s32 $0x14100;
	[sflag:s17] =	ssyncadd.s32 $0xFFFFC000  }
0x4a: {  	[tilespmem:s16], [sflag:$0x1] =	stream.indirect.gather [hbm4b:s0+s20], $0x80, s28, s20, $0xb8;
	[tilespmem:$0x1E800] =	vst v63  }
0x4b: {  	_ =	swait.ge [sflag:s23], $0x4000  }
0x4c: {  	[sflag:s23] =	ssyncset.done $0x0  }
0x4d: {  	s28 =	simm.s32 $0x15480;
	[sflag:s23] =	ssyncadd.s32 $0xFFFFC000  }
0x4e: {  	[spmem:s3] =	stream.indirect.scatter.add.f32 [tilespmem:s21], [sflag:$0x3], $0x80, s28, s20, $0xb8;
	[tilespmem:$0x1E800] =	vst v63  }
0x4f: {  	_ =	swait.ge [sflag:s17], $0x4000  }
0x50: {  	s29 =	simm.s32 $0x800;
	s28 =	simm.s32 $0x100;
	[sflag:s17] =	ssyncset.done $0x0  }
.LBB2_4:
0x51: {  	s30 =	sadd.s32 $0x14080, s28  }
0x52: {  	[sflag:s17] =	ssyncadd.s32 $0xFFFFC000;
	s31 =	smov.u32 s29;
	s1 =	sadd.s32 $0x400, s29  }
0x53: {  	[tilespmem:s21], [sflag:$0x2] =	stream.indirect.gather [hbm4b:s0+s20], $0x80, s30, s20, $0xb8;
	[tilespmem:$0x1E800] =	vst v63  }
0x54: {  	p0 =	sne.s32 s29, $0x4800;
	_ =	swait.ge [sflag:s22], $0x4000  }
0x55: {  	[sflag:s22] =	ssyncset.done $0x0  }
0x56: {  	s29 =	sadd.s32 $0x15400, s28;
	[sflag:s22] =	ssyncadd.s32 $0xFFFFC000  }
0x57: {  	[spmem:s3] =	stream.indirect.scatter.add.f32 [tilespmem:s16], [sflag:$0x3], $0x80, s29, s20, $0xb8;
	[tilespmem:$0x1E800] =	vst v63  }
0x58: {  	_ =	swait.ge [sflag:s17], $0x4000  }
0x59: {  	[sflag:s17] =	ssyncset.done $0x0  }
0x5a: {  	s29 =	sadd.s32 $0x14100, s28;
	[sflag:s17] =	ssyncadd.s32 $0xFFFFC000  }
0x5b: {  	[tilespmem:s16], [sflag:$0x1] =	stream.indirect.gather [hbm4b:s0+s20], $0x80, s29, s20, $0xb8;
	[tilespmem:$0x1E800] =	vst v63  }
0x5c: {  	_ =	swait.ge [sflag:s23], $0x4000  }
.Ltmp1:
0x5d: {  	[sflag:s23] =	ssyncset.done $0x0;
	(pc) =	sbr.rel @p0 .LBB2_4-.Ltmp1, $4  }
0x5e: {  	s28 =	sadd.s32 $0x15480, s28;
	[sflag:s23] =	ssyncadd.s32 $0xFFFFC000  }
0x5f: {  	[spmem:s3] =	stream.indirect.scatter.add.f32 [tilespmem:s21], [sflag:$0x3], $0x80, s28, s20, $0xb8;
	[tilespmem:$0x1E800] =	vst v63  }
0x60: {  	_ =	swait.ge [sflag:s17], $0x4000  }
0x61: {  	s29 =	smov.u32 s1;
	s28 =	sshra.s32 s31, $0x2;
	[sflag:s17] =	ssyncset.done $0x0  }
0x62: {  	s1 =	sadd.s32 $0x14080, s28;
	[sflag:s17] =	ssyncadd.s32 $0xFFFFC000  }
0x63: {  	[tilespmem:s21], [sflag:$0x2] =	stream.indirect.gather [hbm4b:s0+s20], $0x80, s1, s20, $0xb8;
	[tilespmem:$0x1E800] =	vst v63  }
0x64: {  	_ =	swait.ge [sflag:s22], $0x4000  }
0x65: {  	[sflag:s22] =	ssyncset.done $0x0  }
0x66: {  	s30 =	sadd.s32 $0x15400, s28;
	[sflag:s22] =	ssyncadd.s32 $0xFFFFC000  }
0x67: {  	[spmem:s3] =	stream.indirect.scatter.add.f32 [tilespmem:s16], [sflag:$0x3], $0x80, s30, s20, $0xb8;
	[tilespmem:$0x1E800] =	vst v63  }
0x68: {  	_ =	swait.ge [sflag:s17], $0x4000  }
0x69: {  	[sflag:s17] =	ssyncset.done $0x0  }
0x6a: {  	s31 =	sadd.s32 $0x14100, s28;
	[sflag:s17] =	ssyncadd.s32 $0xFFFFC000  }
0x6b: {  	[tilespmem:s16], [sflag:$0x1] =	stream.indirect.gather [hbm4b:s0+s20], $0x80, s31, s20, $0xb8;
	[tilespmem:$0x1E800] =	vst v63  }
0x6c: {  	_ =	swait.ge [sflag:s23], $0x4000  }
0x6d: {  	[sflag:s23] =	ssyncset.done $0x0  }
0x6e: {  	s30 =	sadd.s32 $0x15480, s28;
	[sflag:s23] =	ssyncadd.s32 $0xFFFFC000  }
0x6f: {  	[spmem:s3] =	stream.indirect.scatter.add.f32 [tilespmem:s21], [sflag:$0x3], $0x80, s30, s20, $0xb8;
	[tilespmem:$0x1E800] =	vst v63  }
0x70: {  	_ =	swait.ge [sflag:s17], $0x4000  }
0x71: {  	[sflag:s17] =	ssyncset.done $0x0  }
0x72: {  	[sflag:s17] =	ssyncadd.s32 $0xFFFFC000  }
0x73: {  	[tilespmem:s21], [sflag:$0x2] =	stream.indirect.gather [hbm4b:s0+s20], $0x80, s24, s20, $0xb8;
	[tilespmem:$0x1E800] =	vst v63  }
0x74: {  	_ =	swait.ge [sflag:s22], $0x4000  }
0x75: {  	[sflag:s22] =	ssyncset.done $0x0  }
0x76: {  	[sflag:s22] =	ssyncadd.s32 $0xFFFFC000  }
0x77: {  	[spmem:s3] =	stream.indirect.scatter.add.f32 [tilespmem:s16], [sflag:$0x3], $0x80, s25, s20, $0xb8;
	[tilespmem:$0x1E800] =	vst v63  }
0x78: {  	_ =	swait.ge [sflag:s17], $0x4000  }
0x79: {  	[sflag:s17] =	ssyncset.done $0x0  }
0x7a: {  	[sflag:s17] =	ssyncadd.s32 $0xFFFFC000  }
0x7b: {  	_ =	swait.ge [sflag:s23], $0x4000  }
0x7c: {  	[sflag:s23] =	ssyncset.done $0x0  }
0x7d: {  	[sflag:s23] =	ssyncadd.s32 $0xFFFFC000  }
0x7e: {  	[spmem:s3] =	stream.indirect.scatter.add.f32 [tilespmem:s21], [sflag:$0x3], $0x80, s26, s20, $0xb8;
	[tilespmem:$0x1E800] =	vst v63  }
0x7f: {  	_ =	swait.ge [sflag:s17], $0x4000  }
0x80: {  	[sflag:s17] =	ssyncset.done $0x0  }
0x81: {  	s31 =	simm.s32 $0x0;
	[sflag:s17] =	ssyncadd.s32 $0xFFFFC000  }
0x82: {  	[tilespmem:s18], [sflag:$0x3] =	stream.linear.gather [hbm4b:s12+s31], $0x1400, $0x38;
	[tilespmem:$0x1E800] =	vst v63  }
0x83: {  	_ =	swait.ge [sflag:s17], $0x1400  }
0x84: {  	[sflag:s17] =	ssyncset.done $0x0  }
0x85: {  	[sflag:s17] =	ssyncadd.s32 $0xFFFFEC00  }
0x86: {  	[tilespmem:s19], [sflag:$0x3] =	stream.linear.gather [hbm4b:s13+s31], $0x1400, $0x38;
	[tilespmem:$0x1E800] =	vst v63  }
0x87: {  	_ =	swait.ge [sflag:s17], $0x1400  }
0x88: {  	[sflag:s17] =	ssyncset.done $0x0  }
0x89: {  	[sflag:s17] =	ssyncadd.s32 $0xFFFFEC00  }
0x8a: {  	[tilespmem:s16], [sflag:$0x1] =	stream.indirect.gather [hbm4b:s0+s20], $0x80, s18, s20, $0xb8;
	[tilespmem:$0x1E800] =	vst v63  }
0x8b: {  	s30 =	simm.s32 $0x14080  }
0x8c: {  	[tilespmem:s21], [sflag:$0x2] =	stream.indirect.gather [hbm4b:s0+s20], $0x80, s30, s20, $0xb8;
	[tilespmem:$0x1E800] =	vst v63  }
0x8d: {  	_ =	swait.ge [sflag:s22], $0x4000  }
0x8e: {  	[sflag:s22] =	ssyncset.done $0x0  }
0x8f: {  	s31 =	simm.s32 $0x15400;
	[sflag:s22] =	ssyncadd.s32 $0xFFFFC000  }
0x90: {  	[spmem:s3] =	stream.indirect.scatter.add.f32 [tilespmem:s16], [sflag:$0x3], $0x80, s31, s20, $0xb8;
	[tilespmem:$0x1E800] =	vst v63  }
0x91: {  	_ =	swait.ge [sflag:s17], $0x4000  }
0x92: {  	[sflag:s17] =	ssyncset.done $0x0  }
0x93: {  	s30 =	simm.s32 $0x14100;
	[sflag:s17] =	ssyncadd.s32 $0xFFFFC000  }
0x94: {  	[tilespmem:s16], [sflag:$0x1] =	stream.indirect.gather [hbm4b:s0+s20], $0x80, s30, s20, $0xb8;
	[tilespmem:$0x1E800] =	vst v63  }
0x95: {  	_ =	swait.ge [sflag:s23], $0x4000  }
0x96: {  	[sflag:s23] =	ssyncset.done $0x0  }
0x97: {  	s31 =	simm.s32 $0x15480;
	[sflag:s23] =	ssyncadd.s32 $0xFFFFC000  }
0x98: {  	[spmem:s3] =	stream.indirect.scatter.add.f32 [tilespmem:s21], [sflag:$0x3], $0x80, s31, s20, $0xb8;
	[tilespmem:$0x1E800] =	vst v63  }
0x99: {  	_ =	swait.ge [sflag:s17], $0x4000  }
0x9a: {  	s29 =	simm.s32 $0x800;
	s28 =	simm.s32 $0x100;
	[sflag:s17] =	ssyncset.done $0x0  }
.LBB2_6:
0x9b: {  	s1 =	sadd.s32 $0x14080, s28  }
0x9c: {  	[sflag:s17] =	ssyncadd.s32 $0xFFFFC000;
	s30 =	smov.u32 s29;
	s31 =	sadd.s32 $0x400, s29  }
0x9d: {  	[tilespmem:s21], [sflag:$0x2] =	stream.indirect.gather [hbm4b:s0+s20], $0x80, s1, s20, $0xb8;
	[tilespmem:$0x1E800] =	vst v63  }
0x9e: {  	p0 =	sne.s32 s29, $0x4800;
	_ =	swait.ge [sflag:s22], $0x4000  }
0x9f: {  	[sflag:s22] =	ssyncset.done $0x0  }
0xa0: {  	s1 =	sadd.s32 $0x15400, s28;
	[sflag:s22] =	ssyncadd.s32 $0xFFFFC000  }
0xa1: {  	[spmem:s3] =	stream.indirect.scatter.add.f32 [tilespmem:s16], [sflag:$0x3], $0x80, s1, s20, $0xb8;
	[tilespmem:$0x1E800] =	vst v63  }
0xa2: {  	_ =	swait.ge [sflag:s17], $0x4000  }
0xa3: {  	[sflag:s17] =	ssyncset.done $0x0  }
0xa4: {  	s1 =	sadd.s32 $0x14100, s28;
	[sflag:s17] =	ssyncadd.s32 $0xFFFFC000  }
0xa5: {  	[tilespmem:s16], [sflag:$0x1] =	stream.indirect.gather [hbm4b:s0+s20], $0x80, s1, s20, $0xb8;
	[tilespmem:$0x1E800] =	vst v63  }
0xa6: {  	_ =	swait.ge [sflag:s23], $0x4000  }
.Ltmp2:
0xa7: {  	[sflag:s23] =	ssyncset.done $0x0;
	(pc) =	sbr.rel @p0 .LBB2_6-.Ltmp2, $4  }
0xa8: {  	s1 =	sadd.s32 $0x15480, s28;
	[sflag:s23] =	ssyncadd.s32 $0xFFFFC000  }
0xa9: {  	[spmem:s3] =	stream.indirect.scatter.add.f32 [tilespmem:s21], [sflag:$0x3], $0x80, s1, s20, $0xb8;
	[tilespmem:$0x1E800] =	vst v63  }
0xaa: {  	_ =	swait.ge [sflag:s17], $0x4000  }
0xab: {  	s29 =	smov.u32 s31;
	s28 =	sshra.s32 s30, $0x2;
	[sflag:s17] =	ssyncset.done $0x0  }
0xac: {  	s1 =	sadd.s32 $0x14080, s28;
	[sflag:s17] =	ssyncadd.s32 $0xFFFFC000  }
0xad: {  	[tilespmem:s21], [sflag:$0x2] =	stream.indirect.gather [hbm4b:s0+s20], $0x80, s1, s20, $0xb8;
	[tilespmem:$0x1E800] =	vst v63  }
0xae: {  	_ =	swait.ge [sflag:s22], $0x4000  }
0xaf: {  	[sflag:s22] =	ssyncset.done $0x0  }
0xb0: {  	s30 =	sadd.s32 $0x15400, s28;
	[sflag:s22] =	ssyncadd.s32 $0xFFFFC000  }
0xb1: {  	[spmem:s3] =	stream.indirect.scatter.add.f32 [tilespmem:s16], [sflag:$0x3], $0x80, s30, s20, $0xb8;
	[tilespmem:$0x1E800] =	vst v63  }
0xb2: {  	_ =	swait.ge [sflag:s17], $0x4000  }
0xb3: {  	[sflag:s17] =	ssyncset.done $0x0  }
0xb4: {  	s31 =	sadd.s32 $0x14100, s28;
	[sflag:s17] =	ssyncadd.s32 $0xFFFFC000  }
0xb5: {  	[tilespmem:s16], [sflag:$0x1] =	stream.indirect.gather [hbm4b:s0+s20], $0x80, s31, s20, $0xb8;
	[tilespmem:$0x1E800] =	vst v63  }
0xb6: {  	_ =	swait.ge [sflag:s23], $0x4000  }
0xb7: {  	[sflag:s23] =	ssyncset.done $0x0  }
0xb8: {  	s29 =	sadd.s32 $0x15480, s28;
	[sflag:s23] =	ssyncadd.s32 $0xFFFFC000  }
0xb9: {  	[spmem:s3] =	stream.indirect.scatter.add.f32 [tilespmem:s21], [sflag:$0x3], $0x80, s29, s20, $0xb8;
	[tilespmem:$0x1E800] =	vst v63  }
0xba: {  	_ =	swait.ge [sflag:s17], $0x4000  }
0xbb: {  	[sflag:s17] =	ssyncset.done $0x0  }
0xbc: {  	[sflag:s17] =	ssyncadd.s32 $0xFFFFC000  }
0xbd: {  	[tilespmem:s21], [sflag:$0x2] =	stream.indirect.gather [hbm4b:s0+s20], $0x80, s24, s20, $0xb8;
	[tilespmem:$0x1E800] =	vst v63  }
0xbe: {  	_ =	swait.ge [sflag:s22], $0x4000  }
0xbf: {  	[sflag:s22] =	ssyncset.done $0x0  }
0xc0: {  	[sflag:s22] =	ssyncadd.s32 $0xFFFFC000  }
0xc1: {  	[spmem:s3] =	stream.indirect.scatter.add.f32 [tilespmem:s16], [sflag:$0x3], $0x80, s25, s20, $0xb8;
	[tilespmem:$0x1E800] =	vst v63  }
0xc2: {  	_ =	swait.ge [sflag:s17], $0x4000  }
0xc3: {  	[sflag:s17] =	ssyncset.done $0x0  }
0xc4: {  	[sflag:s17] =	ssyncadd.s32 $0xFFFFC000  }
0xc5: {  	_ =	swait.ge [sflag:s23], $0x4000  }
0xc6: {  	[sflag:s23] =	ssyncset.done $0x0  }
0xc7: {  	[sflag:s23] =	ssyncadd.s32 $0xFFFFC000  }
0xc8: {  	[spmem:s3] =	stream.indirect.scatter.add.f32 [tilespmem:s21], [sflag:$0x3], $0x80, s26, s20, $0xb8;
	[tilespmem:$0x1E800] =	vst v63  }
0xc9: {  	_ =	swait.ge [sflag:s17], $0x4000  }
0xca: {  	s4 =	sadd.s32 $0x1, s4;
	s30 =	sshll.u32 s2, $0x6;
	[sflag:s17] =	ssyncset.done $0x0  }
0xcb: {  	p0 =	sne.s32 s4, s15;
	s1 =	sor.u32 $0x1C03, s30;
	[sflag:s17] =	ssyncadd.s32 $0xFFFFC000  }
.Ltmp3:
0xcc: {  	s31 =	sshrl.u32 s5, $0x3;
	[bflag:$0x0] =	sbarrier.arrive $0xFFFF;
	(pc) =	sbr.rel @p0 .LBB2_1-.Ltmp3, $4  }
0xcd: {  	[hbm:s14], [sflag:s1] =	dma.local [spmem:s31], $0x2800  }
0xce: {  	_ =	swait.ge [sflag:s17], $0x2800  }
0xcf: {  	[sflag:s17] =	ssyncset.done $0x0  }
0xd0: {  	[sflag:s17] =	ssyncadd.s32 $0xFFFFD800  }
0xd1: {  	_ =	sfence.sel $0x180000  }
0xd2: {  	[bflag:$0x0] =	sbarrier.arrive $0xFFFF  }
0xd3: {  	_ =	strace $0x9000004D  }
0xd4: {  	[bflag:$0x2] =	sbarrier.arrive $0xFFFF  }
0xd5: {  	p0 =	sne.s32 s2, $0x0;
	s0 =	rddreg [dreg:$0x3]  }
0xd6: {  	s0 =	sadd.s32 @!p0 $0x100000, s0  }
0xd7: {  	[sflag:s0] =	ssyncadd.tile.s32 @!p0 $0x1;
	_ =	shalt  }
.Lfunc_end2:
_tile_overlayer_lowered:
.L_overlay_start_2:
0xd8: {  	(tag) =	ssettag $0x2  }
0xd9: {  	s0 =	rddreg [dreg:$0x0];
	s2 =	stileid.u32  }
0xda: {  	s1 =	rddreg [dreg:$0x1];
	p0 =	sne.s32 s2, $0x0  }
0xdb: {  	s3 =	rddreg [dreg:$0x2];
	[bflag:$0x3] =	sbarrier.arrive $0xFFFF;
	s2 =	simm.s32 @!p0 $0x1C03  }
0xdc: {  	[timem:s3], [sflag:s2] =	dma.local @!p0 [hbm:s0], s1  }
0xdd: {  	s0 =	simm.s32 @!p0 $0x3  }
0xde: {  	_ =	swait.ge @!p0 [sflag:s0], s1  }
0xdf: {  	s1 =	ssub.s32 @!p0 $0x0, s1;
	[sflag:s0] =	ssyncset.done @!p0 $0x0  }
0xe0: {  	[sflag:s0] =	ssyncadd.s32 @!p0 s1  }
0xe1: {  	[bflag:$0x3] =	sbarrier.arrive $0xFFFF  }
0xe2: {  	_ =	shalt  }

// kernel: kernel.9.cloned.1.call-start
scs
__scs_entry_jumppad:
0x0: {  	(pc) =	sbr.rel $0x88, $3  }
0x1: {  	(tag) =	ssettag $0x0;
	lr =	simm.s32 $0x1  }
0x2: {  	[smem:$0x3F99] =	sst lr;
	_ =	strace $0xD0000000  }
0x3: {  	_ = 	snop  }
0x4: {  	_ = 	snop  }
0x5: {  	_ = 	snop  }
0x6: {  	_ = 	snop  }
0x7: {  	_ = 	snop  }
__scs_overlays_trampoline_lowered:
0x8: {  	[smem:$0x3FA8] =	sst s0  }
0x9: {  	[smem:$0x3FA9] =	sst s1  }
0xa: {  	[smem:$0x3FAA] =	sst s2  }
0xb: {  	[smem:$0x3FAB] =	sst s3  }
0xc: {  	[smem:$0x3FAC] =	sst s4  }
0xd: {  	[smem:$0x3FAD] =	sst s5  }
0xe: {  	[smem:$0x3FAE] =	sst s6  }
0xf: {  	[smem:$0x3FAF] =	sst s7  }
0x10: {  	[smem:$0x3FB0] =	sst s8  }
0x11: {  	[smem:$0x3FB1] =	sst s9;
	s0 =	simm.s32 @!p0 $0x0  }
0x12: {  	s1 =	sld [smem:$0x3F97];
	s0 =	simm.s32 @p0 $0x1  }
0x13: {  	[smem:$0x3FB2] =	sst s0;
	s0 =	simm.s32 @!p1 $0x0  }
0x14: {  	s2 =	sld [smem:$0x3F96];
	s0 =	simm.s32 @p1 $0x1  }
0x15: {  	[smem:$0x3FB3] =	sst s0;
	s0 =	simm.s32 @!p2 $0x0  }
0x16: {  	s3 =	sld [smem:$0x3FDB];
	s0 =	simm.s32 @p2 $0x1  }
0x17: {  	s4 =	simm.s32 $0x1BF5;
	[smem:$0x3FB5] =	sst s0  }
0x18: {  	s0 =	sld [smem:$0x3F98];
	_ =	swait.ge [sflag:s4], $0x0  }
0x19: {  	s7 =	sld [smem:$0x3F99]  }
0x1a: {  	s8 =	sadd.s32 $0xFFFFE003, lr  }
0x1b: {  	s9 =	sadd.s32 $0xFFFFFEF7, lr;
	s5 =	simm.s32 $0xFFFFFFFF;
	p2 =	slt.u32 s8, $0xFFFFF086  }
0x1c: {  	p1 =	slt.u32 s9, $0xF7A;
	s5 =	simm.s32 @!p2 $0x0  }
0x1d: {  	s5 =	simm.s32 @p1 $0x1;
	p0 =	seq.s32 s7, s2  }
0x1e: {  	s7 =	smul.u32 @!p0 $0xF7A, s2;
	p2 =	seq.s32 @!p0 s5, $0x0  }
0x1f: {  	s9 =	smul.u32 $0xF7A, s1;
	s8 =	simm.s32 @!p0 $0x1BF5;
	p2 =	por !p2, p0  }
0x20: {  	[sflag:s8] =	ssyncset.s32 @!p0 $0xFFFFF086;
	s6 =	sadd.s32 @!p0 s3, s7;
	s7 =	simm.s32 @!p0 $0x108  }
0x21: {  	s3 =	sadd.s32 s3, s9;
	s6 =	sadd.s32 @!p0 $0x88, s6;
	s7 =	simm.s32 @p2 $0x1082  }
0x22: {  	[simem:s7], [sflag:s8] =	dma.local @!p0 [hbm:s6], $0xF7A  }
0x23: {  	s9 =	sor.u32 $0xD0000000, s2;
	s6 =	simm.s32 $0x108;
	_ =	swait.ge @!p0 [sflag:s8], $0x0  }
0x24: {  	s3 =	sadd.s32 $0x88, s3;
	s6 =	simm.s32 @!p1 $0x1082;
	[sflag:s4] =	ssyncset.s32 $0xFFFFF086  }
0x25: {  	[simem:s6], [sflag:s4] =	dma.local [hbm:s3], $0xF7A  }
0x26: {  	[smem:$0x3F99] =	sst s1;
	(tag) =	ssettag s2;
	_ =	strace s9  }
0x27: {  	s1 =	sld [smem:$0x3FA9]  }
0x28: {  	s2 =	sld [smem:$0x3FAA]  }
0x29: {  	s4 =	sld [smem:$0x3FAC]  }
0x2a: {  	p0 =	seq.s32 s5, $0x0;
	s5 =	sld [smem:$0x3FAD]  }
0x2b: {  	s6 =	sld [smem:$0x3FAE]  }
0x2c: {  	s7 =	sld [smem:$0x3FAF]  }
0x2d: {  	s3 =	simm.s32 $0x108;
	s8 =	sld [smem:$0x3FB0]  }
0x2e: {  	s3 =	simm.s32 @!p0 $0x1082;
	s9 =	sld [smem:$0x3FB1]  }
0x2f: {  	lr =	sadd.s32 s0, s3;
	s0 =	sld [smem:$0x3FA8]  }
0x30: {  	s3 =	sld [smem:$0x3FAB]  }
0x31: {  	[smem:$0x3FB4] =	sst s10  }
0x32: {  	s10 =	sld [smem:$0x3FB2];
	_ =	sdelay $0x3  }
0x33: {  	p0 =	seq.s32 s10, $0x1;
	s10 =	sld [smem:$0x3FB4];
	_ =	sdelay $0x3  }
0x34: {  	[smem:$0x3FB4] =	sst s10  }
0x35: {  	s10 =	sld [smem:$0x3FB3];
	_ =	sdelay $0x3  }
0x36: {  	p1 =	seq.s32 s10, $0x1;
	s10 =	sld [smem:$0x3FB4];
	_ =	sdelay $0x3  }
0x37: {  	[smem:$0x3FB4] =	sst s10  }
0x38: {  	s10 =	sld [smem:$0x3FB5]  }
0x39: {  	_ = 	snop;
	(pc) =	sbr.ind lr, $3  }
0x3a: {  	_ = 	snop  }
0x3b: {  	_ = 	snop  }
0x3c: {  	p2 =	seq.s32 s10, $0x1;
	s10 =	sld [smem:$0x3FB4]  }
0x3d: {  	_ =	shalt  }
0x3e: {  	_ =	shalt  }
0x3f: {  	_ =	shalt  }
0x40: {  	_ =	shalt  }
0x41: {  	_ =	shalt  }
0x42: {  	_ =	shalt  }
0x43: {  	_ =	shalt  }
0x44: {  	_ =	shalt  }
0x45: {  	_ =	shalt  }
0x46: {  	_ =	shalt  }
0x47: {  	_ =	shalt  }
0x48: {  	_ =	shalt  }
0x49: {  	_ =	shalt  }
0x4a: {  	_ =	shalt  }
0x4b: {  	_ =	shalt  }
0x4c: {  	_ =	shalt  }
0x4d: {  	_ =	shalt  }
0x4e: {  	_ =	shalt  }
0x4f: {  	_ =	shalt  }
0x50: {  	_ =	shalt  }
0x51: {  	_ =	shalt  }
0x52: {  	_ =	shalt  }
0x53: {  	_ =	shalt  }
0x54: {  	_ =	shalt  }
0x55: {  	_ =	shalt  }
0x56: {  	_ =	shalt  }
0x57: {  	_ =	shalt  }
0x58: {  	_ =	shalt  }
0x59: {  	_ =	shalt  }
0x5a: {  	_ =	shalt  }
0x5b: {  	_ =	shalt  }
0x5c: {  	_ =	shalt  }
0x5d: {  	_ =	shalt  }
0x5e: {  	_ =	shalt  }
0x5f: {  	_ =	shalt  }
0x60: {  	_ =	shalt  }
0x61: {  	_ =	shalt  }
0x62: {  	_ =	shalt  }
0x63: {  	_ =	shalt  }
0x64: {  	_ =	shalt  }
0x65: {  	_ =	shalt  }
0x66: {  	_ =	shalt  }
0x67: {  	_ =	shalt  }
0x68: {  	_ =	shalt  }
0x69: {  	_ =	shalt  }
0x6a: {  	_ =	shalt  }
0x6b: {  	_ =	shalt  }
0x6c: {  	_ =	shalt  }
0x6d: {  	_ =	shalt  }
0x6e: {  	_ =	shalt  }
0x6f: {  	_ =	shalt  }
0x70: {  	_ =	shalt  }
0x71: {  	_ =	shalt  }
0x72: {  	_ =	shalt  }
0x73: {  	_ =	shalt  }
0x74: {  	_ =	shalt  }
0x75: {  	_ =	shalt  }
0x76: {  	_ =	shalt  }
0x77: {  	_ =	shalt  }
0x78: {  	_ =	shalt  }
0x79: {  	_ =	shalt  }
0x7a: {  	_ =	shalt  }
0x7b: {  	_ =	shalt  }
0x7c: {  	_ =	shalt  }
0x7d: {  	_ =	shalt  }
0x7e: {  	_ =	shalt  }
0x7f: {  	_ =	shalt  }
0x80: {  	_ =	shalt  }
0x81: {  	_ =	shalt  }
0x82: {  	_ =	shalt  }
0x83: {  	_ =	shalt  }
0x84: {  	_ =	shalt  }
0x85: {  	_ =	shalt  }
0x86: {  	_ =	shalt  }
0x87: {  	_ =	shalt  }
.Lfunc_end0:
.L_simem_size_0:
called_computation_lowered:
.L_overlay_start_0:
0x88: {  	s2 =	sld [smem:$0x3FD9]  }
0x89: {  	s3 =	sld [smem:$0x3FFE];
	_ =	sdelay $0x1  }
0x8a: {  	s1 =	srdreg.scid  }
0x8b: {  	s0 =	sand.u32 $0x1, s1  }
0x8c: {  	s17 =	sshll.u32 s0, $0xA;
	s2 =	sadd.s32 s3, s2  }
0x8d: {  	s2 =	sadd.s32 s2, s17  }
0x8e: {  	[smem:$0x3FC0] =	sst s2  }
0x8f: {  	_ = 	snop  }
0x90: {  	s2 =	sld [smem:$0x3FD0];
	(tm) =	ssettm $0x1  }
0x91: {  	s18 =	sld [smem:$0x3FFB];
	_ =	sdelay $0x3  }
0x92: {  	_ =	strace s18  }
0x93: {  	s3 =	sld [smem:$0x3FFC];
	_ =	sdelay $0x3  }
0x94: {  	_ =	strace s3  }
0x95: {  	s3 =	sld [smem:$0x3FFD];
	_ =	sdelay $0x3  }
0x96: {  	_ =	strace s3  }
0x97: {  	_ =	strace $0x8FFFFFFF  }
0x98: {  	s19 =	sld [smem:$0x3FDB];
	_ =	sdelay $0x1  }
0x99: {  	s4 =	simm.s32 $_scs_section_size  }
0x9a: {  	s5 =	simm.s32 $_size__tile_overlayer_lowered;
	s6 =	simm.s32 $_tile_overlayer_lowered  }
0x9b: {  	s22 =	simm.s32 $0x1BFF;
	s21 =	sshll.u32 s6, $0x1;
	s3 =	sadd.s32 s4, s19  }
0x9c: {  	s7 =	simm.s32 $0x0;
	s20 =	sshll.u32 s5, $0x1;
	s5 =	sadd.s32 s21, s3  }
0x9d: {  	[timem:s7], [sflag:s22] =	dma.local [hbm:s5], s20  }
0x9e: {  	_ =	swait.ge [sflag:s22], s20  }
0x9f: {  	s4 =	ssub.s32 $0x0, s20;
	[sflag:s22] =	ssyncset.done $0x0  }
0xa0: {  	[sflag:s22] =	ssyncadd.s32 s4;
	_ =	sdelay $0x1  }
0xa1: {  	s23 =	simm.s32 $0x1B8B  }
0xa2: {  	_ =	swait.ge [sflag:s23], $0x1  }
0xa3: {  	[sflag:s23] =	ssyncset.done $0x0  }
0xa4: {  	s25 =	simm.s32 $0x1B8E;
	s24 =	sld [smem:$0x3FFE];
	[sflag:s23] =	ssyncadd.s32 $0xFFFFFFFF  }
0xa5: {  	s26 =	simm.s32 $execute0_lowered;
	[smem:$0x3FD2] =	sst s25  }
0xa6: {  	s5 =	sshll.u32 s26, $0x1;
	_ =	strace $0x80000046;
	[dreg:$0x1] =	wrdreg $0xFFFFFFFF  }
0xa7: {  	s28 =	simm.s32 $_size_execute0_lowered;
	s3 =	sadd.s32 s3, s5;
	[dreg:$0x0] =	wrdreg $0x0  }
0xa8: {  	s5 =	sshll.u32 s28, $0x1;
	[dreg:$0x2] =	wrdreg s3  }
0xa9: {  	[dreg:$0x3] =	wrdreg s5  }
0xaa: {  	[dreg:$0x4] =	wrdreg $0xC0  }
0xab: {  	_ =	task [dreg:s7], $0x5FFFF  }
0xac: {  	[dreg:$0x1] =	wrdreg $0xFFFFFFFF  }
0xad: {  	[dreg:$0x0] =	wrdreg $0x60  }
0xae: {  	[dreg:$0x2] =	wrdreg s2  }
0xaf: {  	[dreg:$0x3] =	wrdreg s24  }
0xb0: {  	[dreg:$0x4] =	wrdreg $0x0  }
0xb1: {  	[dreg:$0x5] =	wrdreg $0x9  }
0xb2: {  	_ =	task.clear_ibuf [dreg:s7], $0x6FFFF;
	_ =	strace $0x90000046  }
0xb3: {  	s29 =	simm.s32 $0x9;
	_ =	strace $0x80000048  }
0xb4: {  	_ =	swait.ge [sflag:s29], $0x1  }
0xb5: {  	[sflag:s29] =	ssyncadd.s32 $0xFFFFFFFF  }
0xb6: {  	_ =	strace $0x90000048  }
0xb7: {  	_ =	sfence  }
0xb8: {  	s30 =	sld [smem:$0x0];
	_ =	sdelay $0x2  }
0xb9: {  	s31 =	sshll.u32 s1, $0xD;
	s1 =	sshrl.u32 s1, $0x2  }
0xba: {  	s3 =	sand.u32 $0x4000, s31;
	s1 =	sadd.s32 s1, s30  }
0xbb: {  	s0 =	sor.u32 s3, s0;
	s1 =	sshll.u32 s1, $0x11  }
0xbc: {  	s0 =	sor.u32 s1, s0  }
0xbd: {  	s0 =	sadd.s32 $0x8F2B, s0  }
0xbe: {  	[sflag:s0] =	ssyncadd.remote.s32 $0x1  }
0xbf: {  	_ =	sfence.sel $0xFFFF  }
0xc0: {  	[dreg:$0x0] =	wrdreg $0xFFFFFFFF;
	(pc) =	sbr.abs _section_cstart, $3  }
0xc1: {  	[dreg:$0x1] =	wrdreg $0xFFFFFFFF  }
0xc2: {  	_ =	task.clear_ibuf [dreg:s7], $0x2FFFF;
	_ =	strace $0x9FFFFFFF  }
0xc3: {  	(tm) =	ssettm $0x7FFFFFFF  }
tec
execute0_lowered:
.L_overlay_start_1:
0x0: {  	(tag) =	ssettag $0x1  }
0x1: {  	s0 =	rddreg [dreg:$0x0]  }
0x2: {  	s5 =	rddreg [dreg:$0x1];
	s1 =	srdreg.scid  }
0x3: {  	s3 =	rddreg [dreg:$0x2];
	s2 =	stileid.u32;
	s4 =	simm.s32 $0x0  }
0x4: {  	s17 =	simm.s32 $0x3;
	s18 =	simm.s32 $0x14000;
	s19 =	simm.s32 $0x15400  }
0x5: {  	s20 =	simm.s32 $0x80;
	s21 =	simm.s32 $0x1A800;
	s22 =	simm.s32 $0x1  }
0x6: {  	s23 =	simm.s32 $0x2;
	s24 =	simm.s32 $0x15380;
	s25 =	simm.s32 $0x16700  }
0x7: {  	s6 =	sand.u32 $0x1, s1;
	s8 =	smul.u32 $0x14000, s2;
	[smem:$0x7FF] =	sst s4  }
0x8: {  	s12 =	sadd.s32 $0xC400, s5;
	s26 =	smul.u32 $0x50000, s2;
	s13 =	sadd.s32 $0x2400, s5  }
0x9: {  	s28 =	sshll.u32 s2, $0x1;
	s7 =	smul.u32 $0x140000, s6;
	_ =	strace $0x80000047  }
0xa: {  	s29 =	ssub.s32 $0x2, s6;
	s6 =	sor.u32 s6, s28;
	s30 =	sshrl.u32 s26, $0x2  }
0xb: {  	s31 =	sshrl.u32 s29, $0x1;
	s10 =	smul.u32 $0x2800, s6;
	s7 =	sadd.s32 s8, s7  }
0xc: {  	s26 =	simm.s32 $0x16780;
	s15 =	ssub.s32 s29, s31;
	s7 =	sshrl.u32 s7, $0x3  }
0xd: {  	s16 =	sshrl.u32 s10, $0x3;
	s15 =	smax.u32 s15, $0x1;
	s14 =	sadd.s32 s7, s5  }
0xe: {  	s5 =	sadd.s32 s30, s3;
	s10 =	sadd.s32 s12, s16;
	s11 =	sadd.s32 s13, s16  }
0xf: {  	s16 =	sadd.s32 $0x280, s16;
	s6 =	sadd.s32 $0x4000, s5;
	s7 =	sadd.s32 $0x8000, s5  }
0x10: {  	s8 =	sadd.s32 $0xC000, s5;
	s9 =	sadd.s32 $0x10000, s5;
	s12 =	sadd.s32 s12, s16  }
0x11: {  	v0 =	vimm.f32 $0.0e+00;
	s13 =	sadd.s32 s13, s16;
	s14 =	sadd.s32 $0x16400, s14;
	s16 =	simm.s32 $0x16800  }
.LBB2_1:
0x12: {  	s28 =	simm.s32 $0x0;
	s29 =	simm.s32 $0x200  }
.LBB2_2:
0x13: {  	p0 =	sne.s32 s29, $0xFE00;
	[tilespmem:s28+$0x16870] =	vst v0  }
0x14: {  	[tilespmem:s28+$0x16800] =	vst v0  }
0x15: {  	[tilespmem:s28+$0x16810] =	vst v0  }
.Ltmp0:
0x16: {  	[tilespmem:s28+$0x16820] =	vst v0;
	(pc) =	sbr.rel @p0 .LBB2_2-.Ltmp0, $4  }
0x17: {  	[tilespmem:s28+$0x16830] =	vst v0  }
0x18: {  	[tilespmem:s28+$0x16840] =	vst v0  }
0x19: {  	[tilespmem:s28+$0x16850] =	vst v0  }
0x1a: {  	[tilespmem:s28+$0x16860] =	vst v0;
	s28 =	sshra.s32 s29, $0x2;
	s29 =	sadd.s32 $0x200, s29  }
0x1b: {  	[tilespmem:s28+$0x16870] =	vst v0  }
0x1c: {  	[tilespmem:s28+$0x16800] =	vst v0  }
0x1d: {  	[tilespmem:s28+$0x16810] =	vst v0  }
0x1e: {  	[tilespmem:s28+$0x16820] =	vst v0  }
0x1f: {  	[tilespmem:s28+$0x16830] =	vst v0  }
0x20: {  	[tilespmem:s28+$0x16840] =	vst v0  }
0x21: {  	[tilespmem:s28+$0x16850] =	vst v0  }
0x22: {  	[tilespmem:s28+$0x16860] =	vst v0  }
0x23: {  	[spmem:s5] =	stream.linear.scatter [tilespmem:s16], [sflag:$0x3], $0x4000, $0x38;
	[tilespmem:$0x1E800] =	vst v63  }
0x24: {  	_ =	swait.ge [sflag:s17], $0x4000  }
0x25: {  	[sflag:s17] =	ssyncset.done $0x0  }
0x26: {  	[sflag:s17] =	ssyncadd.s32 $0xFFFFC000  }
0x27: {  	[spmem:s6] =	stream.linear.scatter [tilespmem:s16], [sflag:$0x3], $0x4000, $0x38;
	[tilespmem:$0x1E800] =	vst v63  }
0x28: {  	_ =	swait.ge [sflag:s17], $0x4000  }
0x29: {  	[sflag:s17] =	ssyncset.done $0x0  }
0x2a: {  	[sflag:s17] =	ssyncadd.s32 $0xFFFFC000  }
0x2b: {  	[spmem:s7] =	stream.linear.scatter [tilespmem:s16], [sflag:$0x3], $0x4000, $0x38;
	[tilespmem:$0x1E800] =	vst v63  }
0x2c: {  	_ =	swait.ge [sflag:s17], $0x4000  }
0x2d: {  	[sflag:s17] =	ssyncset.done $0x0  }
0x2e: {  	[sflag:s17] =	ssyncadd.s32 $0xFFFFC000  }
0x2f: {  	[spmem:s8] =	stream.linear.scatter [tilespmem:s16], [sflag:$0x3], $0x4000, $0x38;
	[tilespmem:$0x1E800] =	vst v63  }
0x30: {  	_ =	swait.ge [sflag:s17], $0x4000  }
0x31: {  	[sflag:s17] =	ssyncset.done $0x0  }
0x32: {  	[sflag:s17] =	ssyncadd.s32 $0xFFFFC000  }
0x33: {  	[spmem:s9] =	stream.linear.scatter [tilespmem:s16], [sflag:$0x3], $0x4000, $0x38;
	[tilespmem:$0x1E800] =	vst v63  }
0x34: {  	_ =	swait.ge [sflag:s17], $0x4000  }
0x35: {  	[sflag:s17] =	ssyncset.done $0x0  }
0x36: {  	[sflag:s17] =	ssyncadd.s32 $0xFFFFC000  }
0x37: {  	s28 =	simm.s32 $0x0;
	[bflag:$0x0] =	sbarrier.arrive $0xFFFF  }
0x38: {  	[tilespmem:s18], [sflag:$0x3] =	stream.linear.gather [hbm4b:s10+s28], $0x1400, $0x38;
	[tilespmem:$0x1E800] =	vst v63  }
0x39: {  	_ =	swait.ge [sflag:s17], $0x1400  }
0x3a: {  	[sflag:s17] =	ssyncset.done $0x0  }
0x3b: {  	[sflag:s17] =	ssyncadd.s32 $0xFFFFEC00  }
0x3c: {  	[tilespmem:s19], [sflag:$0x3] =	stream.linear.gather [hbm4b:s11+s28], $0x1400, $0x38;
	[tilespmem:$0x1E800] =	vst v63  }
0x3d: {  	_ =	swait.ge [sflag:s17], $0x1400  }
0x3e: {  	[sflag:s17] =	ssyncset.done $0x0  }
0x3f: {  	[sflag:s17] =	ssyncadd.s32 $0xFFFFEC00  }
0x40: {  	[tilespmem:s16], [sflag:$0x1] =	stream.indirect.gather [hbm4b:s0+s20], $0x80, s18, s20, $0xb8;
	[tilespmem:$0x1E800] =	vst v63  }
0x41: {  	s28 =	simm.s32 $0x14080  }
0x42: {  	[tilespmem:s21], [sflag:$0x2] =	stream.indirect.gather [hbm4b:s0+s20], $0x80, s28, s20, $0xb8;
	[tilespmem:$0x1E800] =	vst v63  }
0x43: {  	_ =	swait.ge [sflag:s22], $0x4000  }
0x44: {  	[sflag:s22] =	ssyncset.done $0x0  }
0x45: {  	s28 =	simm.s32 $0x15400;
	[sflag:s22] =	ssyncadd.s32 $0xFFFFC000  }
0x46: {  	[spmem:s3] =	stream.indirect.scatter.add.f32 [tilespmem:s16], [sflag:$0x3], $0x80, s28, s20, $0xb8;
	[tilespmem:$0x1E800] =	vst v63  }
0x47: {  	_ =	swait.ge [sflag:s17], $0x4000  }
0x48: {  	[sflag:s17] =	ssyncset.done $0x0  }
0x49: {  	s28 =	simm.s32 $0x14100;
	[sflag:s17] =	ssyncadd.s32 $0xFFFFC000  }
0x4a: {  	[tilespmem:s16], [sflag:$0x1] =	stream.indirect.gather [hbm4b:s0+s20], $0x80, s28, s20, $0xb8;
	[tilespmem:$0x1E800] =	vst v63  }
0x4b: {  	_ =	swait.ge [sflag:s23], $0x4000  }
0x4c: {  	[sflag:s23] =	ssyncset.done $0x0  }
0x4d: {  	s28 =	simm.s32 $0x15480;
	[sflag:s23] =	ssyncadd.s32 $0xFFFFC000  }
0x4e: {  	[spmem:s3] =	stream.indirect.scatter.add.f32 [tilespmem:s21], [sflag:$0x3], $0x80, s28, s20, $0xb8;
	[tilespmem:$0x1E800] =	vst v63  }
0x4f: {  	_ =	swait.ge [sflag:s17], $0x4000  }
0x50: {  	s29 =	simm.s32 $0x800;
	s28 =	simm.s32 $0x100;
	[sflag:s17] =	ssyncset.done $0x0  }
.LBB2_4:
0x51: {  	s30 =	sadd.s32 $0x14080, s28  }
0x52: {  	[sflag:s17] =	ssyncadd.s32 $0xFFFFC000;
	s31 =	smov.u32 s29;
	s1 =	sadd.s32 $0x400, s29  }
0x53: {  	[tilespmem:s21], [sflag:$0x2] =	stream.indirect.gather [hbm4b:s0+s20], $0x80, s30, s20, $0xb8;
	[tilespmem:$0x1E800] =	vst v63  }
0x54: {  	p0 =	sne.s32 s29, $0x4800;
	_ =	swait.ge [sflag:s22], $0x4000  }
0x55: {  	[sflag:s22] =	ssyncset.done $0x0  }
0x56: {  	s29 =	sadd.s32 $0x15400, s28;
	[sflag:s22] =	ssyncadd.s32 $0xFFFFC000  }
0x57: {  	[spmem:s3] =	stream.indirect.scatter.add.f32 [tilespmem:s16], [sflag:$0x3], $0x80, s29, s20, $0xb8;
	[tilespmem:$0x1E800] =	vst v63  }
0x58: {  	_ =	swait.ge [sflag:s17], $0x4000  }
0x59: {  	[sflag:s17] =	ssyncset.done $0x0  }
0x5a: {  	s29 =	sadd.s32 $0x14100, s28;
	[sflag:s17] =	ssyncadd.s32 $0xFFFFC000  }
0x5b: {  	[tilespmem:s16], [sflag:$0x1] =	stream.indirect.gather [hbm4b:s0+s20], $0x80, s29, s20, $0xb8;
	[tilespmem:$0x1E800] =	vst v63  }
0x5c: {  	_ =	swait.ge [sflag:s23], $0x4000  }
.Ltmp1:
0x5d: {  	[sflag:s23] =	ssyncset.done $0x0;
	(pc) =	sbr.rel @p0 .LBB2_4-.Ltmp1, $4  }
0x5e: {  	s28 =	sadd.s32 $0x15480, s28;
	[sflag:s23] =	ssyncadd.s32 $0xFFFFC000  }
0x5f: {  	[spmem:s3] =	stream.indirect.scatter.add.f32 [tilespmem:s21], [sflag:$0x3], $0x80, s28, s20, $0xb8;
	[tilespmem:$0x1E800] =	vst v63  }
0x60: {  	_ =	swait.ge [sflag:s17], $0x4000  }
0x61: {  	s29 =	smov.u32 s1;
	s28 =	sshra.s32 s31, $0x2;
	[sflag:s17] =	ssyncset.done $0x0  }
0x62: {  	s1 =	sadd.s32 $0x14080, s28;
	[sflag:s17] =	ssyncadd.s32 $0xFFFFC000  }
0x63: {  	[tilespmem:s21], [sflag:$0x2] =	stream.indirect.gather [hbm4b:s0+s20], $0x80, s1, s20, $0xb8;
	[tilespmem:$0x1E800] =	vst v63  }
0x64: {  	_ =	swait.ge [sflag:s22], $0x4000  }
0x65: {  	[sflag:s22] =	ssyncset.done $0x0  }
0x66: {  	s30 =	sadd.s32 $0x15400, s28;
	[sflag:s22] =	ssyncadd.s32 $0xFFFFC000  }
0x67: {  	[spmem:s3] =	stream.indirect.scatter.add.f32 [tilespmem:s16], [sflag:$0x3], $0x80, s30, s20, $0xb8;
	[tilespmem:$0x1E800] =	vst v63  }
0x68: {  	_ =	swait.ge [sflag:s17], $0x4000  }
0x69: {  	[sflag:s17] =	ssyncset.done $0x0  }
0x6a: {  	s31 =	sadd.s32 $0x14100, s28;
	[sflag:s17] =	ssyncadd.s32 $0xFFFFC000  }
0x6b: {  	[tilespmem:s16], [sflag:$0x1] =	stream.indirect.gather [hbm4b:s0+s20], $0x80, s31, s20, $0xb8;
	[tilespmem:$0x1E800] =	vst v63  }
0x6c: {  	_ =	swait.ge [sflag:s23], $0x4000  }
0x6d: {  	[sflag:s23] =	ssyncset.done $0x0  }
0x6e: {  	s30 =	sadd.s32 $0x15480, s28;
	[sflag:s23] =	ssyncadd.s32 $0xFFFFC000  }
0x6f: {  	[spmem:s3] =	stream.indirect.scatter.add.f32 [tilespmem:s21], [sflag:$0x3], $0x80, s30, s20, $0xb8;
	[tilespmem:$0x1E800] =	vst v63  }
0x70: {  	_ =	swait.ge [sflag:s17], $0x4000  }
0x71: {  	[sflag:s17] =	ssyncset.done $0x0  }
0x72: {  	[sflag:s17] =	ssyncadd.s32 $0xFFFFC000  }
0x73: {  	[tilespmem:s21], [sflag:$0x2] =	stream.indirect.gather [hbm4b:s0+s20], $0x80, s24, s20, $0xb8;
	[tilespmem:$0x1E800] =	vst v63  }
0x74: {  	_ =	swait.ge [sflag:s22], $0x4000  }
0x75: {  	[sflag:s22] =	ssyncset.done $0x0  }
0x76: {  	[sflag:s22] =	ssyncadd.s32 $0xFFFFC000  }
0x77: {  	[spmem:s3] =	stream.indirect.scatter.add.f32 [tilespmem:s16], [sflag:$0x3], $0x80, s25, s20, $0xb8;
	[tilespmem:$0x1E800] =	vst v63  }
0x78: {  	_ =	swait.ge [sflag:s17], $0x4000  }
0x79: {  	[sflag:s17] =	ssyncset.done $0x0  }
0x7a: {  	[sflag:s17] =	ssyncadd.s32 $0xFFFFC000  }
0x7b: {  	_ =	swait.ge [sflag:s23], $0x4000  }
0x7c: {  	[sflag:s23] =	ssyncset.done $0x0  }
0x7d: {  	[sflag:s23] =	ssyncadd.s32 $0xFFFFC000  }
0x7e: {  	[spmem:s3] =	stream.indirect.scatter.add.f32 [tilespmem:s21], [sflag:$0x3], $0x80, s26, s20, $0xb8;
	[tilespmem:$0x1E800] =	vst v63  }
0x7f: {  	_ =	swait.ge [sflag:s17], $0x4000  }
0x80: {  	[sflag:s17] =	ssyncset.done $0x0  }
0x81: {  	s31 =	simm.s32 $0x0;
	[sflag:s17] =	ssyncadd.s32 $0xFFFFC000  }
0x82: {  	[tilespmem:s18], [sflag:$0x3] =	stream.linear.gather [hbm4b:s12+s31], $0x1400, $0x38;
	[tilespmem:$0x1E800] =	vst v63  }
0x83: {  	_ =	swait.ge [sflag:s17], $0x1400  }
0x84: {  	[sflag:s17] =	ssyncset.done $0x0  }
0x85: {  	[sflag:s17] =	ssyncadd.s32 $0xFFFFEC00  }
0x86: {  	[tilespmem:s19], [sflag:$0x3] =	stream.linear.gather [hbm4b:s13+s31], $0x1400, $0x38;
	[tilespmem:$0x1E800] =	vst v63  }
0x87: {  	_ =	swait.ge [sflag:s17], $0x1400  }
0x88: {  	[sflag:s17] =	ssyncset.done $0x0  }
0x89: {  	[sflag:s17] =	ssyncadd.s32 $0xFFFFEC00  }
0x8a: {  	[tilespmem:s16], [sflag:$0x1] =	stream.indirect.gather [hbm4b:s0+s20], $0x80, s18, s20, $0xb8;
	[tilespmem:$0x1E800] =	vst v63  }
0x8b: {  	s30 =	simm.s32 $0x14080  }
0x8c: {  	[tilespmem:s21], [sflag:$0x2] =	stream.indirect.gather [hbm4b:s0+s20], $0x80, s30, s20, $0xb8;
	[tilespmem:$0x1E800] =	vst v63  }
0x8d: {  	_ =	swait.ge [sflag:s22], $0x4000  }
0x8e: {  	[sflag:s22] =	ssyncset.done $0x0  }
0x8f: {  	s31 =	simm.s32 $0x15400;
	[sflag:s22] =	ssyncadd.s32 $0xFFFFC000  }
0x90: {  	[spmem:s3] =	stream.indirect.scatter.add.f32 [tilespmem:s16], [sflag:$0x3], $0x80, s31, s20, $0xb8;
	[tilespmem:$0x1E800] =	vst v63  }
0x91: {  	_ =	swait.ge [sflag:s17], $0x4000  }
0x92: {  	[sflag:s17] =	ssyncset.done $0x0  }
0x93: {  	s30 =	simm.s32 $0x14100;
	[sflag:s17] =	ssyncadd.s32 $0xFFFFC000  }
0x94: {  	[tilespmem:s16], [sflag:$0x1] =	stream.indirect.gather [hbm4b:s0+s20], $0x80, s30, s20, $0xb8;
	[tilespmem:$0x1E800] =	vst v63  }
0x95: {  	_ =	swait.ge [sflag:s23], $0x4000  }
0x96: {  	[sflag:s23] =	ssyncset.done $0x0  }
0x97: {  	s31 =	simm.s32 $0x15480;
	[sflag:s23] =	ssyncadd.s32 $0xFFFFC000  }
0x98: {  	[spmem:s3] =	stream.indirect.scatter.add.f32 [tilespmem:s21], [sflag:$0x3], $0x80, s31, s20, $0xb8;
	[tilespmem:$0x1E800] =	vst v63  }
0x99: {  	_ =	swait.ge [sflag:s17], $0x4000  }
0x9a: {  	s29 =	simm.s32 $0x800;
	s28 =	simm.s32 $0x100;
	[sflag:s17] =	ssyncset.done $0x0  }
.LBB2_6:
0x9b: {  	s1 =	sadd.s32 $0x14080, s28  }
0x9c: {  	[sflag:s17] =	ssyncadd.s32 $0xFFFFC000;
	s30 =	smov.u32 s29;
	s31 =	sadd.s32 $0x400, s29  }
0x9d: {  	[tilespmem:s21], [sflag:$0x2] =	stream.indirect.gather [hbm4b:s0+s20], $0x80, s1, s20, $0xb8;
	[tilespmem:$0x1E800] =	vst v63  }
0x9e: {  	p0 =	sne.s32 s29, $0x4800;
	_ =	swait.ge [sflag:s22], $0x4000  }
0x9f: {  	[sflag:s22] =	ssyncset.done $0x0  }
0xa0: {  	s1 =	sadd.s32 $0x15400, s28;
	[sflag:s22] =	ssyncadd.s32 $0xFFFFC000  }
0xa1: {  	[spmem:s3] =	stream.indirect.scatter.add.f32 [tilespmem:s16], [sflag:$0x3], $0x80, s1, s20, $0xb8;
	[tilespmem:$0x1E800] =	vst v63  }
0xa2: {  	_ =	swait.ge [sflag:s17], $0x4000  }
0xa3: {  	[sflag:s17] =	ssyncset.done $0x0  }
0xa4: {  	s1 =	sadd.s32 $0x14100, s28;
	[sflag:s17] =	ssyncadd.s32 $0xFFFFC000  }
0xa5: {  	[tilespmem:s16], [sflag:$0x1] =	stream.indirect.gather [hbm4b:s0+s20], $0x80, s1, s20, $0xb8;
	[tilespmem:$0x1E800] =	vst v63  }
0xa6: {  	_ =	swait.ge [sflag:s23], $0x4000  }
.Ltmp2:
0xa7: {  	[sflag:s23] =	ssyncset.done $0x0;
	(pc) =	sbr.rel @p0 .LBB2_6-.Ltmp2, $4  }
0xa8: {  	s1 =	sadd.s32 $0x15480, s28;
	[sflag:s23] =	ssyncadd.s32 $0xFFFFC000  }
0xa9: {  	[spmem:s3] =	stream.indirect.scatter.add.f32 [tilespmem:s21], [sflag:$0x3], $0x80, s1, s20, $0xb8;
	[tilespmem:$0x1E800] =	vst v63  }
0xaa: {  	_ =	swait.ge [sflag:s17], $0x4000  }
0xab: {  	s29 =	smov.u32 s31;
	s28 =	sshra.s32 s30, $0x2;
	[sflag:s17] =	ssyncset.done $0x0  }
0xac: {  	s1 =	sadd.s32 $0x14080, s28;
	[sflag:s17] =	ssyncadd.s32 $0xFFFFC000  }
0xad: {  	[tilespmem:s21], [sflag:$0x2] =	stream.indirect.gather [hbm4b:s0+s20], $0x80, s1, s20, $0xb8;
	[tilespmem:$0x1E800] =	vst v63  }
0xae: {  	_ =	swait.ge [sflag:s22], $0x4000  }
0xaf: {  	[sflag:s22] =	ssyncset.done $0x0  }
0xb0: {  	s30 =	sadd.s32 $0x15400, s28;
	[sflag:s22] =	ssyncadd.s32 $0xFFFFC000  }
0xb1: {  	[spmem:s3] =	stream.indirect.scatter.add.f32 [tilespmem:s16], [sflag:$0x3], $0x80, s30, s20, $0xb8;
	[tilespmem:$0x1E800] =	vst v63  }
0xb2: {  	_ =	swait.ge [sflag:s17], $0x4000  }
0xb3: {  	[sflag:s17] =	ssyncset.done $0x0  }
0xb4: {  	s31 =	sadd.s32 $0x14100, s28;
	[sflag:s17] =	ssyncadd.s32 $0xFFFFC000  }
0xb5: {  	[tilespmem:s16], [sflag:$0x1] =	stream.indirect.gather [hbm4b:s0+s20], $0x80, s31, s20, $0xb8;
	[tilespmem:$0x1E800] =	vst v63  }
0xb6: {  	_ =	swait.ge [sflag:s23], $0x4000  }
0xb7: {  	[sflag:s23] =	ssyncset.done $0x0  }
0xb8: {  	s29 =	sadd.s32 $0x15480, s28;
	[sflag:s23] =	ssyncadd.s32 $0xFFFFC000  }
0xb9: {  	[spmem:s3] =	stream.indirect.scatter.add.f32 [tilespmem:s21], [sflag:$0x3], $0x80, s29, s20, $0xb8;
	[tilespmem:$0x1E800] =	vst v63  }
0xba: {  	_ =	swait.ge [sflag:s17], $0x4000  }
0xbb: {  	[sflag:s17] =	ssyncset.done $0x0  }
0xbc: {  	[sflag:s17] =	ssyncadd.s32 $0xFFFFC000  }
0xbd: {  	[tilespmem:s21], [sflag:$0x2] =	stream.indirect.gather [hbm4b:s0+s20], $0x80, s24, s20, $0xb8;
	[tilespmem:$0x1E800] =	vst v63  }
0xbe: {  	_ =	swait.ge [sflag:s22], $0x4000  }
0xbf: {  	[sflag:s22] =	ssyncset.done $0x0  }
0xc0: {  	[sflag:s22] =	ssyncadd.s32 $0xFFFFC000  }
0xc1: {  	[spmem:s3] =	stream.indirect.scatter.add.f32 [tilespmem:s16], [sflag:$0x3], $0x80, s25, s20, $0xb8;
	[tilespmem:$0x1E800] =	vst v63  }
0xc2: {  	_ =	swait.ge [sflag:s17], $0x4000  }
0xc3: {  	[sflag:s17] =	ssyncset.done $0x0  }
0xc4: {  	[sflag:s17] =	ssyncadd.s32 $0xFFFFC000  }
0xc5: {  	_ =	swait.ge [sflag:s23], $0x4000  }
0xc6: {  	[sflag:s23] =	ssyncset.done $0x0  }
0xc7: {  	[sflag:s23] =	ssyncadd.s32 $0xFFFFC000  }
0xc8: {  	[spmem:s3] =	stream.indirect.scatter.add.f32 [tilespmem:s21], [sflag:$0x3], $0x80, s26, s20, $0xb8;
	[tilespmem:$0x1E800] =	vst v63  }
0xc9: {  	_ =	swait.ge [sflag:s17], $0x4000  }
0xca: {  	s4 =	sadd.s32 $0x1, s4;
	s30 =	sshll.u32 s2, $0x6;
	[sflag:s17] =	ssyncset.done $0x0  }
0xcb: {  	p0 =	sne.s32 s4, s15;
	s1 =	sor.u32 $0x1C03, s30;
	[sflag:s17] =	ssyncadd.s32 $0xFFFFC000  }
.Ltmp3:
0xcc: {  	s31 =	sshrl.u32 s5, $0x3;
	[bflag:$0x0] =	sbarrier.arrive $0xFFFF;
	(pc) =	sbr.rel @p0 .LBB2_1-.Ltmp3, $4  }
0xcd: {  	[hbm:s14], [sflag:s1] =	dma.local [spmem:s31], $0x2800  }
0xce: {  	_ =	swait.ge [sflag:s17], $0x2800  }
0xcf: {  	[sflag:s17] =	ssyncset.done $0x0  }
0xd0: {  	[sflag:s17] =	ssyncadd.s32 $0xFFFFD800  }
0xd1: {  	_ =	sfence.sel $0x180000  }
0xd2: {  	[bflag:$0x0] =	sbarrier.arrive $0xFFFF  }
0xd3: {  	_ =	strace $0x90000047  }
0xd4: {  	[bflag:$0x2] =	sbarrier.arrive $0xFFFF  }
0xd5: {  	p0 =	sne.s32 s2, $0x0;
	s0 =	rddreg [dreg:$0x3]  }
0xd6: {  	s0 =	sadd.s32 @!p0 $0x100000, s0  }
0xd7: {  	[sflag:s0] =	ssyncadd.tile.s32 @!p0 $0x1;
	_ =	shalt  }
.Lfunc_end2:
_tile_overlayer_lowered:
.L_overlay_start_2:
0xd8: {  	(tag) =	ssettag $0x2  }
0xd9: {  	s0 =	rddreg [dreg:$0x0];
	s2 =	stileid.u32  }
0xda: {  	s1 =	rddreg [dreg:$0x1];
	p0 =	sne.s32 s2, $0x0  }
0xdb: {  	s3 =	rddreg [dreg:$0x2];
	[bflag:$0x3] =	sbarrier.arrive $0xFFFF;
	s2 =	simm.s32 @!p0 $0x1C03  }
0xdc: {  	[timem:s3], [sflag:s2] =	dma.local @!p0 [hbm:s0], s1  }
0xdd: {  	s0 =	simm.s32 @!p0 $0x3  }
0xde: {  	_ =	swait.ge @!p0 [sflag:s0], s1  }
0xdf: {  	s1 =	ssub.s32 @!p0 $0x0, s1;
	[sflag:s0] =	ssyncset.done @!p0 $0x0  }
0xe0: {  	[sflag:s0] =	ssyncadd.s32 @!p0 s1  }
0xe1: {  	[bflag:$0x3] =	sbarrier.arrive $0xFFFF  }
0xe2: {  	_ =	shalt  }

</sc_bundles>
